<compile_context>
chip_gen: v7x
topology: tpu7x:2x2x1
jax: 0.10.2.dev20260603
libtpu: 0.0.44.dev20260713+nightly
codegen_flags: <defaults>
</compile_context>

<pallas_src>
import functools

import jax
import jax.numpy as jnp
from jax import lax
from jax.experimental import pallas as pl
from jax.experimental.pallas import tpu as pltpu
from jax.experimental.pallas import tpu_sc as plsc

_N = 10000
_F = 256
_HID = 64
_R = 5
_E = 32000
_NT = 16
_NP = 10240
_ROWS_T = _NP // _NT
_ZCH = 64
_CH = 125
_NCH = (_E // _NT) // _CH
_NBUF = 2
_BLK = 2000


def _proj_body(fv_ref, fu_ref, w_ref, o_ref):
    w = w_ref[0]
    o_ref[:, 0:_HID] = jnp.dot(fv_ref[...], w, preferred_element_type=jnp.float32)
    o_ref[:, _HID:2 * _HID] = jnp.dot(fu_ref[...], w, preferred_element_type=jnp.float32)


_proj_call = pl.pallas_call(
    _proj_body,
    grid=(_N // _BLK, _R),
    in_specs=[
        pl.BlockSpec((_BLK, _F), lambda b, r: (b, 0)),
        pl.BlockSpec((_BLK, _F), lambda b, r: (b, 0)),
        pl.BlockSpec((1, _F, _HID), lambda b, r: (r, 0, 0)),
    ],
    out_specs=pl.BlockSpec((_BLK, 2 * _HID), lambda b, r: (r * (_N // _BLK) + b, 0)),
    out_shape=jax.ShapeDtypeStruct((_R * _N, 2 * _HID), jnp.float32),
)


def _final_body(h_ref, sfu_ref, sfv_ref, ws_ref, bu_ref, bv_ref,
                wcu_ref, wcv_ref, eu_ref, ev_ref):
    ws = ws_ref[...]
    su = jnp.maximum(
        jnp.dot(sfu_ref[...], ws, preferred_element_type=jnp.float32) + bu_ref[...], 0.0)
    sv = jnp.maximum(
        jnp.dot(sfv_ref[...], ws, preferred_element_type=jnp.float32) + bv_ref[...], 0.0)
    accu = jnp.dot(su, wcu_ref[_R * _HID:, :], preferred_element_type=jnp.float32)
    accv = jnp.dot(sv, wcv_ref[_R * _HID:, :], preferred_element_type=jnp.float32)
    for r in range(_R):
        hu = jnp.maximum(h_ref[0, r][:, 0:_HID], 0.0)
        hv = jnp.maximum(h_ref[1, r][:, _HID:2 * _HID], 0.0)
        accu = accu + jnp.dot(hu, wcu_ref[r * _HID:(r + 1) * _HID, :],
                              preferred_element_type=jnp.float32)
        accv = accv + jnp.dot(hv, wcv_ref[r * _HID:(r + 1) * _HID, :],
                              preferred_element_type=jnp.float32)
    eu_ref[...] = jnp.maximum(accu, 0.0)
    ev_ref[...] = jnp.maximum(accv, 0.0)


_final_call = pl.pallas_call(
    _final_body,
    grid=(_N // _BLK,),
    in_specs=[
        pl.BlockSpec((2, _R, _BLK, 2 * _HID), lambda b: (0, 0, b, 0)),

        pl.BlockSpec((_BLK, 128), lambda b: (b, 0)),
        pl.BlockSpec((_BLK, 128), lambda b: (b, 0)),
        pl.BlockSpec((128, _HID), lambda b: (0, 0)),
        pl.BlockSpec((1, _HID), lambda b: (0, 0)),
        pl.BlockSpec((1, _HID), lambda b: (0, 0)),
        pl.BlockSpec((_R * _HID + _HID, _HID), lambda b: (0, 0)),
        pl.BlockSpec((_R * _HID + _HID, _HID), lambda b: (0, 0)),
    ],
    out_specs=[
        pl.BlockSpec((_BLK, _HID), lambda b: (b, 0)),
        pl.BlockSpec((_BLK, _HID), lambda b: (b, 0)),
    ],
    out_shape=[
        jax.ShapeDtypeStruct((_N, _HID), jnp.float32),
        jax.ShapeDtypeStruct((_N, _HID), jnp.float32),
    ],
)


_sc_mesh = plsc.VectorSubcoreMesh(core_axis_name="c", subcore_axis_name="s")


@functools.partial(
    pl.kernel,
    mesh=_sc_mesh,
    out_type=jax.ShapeDtypeStruct((2, _R, _NP, 2 * _HID), jnp.float32),
    scratch_types=[
        pltpu.VMEM((_NCH, _CH), jnp.int32),
        pltpu.VMEM((_NCH, _CH), jnp.int32),
        pltpu.VMEM((_CH, 2 * _HID), jnp.float32),
        pltpu.VMEM((_CH, 2 * _HID), jnp.float32),
        pltpu.VMEM((_ZCH, 2 * _HID), jnp.float32),
        pltpu.VMEM_SHARED((_NP, 2 * _HID), jnp.float32),
        pltpu.SemaphoreType.DMA,
        pltpu.SemaphoreType.DMA,
        pltpu.SemaphoreType.DMA,
    ],
)
def _sc_aggregate(proj, src_idx, dst_idx, out,
                  idx_s, idx_d, buf0, buf1, zeros, acc,
                  gsem0, gsem1, psem):
    sid = lax.axis_index("s")
    cid = lax.axis_index("c")

    def _zbody(i, carry):
        for j in range(2 * _HID // 16):
            zeros[i, pl.ds(j * 16, 16)] = jnp.zeros((16,), jnp.float32)
        return carry
    lax.fori_loop(0, _ZCH, _zbody, 0)

    def _run(dirn):
        bufs = (buf0, buf1)
        gsems = (gsem0, gsem1)

        def _job(r, carry):
            pltpu.sync_copy(src_idx.at[dirn, r, sid], idx_s)
            pltpu.sync_copy(dst_idx.at[dirn, r, sid], idx_d)
            cps = [pltpu.async_copy(proj.at[idx_s.at[b]], bufs[b], gsems[b])
                   for b in range(_NBUF)]

            @pl.when(r > 0)
            def _():
                pltpu.make_async_copy(
                    out.at[dirn, 0, pl.ds(sid * _ROWS_T, _ROWS_T)],
                    acc.at[pl.ds(sid * _ROWS_T, _ROWS_T)], psem).wait()

            for q in range(_ROWS_T // _ZCH):
                pltpu.sync_copy(zeros, acc.at[pl.ds(sid * _ROWS_T + q * _ZCH, _ZCH)])
            plsc.subcore_barrier()
            for ch in range(_NCH):
                nx = ch + 1
                if _NBUF <= nx < _NCH:
                    cps[nx % _NBUF] = pltpu.async_copy(
                        proj.at[idx_s.at[nx]], bufs[nx % _NBUF],
                        gsems[nx % _NBUF])
                cps[ch % _NBUF].wait()
                pltpu.sync_copy(bufs[ch % _NBUF], acc.at[idx_d.at[ch]], add=True)
            plsc.subcore_barrier()
            pltpu.async_copy(acc.at[pl.ds(sid * _ROWS_T, _ROWS_T)],
                             out.at[dirn, r, pl.ds(sid * _ROWS_T, _ROWS_T)], psem)
            return carry

        lax.fori_loop(0, _R, _job, 0)
        pltpu.make_async_copy(
            out.at[dirn, 0, pl.ds(sid * _ROWS_T, _ROWS_T)],
            acc.at[pl.ds(sid * _ROWS_T, _ROWS_T)], psem).wait()

    @pl.when(cid == 0)
    def _():
        _run(0)

    @pl.when(cid == 1)
    def _():
        _run(1)


def kernel(feature_u, feature_v, edge_rows, edge_cols, side_feature_u,
           side_feature_v, W, W_side, bias_u, bias_v, W_cat_u, W_cat_v):
    er = edge_rows.astype(jnp.int32)
    ec = edge_cols.astype(jnp.int32)
    off = (jnp.arange(_R, dtype=jnp.int32) * _N)[:, None]
    src = jnp.stack([ec + off, er + off]).reshape(2, _R, _NT, _NCH, _CH)
    dst = jnp.stack([er, ec]).reshape(2, _R, _NT, _NCH, _CH)

    proj = _proj_call(feature_v, feature_u, W)
    h_raw = _sc_aggregate(proj, src, dst)
    eu, ev = _final_call(h_raw, side_feature_u, side_feature_v, W_side,
                         bias_u.reshape(1, _HID), bias_v.reshape(1, _HID),
                         W_cat_u, W_cat_v)
    return eu, ev

# --- scband reference (transcript-rebuilt; emitter-appended) ---
"""Pipeline reference for scband-gcmc-17798344475012 (READ-ONLY COPY).

The authoritative reference and input builder live on the scoring server;
editing this copy changes nothing except your own understanding.
"""

import jax, jax.numpy as jnp
import numpy as np

N_U = 10000
N_V = 10000
FEATURE_DIM = 256
HIDDEN_DIM = 64
SIDE_FEATURE_DIM = 128
SIDE_HIDDEN_DIM = 64
RATE_NUM = 5
OUT_DIM = 64
E_PER_RATE = 32000


def setup_inputs(seed: int = 0) -> dict:
    key = jax.random.key(seed)
    ks = jax.random.split(key, 12)
    feature_u = jax.random.normal(ks[0], (N_U, FEATURE_DIM), dtype=jnp.float32)
    feature_v = jax.random.normal(ks[1], (N_V, FEATURE_DIM), dtype=jnp.float32)
    edge_rows = jax.random.randint(ks[2], (RATE_NUM, E_PER_RATE), 0, N_U, dtype=jnp.int64)
    edge_cols = jax.random.randint(ks[3], (RATE_NUM, E_PER_RATE), 0, N_V, dtype=jnp.int64)
    side_feature_u = jax.random.normal(ks[4], (N_U, SIDE_FEATURE_DIM), dtype=jnp.float32)
    side_feature_v = jax.random.normal(ks[5], (N_V, SIDE_FEATURE_DIM), dtype=jnp.float32)
    # learned parameters
    W = jax.random.normal(ks[6], (RATE_NUM, FEATURE_DIM, HIDDEN_DIM), dtype=jnp.float32) * 0.05
    W_side = jax.random.normal(ks[7], (SIDE_FEATURE_DIM, SIDE_HIDDEN_DIM), dtype=jnp.float32) * 0.05
    bias_u = jax.random.normal(ks[8], (SIDE_HIDDEN_DIM,), dtype=jnp.float32)
    bias_v = jax.random.normal(ks[9], (SIDE_HIDDEN_DIM,), dtype=jnp.float32)
    cat_dim = RATE_NUM * HIDDEN_DIM + SIDE_HIDDEN_DIM
    W_cat_u = jax.random.normal(ks[10], (cat_dim, OUT_DIM), dtype=jnp.float32) * 0.05
    W_cat_v = jax.random.normal(ks[11], (cat_dim, OUT_DIM), dtype=jnp.float32) * 0.05
    return {"feature_u": feature_u, "feature_v": feature_v, "edge_rows": edge_rows,
            "edge_cols": edge_cols, "side_feature_u": side_feature_u, "side_feature_v": side_feature_v,
            "W": W, "W_side": W_side, "bias_u": bias_u, "bias_v": bias_v,
            "W_cat_u": W_cat_u, "W_cat_v": W_cat_v}


def reference(feature_u, feature_v, edge_rows, edge_cols, side_feature_u, side_feature_v,
              W, W_side, bias_u, bias_v, W_cat_u, W_cat_v):
    rate_num = W.shape[0]
    n_u = feature_u.shape[0]
    n_v = feature_v.shape[0]
    hidden_feature_u = []
    hidden_feature_v = []
    for r in range(rate_num):
        Wr = W[r]
        rows = edge_rows[r]
        cols = edge_cols[r]
        # hidden_u = ReLU(M @ (feature_v @ Wr))  -> scatter-add over edges (rows <- cols)
        hv_proj = feature_v @ Wr  # [n_v, hidden]
        hidden_u = jax.nn.relu(jax.ops.segment_sum(jnp.take(hv_proj, cols, axis=0), rows, num_segments=n_u))
        # hidden_v = ReLU(M.T @ (feature_u @ Wr)) -> scatter-add over edges (cols <- rows)
        hu_proj = feature_u @ Wr  # [n_u, hidden]
        hidden_v = jax.nn.relu(jax.ops.segment_sum(jnp.take(hu_proj, rows, axis=0), cols, num_segments=n_v))
        hidden_feature_u.append(hidden_u)
        hidden_feature_v.append(hidden_v)
    h_u = jnp.concatenate(hidden_feature_u, axis=1)  # [n_u, rate_num*hidden]
    h_v = jnp.concatenate(hidden_feature_v, axis=1)  # [n_v, rate_num*hidden]
    side_u = jax.nn.relu(side_feature_u @ W_side + bias_u)
    side_v = jax.nn.relu(side_feature_v @ W_side + bias_v)
    cat_u = jnp.concatenate([h_u, side_u], axis=1)
    cat_v = jnp.concatenate([h_v, side_v], axis=1)
    embed_u = jax.nn.relu(cat_u @ W_cat_u)
    embed_v = jax.nn.relu(cat_v @ W_cat_v)
    return embed_u, embed_v

if __name__ == "__main__":
    import jax
    _d = setup_inputs()
    print(jax.jit(kernel)(*tuple(_d.values())))

</pallas_src>

<mosaic_0001>
#map = affine_map<(d0, d1) -> (0, 0)>
#map1 = affine_map<(d0, d1) -> (0, 0, 0, 0, 0)>
#map2 = affine_map<(d0, d1) -> (0, 0, 0, 0)>
module attributes {stable_mosaic.version = 14 : i64} {
  func.func @_sc_aggregate(%arg0: i32, %arg1: i32, %arg2: memref<50000x128xf32, #tpu.memory_space<hbm>>, %arg3: memref<2x5x16x16x125xi32, #tpu.memory_space<hbm>>, %arg4: memref<2x5x16x16x125xi32, #tpu.memory_space<hbm>>, %arg5: memref<2x5x10240x128xf32, #tpu.memory_space<hbm>>, %arg6: memref<16x125xi32, #tpu.memory_space<vmem>>, %arg7: memref<16x125xi32, #tpu.memory_space<vmem>>, %arg8: memref<125x128xf32, #tpu.memory_space<vmem>>, %arg9: memref<125x128xf32, #tpu.memory_space<vmem>>, %arg10: memref<64x128xf32, #tpu.memory_space<vmem>>, %arg11: memref<10240x128xf32, #tpu.memory_space<vmem_shared>>, %arg12: memref<!tpu.dma_semaphore, #tpu.memory_space<semaphore_mem>>, %arg13: memref<!tpu.dma_semaphore, #tpu.memory_space<semaphore_mem>>, %arg14: memref<!tpu.dma_semaphore, #tpu.memory_space<semaphore_mem>>) attributes {dimension_semantics = [#tpu.dimension_semantics<core_parallel>, #tpu.dimension_semantics<subcore_parallel>], iteration_bounds = array<i64: 2, 16>, scalar_prefetch = 0 : i64, scratch_operands = 9 : i64, tpu.core_type = #tpu.core_type<sc_vector_subcore>, window_params = [{transform_indices = #map}, {transform_indices = #map1}, {transform_indices = #map1}, {transform_indices = #map2}]} {
    %scan3A = arith.constant 0 : i32
    %scan3A_0 = arith.constant 0 : i32
    %scan3A_1 = arith.constant 64 : i32
    %scan3A_2 = arith.addi %scan3A_0, %scan3A_1 : i32
    %scan3A_3 = arith.constant 1 : i32
    scf.for %scan3A_12 = %scan3A_0 to %scan3A_2 step %scan3A_3  : i32 {
      %broadcast_in_dim3A = arith.constant 0.000000e+00 : f32
      %broadcast_in_dim3A_13 = vector.broadcast %broadcast_in_dim3A : f32 to vector<16xf32>
      %swap3A = arith.index_cast %scan3A_12 : i32 to index
      %swap3A_14 = arith.constant 0 : index
      %swap3A_15 = tpu.vector_load %arg10[%swap3A, %swap3A_14] {strides = array<i32>} : memref<64x128xf32, #tpu.memory_space<vmem>>, vector<1x16xf32>,
      %swap3A_16 = vector.shape_cast %swap3A_15 : vector<1x16xf32> to vector<16xf32>
      %swap3A_17 = vector.shape_cast %broadcast_in_dim3A_13 : vector<16xf32> to vector<1x16xf32>
      tpu.vector_store %arg10[%swap3A, %swap3A_14], %swap3A_17 {strides = array<i32>} : memref<64x128xf32, #tpu.memory_space<vmem>>, vector<1x16xf32>,
      %broadcast_in_dim3A_18 = arith.constant 0.000000e+00 : f32
      %broadcast_in_dim3A_19 = vector.broadcast %broadcast_in_dim3A_18 : f32 to vector<16xf32>
      %swap3A_20 = arith.index_cast %scan3A_12 : i32 to index
      %swap3A_21 = arith.constant 16 : index
      %swap3A_22 = tpu.vector_load %arg10[%swap3A_20, %swap3A_21] {strides = array<i32>} : memref<64x128xf32, #tpu.memory_space<vmem>>, vector<1x16xf32>,
      %swap3A_23 = vector.shape_cast %swap3A_22 : vector<1x16xf32> to vector<16xf32>
      %swap3A_24 = vector.shape_cast %broadcast_in_dim3A_19 : vector<16xf32> to vector<1x16xf32>
      tpu.vector_store %arg10[%swap3A_20, %swap3A_21], %swap3A_24 {strides = array<i32>} : memref<64x128xf32, #tpu.memory_space<vmem>>, vector<1x16xf32>,
      %broadcast_in_dim3A_25 = arith.constant 0.000000e+00 : f32
      %broadcast_in_dim3A_26 = vector.broadcast %broadcast_in_dim3A_25 : f32 to vector<16xf32>
      %swap3A_27 = arith.index_cast %scan3A_12 : i32 to index
      %swap3A_28 = arith.constant 32 : index
      %swap3A_29 = tpu.vector_load %arg10[%swap3A_27, %swap3A_28] {strides = array<i32>} : memref<64x128xf32, #tpu.memory_space<vmem>>, vector<1x16xf32>,
      %swap3A_30 = vector.shape_cast %swap3A_29 : vector<1x16xf32> to vector<16xf32>
      %swap3A_31 = vector.shape_cast %broadcast_in_dim3A_26 : vector<16xf32> to vector<1x16xf32>
      tpu.vector_store %arg10[%swap3A_27, %swap3A_28], %swap3A_31 {strides = array<i32>} : memref<64x128xf32, #tpu.memory_space<vmem>>, vector<1x16xf32>,
      %broadcast_in_dim3A_32 = arith.constant 0.000000e+00 : f32
      %broadcast_in_dim3A_33 = vector.broadcast %broadcast_in_dim3A_32 : f32 to vector<16xf32>
      %swap3A_34 = arith.index_cast %scan3A_12 : i32 to index
      %swap3A_35 = arith.constant 48 : index
      %swap3A_36 = tpu.vector_load %arg10[%swap3A_34, %swap3A_35] {strides = array<i32>} : memref<64x128xf32, #tpu.memory_space<vmem>>, vector<1x16xf32>,
      %swap3A_37 = vector.shape_cast %swap3A_36 : vector<1x16xf32> to vector<16xf32>
      %swap3A_38 = vector.shape_cast %broadcast_in_dim3A_33 : vector<16xf32> to vector<1x16xf32>
      tpu.vector_store %arg10[%swap3A_34, %swap3A_35], %swap3A_38 {strides = array<i32>} : memref<64x128xf32, #tpu.memory_space<vmem>>, vector<1x16xf32>,
      %broadcast_in_dim3A_39 = arith.constant 0.000000e+00 : f32
      %broadcast_in_dim3A_40 = vector.broadcast %broadcast_in_dim3A_39 : f32 to vector<16xf32>
      %swap3A_41 = arith.index_cast %scan3A_12 : i32 to index
      %swap3A_42 = arith.constant 64 : index
      %swap3A_43 = tpu.vector_load %arg10[%swap3A_41, %swap3A_42] {strides = array<i32>} : memref<64x128xf32, #tpu.memory_space<vmem>>, vector<1x16xf32>,
      %swap3A_44 = vector.shape_cast %swap3A_43 : vector<1x16xf32> to vector<16xf32>
      %swap3A_45 = vector.shape_cast %broadcast_in_dim3A_40 : vector<16xf32> to vector<1x16xf32>
      tpu.vector_store %arg10[%swap3A_41, %swap3A_42], %swap3A_45 {strides = array<i32>} : memref<64x128xf32, #tpu.memory_space<vmem>>, vector<1x16xf32>,
      %broadcast_in_dim3A_46 = arith.constant 0.000000e+00 : f32
      %broadcast_in_dim3A_47 = vector.broadcast %broadcast_in_dim3A_46 : f32 to vector<16xf32>
      %swap3A_48 = arith.index_cast %scan3A_12 : i32 to index
      %swap3A_49 = arith.constant 80 : index
      %swap3A_50 = tpu.vector_load %arg10[%swap3A_48, %swap3A_49] {strides = array<i32>} : memref<64x128xf32, #tpu.memory_space<vmem>>, vector<1x16xf32>,
      %swap3A_51 = vector.shape_cast %swap3A_50 : vector<1x16xf32> to vector<16xf32>
      %swap3A_52 = vector.shape_cast %broadcast_in_dim3A_47 : vector<16xf32> to vector<1x16xf32>
      tpu.vector_store %arg10[%swap3A_48, %swap3A_49], %swap3A_52 {strides = array<i32>} : memref<64x128xf32, #tpu.memory_space<vmem>>, vector<1x16xf32>,
      %broadcast_in_dim3A_53 = arith.constant 0.000000e+00 : f32
      %broadcast_in_dim3A_54 = vector.broadcast %broadcast_in_dim3A_53 : f32 to vector<16xf32>
      %swap3A_55 = arith.index_cast %scan3A_12 : i32 to index
      %swap3A_56 = arith.constant 96 : index
      %swap3A_57 = tpu.vector_load %arg10[%swap3A_55, %swap3A_56] {strides = array<i32>} : memref<64x128xf32, #tpu.memory_space<vmem>>, vector<1x16xf32>,
      %swap3A_58 = vector.shape_cast %swap3A_57 : vector<1x16xf32> to vector<16xf32>
      %swap3A_59 = vector.shape_cast %broadcast_in_dim3A_54 : vector<16xf32> to vector<1x16xf32>
      tpu.vector_store %arg10[%swap3A_55, %swap3A_56], %swap3A_59 {strides = array<i32>} : memref<64x128xf32, #tpu.memory_space<vmem>>, vector<1x16xf32>,
      %broadcast_in_dim3A_60 = arith.constant 0.000000e+00 : f32
      %broadcast_in_dim3A_61 = vector.broadcast %broadcast_in_dim3A_60 : f32 to vector<16xf32>
      %swap3A_62 = arith.index_cast %scan3A_12 : i32 to index
      %swap3A_63 = arith.constant 112 : index
      %swap3A_64 = tpu.vector_load %arg10[%swap3A_62, %swap3A_63] {strides = array<i32>} : memref<64x128xf32, #tpu.memory_space<vmem>>, vector<1x16xf32>,
      %swap3A_65 = vector.shape_cast %swap3A_64 : vector<1x16xf32> to vector<16xf32>
      %swap3A_66 = vector.shape_cast %broadcast_in_dim3A_61 : vector<16xf32> to vector<1x16xf32>
      tpu.vector_store %arg10[%swap3A_62, %swap3A_63], %swap3A_66 {strides = array<i32>} : memref<64x128xf32, #tpu.memory_space<vmem>>, vector<1x16xf32>,
    }
    %scan3A_4 = arith.constant 64 : i32
    %eq3A = arith.constant 0 : i32
    %eq3A_5 = arith.cmpi eq, %arg0, %eq3A : i32
    %convert_element_type3A = arith.extui %eq3A_5 : i1 to i32
    %cond3A = arith.constant 0 : i32
    %cond3A_6 = arith.cmpi ne, %convert_element_type3A, %cond3A : i32
    scf.if %cond3A_6 {
      %scan3A_12 = arith.constant 0 : i32
      %scan3A_13 = arith.constant 0 : i32
      %scan3A_14 = arith.constant 5 : i32
      %scan3A_15 = arith.addi %scan3A_13, %scan3A_14 : i32
      %scan3A_16 = arith.constant 1 : i32
      scf.for %scan3A_27 = %scan3A_13 to %scan3A_15 step %scan3A_16  : i32 {
        %run_scoped3A = arith.constant 0 : i32
        "tpu.region"() ({
          %run_scoped3A_322 = tpu.sem_alloc : memref<!tpu.dma_semaphore, #tpu.memory_space<semaphore_mem>>
          %dma_start3A_323 = arith.constant 0 : i32
          %dma_start3A_324 = arith.constant 0 : i32
          %dma_start3A_325 = tpu.memref_slice %arg3[%run_scoped3A, %scan3A_27, %arg1, %dma_start3A_323, %dma_start3A_324] : memref<2x5x16x16x125xi32, #tpu.memory_space<hbm>> -> memref<1x1x1x16x125xi32, #tpu.memory_space<hbm>>
          %dma_start3A_326 = tpu.memref_squeeze %dma_start3A_325 : memref<1x1x1x16x125xi32, #tpu.memory_space<hbm>> -> memref<16x125xi32, #tpu.memory_space<hbm>>
          %dma_start3A_327 = arith.constant 0 : i32
          %dma_start3A_328 = arith.constant 0 : i32
          %dma_start3A_329 = tpu.memref_slice %arg3[%run_scoped3A, %scan3A_27, %arg1, %dma_start3A_327, %dma_start3A_328] : memref<2x5x16x16x125xi32, #tpu.memory_space<hbm>> -> memref<1x1x1x16x125xi32, #tpu.memory_space<hbm>>
          %dma_start3A_330 = tpu.memref_squeeze %dma_start3A_329 : memref<1x1x1x16x125xi32, #tpu.memory_space<hbm>> -> memref<16x125xi32, #tpu.memory_space<hbm>>
          tpu.enqueue_dma source(%dma_start3A_330 : memref<16x125xi32, #tpu.memory_space<hbm>>) target(%arg6 : memref<16x125xi32, #tpu.memory_space<vmem>>) target_semaphore(%run_scoped3A_322 : memref<!tpu.dma_semaphore, #tpu.memory_space<semaphore_mem>>)
          %dma_wait3A_331 = arith.constant 0 : i32
          %dma_wait3A_332 = arith.constant 0 : i32
          %dma_wait3A_333 = tpu.memref_slice %arg3[%run_scoped3A, %scan3A_27, %arg1, %dma_wait3A_331, %dma_wait3A_332] : memref<2x5x16x16x125xi32, #tpu.memory_space<hbm>> -> memref<1x1x1x16x125xi32, #tpu.memory_space<hbm>>
          %dma_wait3A_334 = tpu.memref_squeeze %dma_wait3A_333 : memref<1x1x1x16x125xi32, #tpu.memory_space<hbm>> -> memref<16x125xi32, #tpu.memory_space<hbm>>
          %dma_wait3A_335 = arith.constant 0 : i32
          %dma_wait3A_336 = arith.constant 0 : i32
          %dma_wait3A_337 = tpu.memref_slice %arg3[%run_scoped3A, %scan3A_27, %arg1, %dma_wait3A_335, %dma_wait3A_336] : memref<2x5x16x16x125xi32, #tpu.memory_space<hbm>> -> memref<1x1x1x16x125xi32, #tpu.memory_space<hbm>>
          %dma_wait3A_338 = tpu.memref_squeeze %dma_wait3A_337 : memref<1x1x1x16x125xi32, #tpu.memory_space<hbm>> -> memref<16x125xi32, #tpu.memory_space<hbm>>
          tpu.wait_dma2 semaphore(%run_scoped3A_322 : memref<!tpu.dma_semaphore, #tpu.memory_space<semaphore_mem>>) src(%dma_wait3A_338 : memref<16x125xi32, #tpu.memory_space<hbm>>) dst(%arg6 : memref<16x125xi32, #tpu.memory_space<vmem>>)
          tpu.yield
        }) : () -> ()
        %run_scoped3A_28 = arith.constant 0 : i32
        "tpu.region"() ({
          %run_scoped3A_322 = tpu.sem_alloc : memref<!tpu.dma_semaphore, #tpu.memory_space<semaphore_mem>>
          %dma_start3A_323 = arith.constant 0 : i32
          %dma_start3A_324 = arith.constant 0 : i32
          %dma_start3A_325 = tpu.memref_slice %arg4[%run_scoped3A_28, %scan3A_27, %arg1, %dma_start3A_323, %dma_start3A_324] : memref<2x5x16x16x125xi32, #tpu.memory_space<hbm>> -> memref<1x1x1x16x125xi32, #tpu.memory_space<hbm>>
          %dma_start3A_326 = tpu.memref_squeeze %dma_start3A_325 : memref<1x1x1x16x125xi32, #tpu.memory_space<hbm>> -> memref<16x125xi32, #tpu.memory_space<hbm>>
          %dma_start3A_327 = arith.constant 0 : i32
          %dma_start3A_328 = arith.constant 0 : i32
          %dma_start3A_329 = tpu.memref_slice %arg4[%run_scoped3A_28, %scan3A_27, %arg1, %dma_start3A_327, %dma_start3A_328] : memref<2x5x16x16x125xi32, #tpu.memory_space<hbm>> -> memref<1x1x1x16x125xi32, #tpu.memory_space<hbm>>
          %dma_start3A_330 = tpu.memref_squeeze %dma_start3A_329 : memref<1x1x1x16x125xi32, #tpu.memory_space<hbm>> -> memref<16x125xi32, #tpu.memory_space<hbm>>
          tpu.enqueue_dma source(%dma_start3A_330 : memref<16x125xi32, #tpu.memory_space<hbm>>) target(%arg7 : memref<16x125xi32, #tpu.memory_space<vmem>>) target_semaphore(%run_scoped3A_322 : memref<!tpu.dma_semaphore, #tpu.memory_space<semaphore_mem>>)
          %dma_wait3A_331 = arith.constant 0 : i32
          %dma_wait3A_332 = arith.constant 0 : i32
          %dma_wait3A_333 = tpu.memref_slice %arg4[%run_scoped3A_28, %scan3A_27, %arg1, %dma_wait3A_331, %dma_wait3A_332] : memref<2x5x16x16x125xi32, #tpu.memory_space<hbm>> -> memref<1x1x1x16x125xi32, #tpu.memory_space<hbm>>
          %dma_wait3A_334 = tpu.memref_squeeze %dma_wait3A_333 : memref<1x1x1x16x125xi32, #tpu.memory_space<hbm>> -> memref<16x125xi32, #tpu.memory_space<hbm>>
          %dma_wait3A_335 = arith.constant 0 : i32
          %dma_wait3A_336 = arith.constant 0 : i32
          %dma_wait3A_337 = tpu.memref_slice %arg4[%run_scoped3A_28, %scan3A_27, %arg1, %dma_wait3A_335, %dma_wait3A_336] : memref<2x5x16x16x125xi32, #tpu.memory_space<hbm>> -> memref<1x1x1x16x125xi32, #tpu.memory_space<hbm>>
          %dma_wait3A_338 = tpu.memref_squeeze %dma_wait3A_337 : memref<1x1x1x16x125xi32, #tpu.memory_space<hbm>> -> memref<16x125xi32, #tpu.memory_space<hbm>>
          tpu.wait_dma2 semaphore(%run_scoped3A_322 : memref<!tpu.dma_semaphore, #tpu.memory_space<semaphore_mem>>) src(%dma_wait3A_338 : memref<16x125xi32, #tpu.memory_space<hbm>>) dst(%arg7 : memref<16x125xi32, #tpu.memory_space<vmem>>)
          tpu.yield
        }) : () -> ()
        %dma_start3A = arith.constant 0 : i32
        %dma_start3A_29 = arith.constant 0 : i32
        %dma_start3A_30 = tpu.memref_slice %arg6[%dma_start3A, %dma_start3A_29] : memref<16x125xi32, #tpu.memory_space<vmem>> -> memref<1x125xi32, #tpu.memory_space<vmem>>
        %dma_start3A_31 = tpu.memref_squeeze %dma_start3A_30 : memref<1x125xi32, #tpu.memory_space<vmem>> -> memref<125xi32, #tpu.memory_space<vmem>>
        %dma_start3A_32 = arith.constant 0 : i32
        %dma_start3A_33 = arith.constant 0 : i32
        %dma_start3A_34 = tpu.memref_slice %arg2[%dma_start3A_32, %dma_start3A_33] : memref<50000x128xf32, #tpu.memory_space<hbm>> -> memref<50000x128xf32, #tpu.memory_space<hbm>>
        tpu.enqueue_indirect_dma source(%dma_start3A_34 : memref<50000x128xf32, #tpu.memory_space<hbm>>) target(%arg8 : memref<125x128xf32, #tpu.memory_space<vmem>>) offsets(%dma_start3A_31 : memref<125xi32, #tpu.memory_space<vmem>>) semaphore(%arg12 : memref<!tpu.dma_semaphore, #tpu.memory_space<semaphore_mem>>)
        %dma_start3A_35 = arith.constant 1 : i32
        %dma_start3A_36 = arith.constant 0 : i32
        %dma_start3A_37 = tpu.memref_slice %arg6[%dma_start3A_35, %dma_start3A_36] : memref<16x125xi32, #tpu.memory_space<vmem>> -> memref<1x125xi32, #tpu.memory_space<vmem>>
        %dma_start3A_38 = tpu.memref_squeeze %dma_start3A_37 : memref<1x125xi32, #tpu.memory_space<vmem>> -> memref<125xi32, #tpu.memory_space<vmem>>
        %dma_start3A_39 = arith.constant 0 : i32
        %dma_start3A_40 = arith.constant 0 : i32
        %dma_start3A_41 = tpu.memref_slice %arg2[%dma_start3A_39, %dma_start3A_40] : memref<50000x128xf32, #tpu.memory_space<hbm>> -> memref<50000x128xf32, #tpu.memory_space<hbm>>
        tpu.enqueue_indirect_dma source(%dma_start3A_41 : memref<50000x128xf32, #tpu.memory_space<hbm>>) target(%arg9 : memref<125x128xf32, #tpu.memory_space<vmem>>) offsets(%dma_start3A_38 : memref<125xi32, #tpu.memory_space<vmem>>) semaphore(%arg13 : memref<!tpu.dma_semaphore, #tpu.memory_space<semaphore_mem>>)
        %gt3A = arith.constant 0 : i32
        %gt3A_42 = arith.cmpi sgt, %scan3A_27, %gt3A : i32
        %convert_element_type3A_43 = arith.extui %gt3A_42 : i1 to i32
        %cond3A_44 = arith.constant 0 : i32
        %cond3A_45 = arith.cmpi ne, %convert_element_type3A_43, %cond3A_44 : i32
        scf.if %cond3A_45 {
          %mul3A_322 = arith.constant 640 : i32
          %mul3A_323 = arith.muli %arg1, %mul3A_322 : i32
          %mul3A_324 = arith.constant 640 : i32
          %mul3A_325 = arith.muli %arg1, %mul3A_324 : i32
          %dma_wait3A_326 = arith.constant 0 : i32
          %dma_wait3A_327 = arith.constant 0 : i32
          %dma_wait3A_328 = arith.constant 0 : i32
          %dma_wait3A_329 = tpu.memref_slice %arg11[%mul3A_325, %dma_wait3A_328] : memref<10240x128xf32, #tpu.memory_space<vmem_shared>> -> memref<640x128xf32, #tpu.memory_space<vmem_shared>>
          %dma_wait3A_330 = arith.constant 0 : i32
          %dma_wait3A_331 = tpu.memref_slice %arg5[%dma_wait3A_326, %dma_wait3A_327, %mul3A_323, %dma_wait3A_330] : memref<2x5x10240x128xf32, #tpu.memory_space<hbm>> -> memref<1x1x640x128xf32, #tpu.memory_space<hbm>>
          %dma_wait3A_332 = tpu.memref_squeeze %dma_wait3A_331 : memref<1x1x640x128xf32, #tpu.memory_space<hbm>> -> memref<640x128xf32, #tpu.memory_space<hbm>>
          tpu.wait_dma2 semaphore(%arg14 : memref<!tpu.dma_semaphore, #tpu.memory_space<semaphore_mem>>) src(%dma_wait3A_332 : memref<640x128xf32, #tpu.memory_space<hbm>>) dst(%dma_wait3A_329 : memref<640x128xf32, #tpu.memory_space<vmem_shared>>)
        } else {
        }
        %mul3A_46 = arith.constant 640 : i32
        %mul3A_47 = arith.muli %arg1, %mul3A_46 : i32
        %add3A = arith.constant 0 : i32
        %add3A_48 = arith.addi %mul3A_47, %add3A : i32
        "tpu.region"() ({
          %run_scoped3A_322 = tpu.sem_alloc : memref<!tpu.dma_semaphore, #tpu.memory_space<semaphore_mem>>
          %dma_start3A_323 = arith.constant 0 : i32
          %dma_start3A_324 = tpu.memref_slice %arg11[%add3A_48, %dma_start3A_323] : memref<10240x128xf32, #tpu.memory_space<vmem_shared>> -> memref<64x128xf32, #tpu.memory_space<vmem_shared>>
          %dma_start3A_325 = arith.constant 0 : i32
          %dma_start3A_326 = tpu.memref_slice %arg11[%add3A_48, %dma_start3A_325] : memref<10240x128xf32, #tpu.memory_space<vmem_shared>> -> memref<64x128xf32, #tpu.memory_space<vmem_shared>>
          tpu.enqueue_dma source(%arg10 : memref<64x128xf32, #tpu.memory_space<vmem>>) target(%dma_start3A_326 : memref<64x128xf32, #tpu.memory_space<vmem_shared>>) target_semaphore(%run_scoped3A_322 : memref<!tpu.dma_semaphore, #tpu.memory_space<semaphore_mem>>)
          %dma_wait3A_327 = arith.constant 0 : i32
          %dma_wait3A_328 = tpu.memref_slice %arg11[%add3A_48, %dma_wait3A_327] : memref<10240x128xf32, #tpu.memory_space<vmem_shared>> -> memref<64x128xf32, #tpu.memory_space<vmem_shared>>
          %dma_wait3A_329 = arith.constant 0 : i32
          %dma_wait3A_330 = tpu.memref_slice %arg11[%add3A_48, %dma_wait3A_329] : memref<10240x128xf32, #tpu.memory_space<vmem_shared>> -> memref<64x128xf32, #tpu.memory_space<vmem_shared>>
          tpu.wait_dma2 semaphore(%run_scoped3A_322 : memref<!tpu.dma_semaphore, #tpu.memory_space<semaphore_mem>>) src(%arg10 : memref<64x128xf32, #tpu.memory_space<vmem>>) dst(%dma_wait3A_330 : memref<64x128xf32, #tpu.memory_space<vmem_shared>>)
          tpu.yield
        }) : () -> ()
        %mul3A_49 = arith.constant 640 : i32
        %mul3A_50 = arith.muli %arg1, %mul3A_49 : i32
        %add3A_51 = arith.constant 64 : i32
        %add3A_52 = arith.addi %mul3A_50, %add3A_51 : i32
        "tpu.region"() ({
          %run_scoped3A_322 = tpu.sem_alloc : memref<!tpu.dma_semaphore, #tpu.memory_space<semaphore_mem>>
          %dma_start3A_323 = arith.constant 0 : i32
          %dma_start3A_324 = tpu.memref_slice %arg11[%add3A_52, %dma_start3A_323] : memref<10240x128xf32, #tpu.memory_space<vmem_shared>> -> memref<64x128xf32, #tpu.memory_space<vmem_shared>>
          %dma_start3A_325 = arith.constant 0 : i32
          %dma_start3A_326 = tpu.memref_slice %arg11[%add3A_52, %dma_start3A_325] : memref<10240x128xf32, #tpu.memory_space<vmem_shared>> -> memref<64x128xf32, #tpu.memory_space<vmem_shared>>
          tpu.enqueue_dma source(%arg10 : memref<64x128xf32, #tpu.memory_space<vmem>>) target(%dma_start3A_326 : memref<64x128xf32, #tpu.memory_space<vmem_shared>>) target_semaphore(%run_scoped3A_322 : memref<!tpu.dma_semaphore, #tpu.memory_space<semaphore_mem>>)
          %dma_wait3A_327 = arith.constant 0 : i32
          %dma_wait3A_328 = tpu.memref_slice %arg11[%add3A_52, %dma_wait3A_327] : memref<10240x128xf32, #tpu.memory_space<vmem_shared>> -> memref<64x128xf32, #tpu.memory_space<vmem_shared>>
          %dma_wait3A_329 = arith.constant 0 : i32
          %dma_wait3A_330 = tpu.memref_slice %arg11[%add3A_52, %dma_wait3A_329] : memref<10240x128xf32, #tpu.memory_space<vmem_shared>> -> memref<64x128xf32, #tpu.memory_space<vmem_shared>>
          tpu.wait_dma2 semaphore(%run_scoped3A_322 : memref<!tpu.dma_semaphore, #tpu.memory_space<semaphore_mem>>) src(%arg10 : memref<64x128xf32, #tpu.memory_space<vmem>>) dst(%dma_wait3A_330 : memref<64x128xf32, #tpu.memory_space<vmem_shared>>)
          tpu.yield
        }) : () -> ()
        %mul3A_53 = arith.constant 640 : i32
        %mul3A_54 = arith.muli %arg1, %mul3A_53 : i32
        %add3A_55 = arith.constant 128 : i32
        %add3A_56 = arith.addi %mul3A_54, %add3A_55 : i32
        "tpu.region"() ({
          %run_scoped3A_322 = tpu.sem_alloc : memref<!tpu.dma_semaphore, #tpu.memory_space<semaphore_mem>>
          %dma_start3A_323 = arith.constant 0 : i32
          %dma_start3A_324 = tpu.memref_slice %arg11[%add3A_56, %dma_start3A_323] : memref<10240x128xf32, #tpu.memory_space<vmem_shared>> -> memref<64x128xf32, #tpu.memory_space<vmem_shared>>
          %dma_start3A_325 = arith.constant 0 : i32
          %dma_start3A_326 = tpu.memref_slice %arg11[%add3A_56, %dma_start3A_325] : memref<10240x128xf32, #tpu.memory_space<vmem_shared>> -> memref<64x128xf32, #tpu.memory_space<vmem_shared>>
          tpu.enqueue_dma source(%arg10 : memref<64x128xf32, #tpu.memory_space<vmem>>) target(%dma_start3A_326 : memref<64x128xf32, #tpu.memory_space<vmem_shared>>) target_semaphore(%run_scoped3A_322 : memref<!tpu.dma_semaphore, #tpu.memory_space<semaphore_mem>>)
          %dma_wait3A_327 = arith.constant 0 : i32
          %dma_wait3A_328 = tpu.memref_slice %arg11[%add3A_56, %dma_wait3A_327] : memref<10240x128xf32, #tpu.memory_space<vmem_shared>> -> memref<64x128xf32, #tpu.memory_space<vmem_shared>>
          %dma_wait3A_329 = arith.constant 0 : i32
          %dma_wait3A_330 = tpu.memref_slice %arg11[%add3A_56, %dma_wait3A_329] : memref<10240x128xf32, #tpu.memory_space<vmem_shared>> -> memref<64x128xf32, #tpu.memory_space<vmem_shared>>
          tpu.wait_dma2 semaphore(%run_scoped3A_322 : memref<!tpu.dma_semaphore, #tpu.memory_space<semaphore_mem>>) src(%arg10 : memref<64x128xf32, #tpu.memory_space<vmem>>) dst(%dma_wait3A_330 : memref<64x128xf32, #tpu.memory_space<vmem_shared>>)
          tpu.yield
        }) : () -> ()
        %mul3A_57 = arith.constant 640 : i32
        %mul3A_58 = arith.muli %arg1, %mul3A_57 : i32
        %add3A_59 = arith.constant 192 : i32
        %add3A_60 = arith.addi %mul3A_58, %add3A_59 : i32
        "tpu.region"() ({
          %run_scoped3A_322 = tpu.sem_alloc : memref<!tpu.dma_semaphore, #tpu.memory_space<semaphore_mem>>
          %dma_start3A_323 = arith.constant 0 : i32
          %dma_start3A_324 = tpu.memref_slice %arg11[%add3A_60, %dma_start3A_323] : memref<10240x128xf32, #tpu.memory_space<vmem_shared>> -> memref<64x128xf32, #tpu.memory_space<vmem_shared>>
          %dma_start3A_325 = arith.constant 0 : i32
          %dma_start3A_326 = tpu.memref_slice %arg11[%add3A_60, %dma_start3A_325] : memref<10240x128xf32, #tpu.memory_space<vmem_shared>> -> memref<64x128xf32, #tpu.memory_space<vmem_shared>>
          tpu.enqueue_dma source(%arg10 : memref<64x128xf32, #tpu.memory_space<vmem>>) target(%dma_start3A_326 : memref<64x128xf32, #tpu.memory_space<vmem_shared>>) target_semaphore(%run_scoped3A_322 : memref<!tpu.dma_semaphore, #tpu.memory_space<semaphore_mem>>)
          %dma_wait3A_327 = arith.constant 0 : i32
          %dma_wait3A_328 = tpu.memref_slice %arg11[%add3A_60, %dma_wait3A_327] : memref<10240x128xf32, #tpu.memory_space<vmem_shared>> -> memref<64x128xf32, #tpu.memory_space<vmem_shared>>
          %dma_wait3A_329 = arith.constant 0 : i32
          %dma_wait3A_330 = tpu.memref_slice %arg11[%add3A_60, %dma_wait3A_329] : memref<10240x128xf32, #tpu.memory_space<vmem_shared>> -> memref<64x128xf32, #tpu.memory_space<vmem_shared>>
          tpu.wait_dma2 semaphore(%run_scoped3A_322 : memref<!tpu.dma_semaphore, #tpu.memory_space<semaphore_mem>>) src(%arg10 : memref<64x128xf32, #tpu.memory_space<vmem>>) dst(%dma_wait3A_330 : memref<64x128xf32, #tpu.memory_space<vmem_shared>>)
          tpu.yield
        }) : () -> ()
        %mul3A_61 = arith.constant 640 : i32
        %mul3A_62 = arith.muli %arg1, %mul3A_61 : i32
        %add3A_63 = arith.constant 256 : i32
        %add3A_64 = arith.addi %mul3A_62, %add3A_63 : i32
        "tpu.region"() ({
          %run_scoped3A_322 = tpu.sem_alloc : memref<!tpu.dma_semaphore, #tpu.memory_space<semaphore_mem>>
          %dma_start3A_323 = arith.constant 0 : i32
          %dma_start3A_324 = tpu.memref_slice %arg11[%add3A_64, %dma_start3A_323] : memref<10240x128xf32, #tpu.memory_space<vmem_shared>> -> memref<64x128xf32, #tpu.memory_space<vmem_shared>>
          %dma_start3A_325 = arith.constant 0 : i32
          %dma_start3A_326 = tpu.memref_slice %arg11[%add3A_64, %dma_start3A_325] : memref<10240x128xf32, #tpu.memory_space<vmem_shared>> -> memref<64x128xf32, #tpu.memory_space<vmem_shared>>
          tpu.enqueue_dma source(%arg10 : memref<64x128xf32, #tpu.memory_space<vmem>>) target(%dma_start3A_326 : memref<64x128xf32, #tpu.memory_space<vmem_shared>>) target_semaphore(%run_scoped3A_322 : memref<!tpu.dma_semaphore, #tpu.memory_space<semaphore_mem>>)
          %dma_wait3A_327 = arith.constant 0 : i32
          %dma_wait3A_328 = tpu.memref_slice %arg11[%add3A_64, %dma_wait3A_327] : memref<10240x128xf32, #tpu.memory_space<vmem_shared>> -> memref<64x128xf32, #tpu.memory_space<vmem_shared>>
          %dma_wait3A_329 = arith.constant 0 : i32
          %dma_wait3A_330 = tpu.memref_slice %arg11[%add3A_64, %dma_wait3A_329] : memref<10240x128xf32, #tpu.memory_space<vmem_shared>> -> memref<64x128xf32, #tpu.memory_space<vmem_shared>>
          tpu.wait_dma2 semaphore(%run_scoped3A_322 : memref<!tpu.dma_semaphore, #tpu.memory_space<semaphore_mem>>) src(%arg10 : memref<64x128xf32, #tpu.memory_space<vmem>>) dst(%dma_wait3A_330 : memref<64x128xf32, #tpu.memory_space<vmem_shared>>)
          tpu.yield
        }) : () -> ()
        %mul3A_65 = arith.constant 640 : i32
        %mul3A_66 = arith.muli %arg1, %mul3A_65 : i32
        %add3A_67 = arith.constant 320 : i32
        %add3A_68 = arith.addi %mul3A_66, %add3A_67 : i32
        "tpu.region"() ({
          %run_scoped3A_322 = tpu.sem_alloc : memref<!tpu.dma_semaphore, #tpu.memory_space<semaphore_mem>>
          %dma_start3A_323 = arith.constant 0 : i32
          %dma_start3A_324 = tpu.memref_slice %arg11[%add3A_68, %dma_start3A_323] : memref<10240x128xf32, #tpu.memory_space<vmem_shared>> -> memref<64x128xf32, #tpu.memory_space<vmem_shared>>
          %dma_start3A_325 = arith.constant 0 : i32
          %dma_start3A_326 = tpu.memref_slice %arg11[%add3A_68, %dma_start3A_325] : memref<10240x128xf32, #tpu.memory_space<vmem_shared>> -> memref<64x128xf32, #tpu.memory_space<vmem_shared>>
          tpu.enqueue_dma source(%arg10 : memref<64x128xf32, #tpu.memory_space<vmem>>) target(%dma_start3A_326 : memref<64x128xf32, #tpu.memory_space<vmem_shared>>) target_semaphore(%run_scoped3A_322 : memref<!tpu.dma_semaphore, #tpu.memory_space<semaphore_mem>>)
          %dma_wait3A_327 = arith.constant 0 : i32
          %dma_wait3A_328 = tpu.memref_slice %arg11[%add3A_68, %dma_wait3A_327] : memref<10240x128xf32, #tpu.memory_space<vmem_shared>> -> memref<64x128xf32, #tpu.memory_space<vmem_shared>>
          %dma_wait3A_329 = arith.constant 0 : i32
          %dma_wait3A_330 = tpu.memref_slice %arg11[%add3A_68, %dma_wait3A_329] : memref<10240x128xf32, #tpu.memory_space<vmem_shared>> -> memref<64x128xf32, #tpu.memory_space<vmem_shared>>
          tpu.wait_dma2 semaphore(%run_scoped3A_322 : memref<!tpu.dma_semaphore, #tpu.memory_space<semaphore_mem>>) src(%arg10 : memref<64x128xf32, #tpu.memory_space<vmem>>) dst(%dma_wait3A_330 : memref<64x128xf32, #tpu.memory_space<vmem_shared>>)
          tpu.yield
        }) : () -> ()
        %mul3A_69 = arith.constant 640 : i32
        %mul3A_70 = arith.muli %arg1, %mul3A_69 : i32
        %add3A_71 = arith.constant 384 : i32
        %add3A_72 = arith.addi %mul3A_70, %add3A_71 : i32
        "tpu.region"() ({
          %run_scoped3A_322 = tpu.sem_alloc : memref<!tpu.dma_semaphore, #tpu.memory_space<semaphore_mem>>
          %dma_start3A_323 = arith.constant 0 : i32
          %dma_start3A_324 = tpu.memref_slice %arg11[%add3A_72, %dma_start3A_323] : memref<10240x128xf32, #tpu.memory_space<vmem_shared>> -> memref<64x128xf32, #tpu.memory_space<vmem_shared>>
          %dma_start3A_325 = arith.constant 0 : i32
          %dma_start3A_326 = tpu.memref_slice %arg11[%add3A_72, %dma_start3A_325] : memref<10240x128xf32, #tpu.memory_space<vmem_shared>> -> memref<64x128xf32, #tpu.memory_space<vmem_shared>>
          tpu.enqueue_dma source(%arg10 : memref<64x128xf32, #tpu.memory_space<vmem>>) target(%dma_start3A_326 : memref<64x128xf32, #tpu.memory_space<vmem_shared>>) target_semaphore(%run_scoped3A_322 : memref<!tpu.dma_semaphore, #tpu.memory_space<semaphore_mem>>)
          %dma_wait3A_327 = arith.constant 0 : i32
          %dma_wait3A_328 = tpu.memref_slice %arg11[%add3A_72, %dma_wait3A_327] : memref<10240x128xf32, #tpu.memory_space<vmem_shared>> -> memref<64x128xf32, #tpu.memory_space<vmem_shared>>
          %dma_wait3A_329 = arith.constant 0 : i32
          %dma_wait3A_330 = tpu.memref_slice %arg11[%add3A_72, %dma_wait3A_329] : memref<10240x128xf32, #tpu.memory_space<vmem_shared>> -> memref<64x128xf32, #tpu.memory_space<vmem_shared>>
          tpu.wait_dma2 semaphore(%run_scoped3A_322 : memref<!tpu.dma_semaphore, #tpu.memory_space<semaphore_mem>>) src(%arg10 : memref<64x128xf32, #tpu.memory_space<vmem>>) dst(%dma_wait3A_330 : memref<64x128xf32, #tpu.memory_space<vmem_shared>>)
          tpu.yield
        }) : () -> ()
        %mul3A_73 = arith.constant 640 : i32
        %mul3A_74 = arith.muli %arg1, %mul3A_73 : i32
        %add3A_75 = arith.constant 448 : i32
        %add3A_76 = arith.addi %mul3A_74, %add3A_75 : i32
        "tpu.region"() ({
          %run_scoped3A_322 = tpu.sem_alloc : memref<!tpu.dma_semaphore, #tpu.memory_space<semaphore_mem>>
          %dma_start3A_323 = arith.constant 0 : i32
          %dma_start3A_324 = tpu.memref_slice %arg11[%add3A_76, %dma_start3A_323] : memref<10240x128xf32, #tpu.memory_space<vmem_shared>> -> memref<64x128xf32, #tpu.memory_space<vmem_shared>>
          %dma_start3A_325 = arith.constant 0 : i32
          %dma_start3A_326 = tpu.memref_slice %arg11[%add3A_76, %dma_start3A_325] : memref<10240x128xf32, #tpu.memory_space<vmem_shared>> -> memref<64x128xf32, #tpu.memory_space<vmem_shared>>
          tpu.enqueue_dma source(%arg10 : memref<64x128xf32, #tpu.memory_space<vmem>>) target(%dma_start3A_326 : memref<64x128xf32, #tpu.memory_space<vmem_shared>>) target_semaphore(%run_scoped3A_322 : memref<!tpu.dma_semaphore, #tpu.memory_space<semaphore_mem>>)
          %dma_wait3A_327 = arith.constant 0 : i32
          %dma_wait3A_328 = tpu.memref_slice %arg11[%add3A_76, %dma_wait3A_327] : memref<10240x128xf32, #tpu.memory_space<vmem_shared>> -> memref<64x128xf32, #tpu.memory_space<vmem_shared>>
          %dma_wait3A_329 = arith.constant 0 : i32
          %dma_wait3A_330 = tpu.memref_slice %arg11[%add3A_76, %dma_wait3A_329] : memref<10240x128xf32, #tpu.memory_space<vmem_shared>> -> memref<64x128xf32, #tpu.memory_space<vmem_shared>>
          tpu.wait_dma2 semaphore(%run_scoped3A_322 : memref<!tpu.dma_semaphore, #tpu.memory_space<semaphore_mem>>) src(%arg10 : memref<64x128xf32, #tpu.memory_space<vmem>>) dst(%dma_wait3A_330 : memref<64x128xf32, #tpu.memory_space<vmem_shared>>)
          tpu.yield
        }) : () -> ()
        %mul3A_77 = arith.constant 640 : i32
        %mul3A_78 = arith.muli %arg1, %mul3A_77 : i32
        %add3A_79 = arith.constant 512 : i32
        %add3A_80 = arith.addi %mul3A_78, %add3A_79 : i32
        "tpu.region"() ({
          %run_scoped3A_322 = tpu.sem_alloc : memref<!tpu.dma_semaphore, #tpu.memory_space<semaphore_mem>>
          %dma_start3A_323 = arith.constant 0 : i32
          %dma_start3A_324 = tpu.memref_slice %arg11[%add3A_80, %dma_start3A_323] : memref<10240x128xf32, #tpu.memory_space<vmem_shared>> -> memref<64x128xf32, #tpu.memory_space<vmem_shared>>
          %dma_start3A_325 = arith.constant 0 : i32
          %dma_start3A_326 = tpu.memref_slice %arg11[%add3A_80, %dma_start3A_325] : memref<10240x128xf32, #tpu.memory_space<vmem_shared>> -> memref<64x128xf32, #tpu.memory_space<vmem_shared>>
          tpu.enqueue_dma source(%arg10 : memref<64x128xf32, #tpu.memory_space<vmem>>) target(%dma_start3A_326 : memref<64x128xf32, #tpu.memory_space<vmem_shared>>) target_semaphore(%run_scoped3A_322 : memref<!tpu.dma_semaphore, #tpu.memory_space<semaphore_mem>>)
          %dma_wait3A_327 = arith.constant 0 : i32
          %dma_wait3A_328 = tpu.memref_slice %arg11[%add3A_80, %dma_wait3A_327] : memref<10240x128xf32, #tpu.memory_space<vmem_shared>> -> memref<64x128xf32, #tpu.memory_space<vmem_shared>>
          %dma_wait3A_329 = arith.constant 0 : i32
          %dma_wait3A_330 = tpu.memref_slice %arg11[%add3A_80, %dma_wait3A_329] : memref<10240x128xf32, #tpu.memory_space<vmem_shared>> -> memref<64x128xf32, #tpu.memory_space<vmem_shared>>
          tpu.wait_dma2 semaphore(%run_scoped3A_322 : memref<!tpu.dma_semaphore, #tpu.memory_space<semaphore_mem>>) src(%arg10 : memref<64x128xf32, #tpu.memory_space<vmem>>) dst(%dma_wait3A_330 : memref<64x128xf32, #tpu.memory_space<vmem_shared>>)
          tpu.yield
        }) : () -> ()
        %mul3A_81 = arith.constant 640 : i32
        %mul3A_82 = arith.muli %arg1, %mul3A_81 : i32
        %add3A_83 = arith.constant 576 : i32
        %add3A_84 = arith.addi %mul3A_82, %add3A_83 : i32
        "tpu.region"() ({
          %run_scoped3A_322 = tpu.sem_alloc : memref<!tpu.dma_semaphore, #tpu.memory_space<semaphore_mem>>
          %dma_start3A_323 = arith.constant 0 : i32
          %dma_start3A_324 = tpu.memref_slice %arg11[%add3A_84, %dma_start3A_323] : memref<10240x128xf32, #tpu.memory_space<vmem_shared>> -> memref<64x128xf32, #tpu.memory_space<vmem_shared>>
          %dma_start3A_325 = arith.constant 0 : i32
          %dma_start3A_326 = tpu.memref_slice %arg11[%add3A_84, %dma_start3A_325] : memref<10240x128xf32, #tpu.memory_space<vmem_shared>> -> memref<64x128xf32, #tpu.memory_space<vmem_shared>>
          tpu.enqueue_dma source(%arg10 : memref<64x128xf32, #tpu.memory_space<vmem>>) target(%dma_start3A_326 : memref<64x128xf32, #tpu.memory_space<vmem_shared>>) target_semaphore(%run_scoped3A_322 : memref<!tpu.dma_semaphore, #tpu.memory_space<semaphore_mem>>)
          %dma_wait3A_327 = arith.constant 0 : i32
          %dma_wait3A_328 = tpu.memref_slice %arg11[%add3A_84, %dma_wait3A_327] : memref<10240x128xf32, #tpu.memory_space<vmem_shared>> -> memref<64x128xf32, #tpu.memory_space<vmem_shared>>
          %dma_wait3A_329 = arith.constant 0 : i32
          %dma_wait3A_330 = tpu.memref_slice %arg11[%add3A_84, %dma_wait3A_329] : memref<10240x128xf32, #tpu.memory_space<vmem_shared>> -> memref<64x128xf32, #tpu.memory_space<vmem_shared>>
          tpu.wait_dma2 semaphore(%run_scoped3A_322 : memref<!tpu.dma_semaphore, #tpu.memory_space<semaphore_mem>>) src(%arg10 : memref<64x128xf32, #tpu.memory_space<vmem>>) dst(%dma_wait3A_330 : memref<64x128xf32, #tpu.memory_space<vmem_shared>>)
          tpu.yield
        }) : () -> ()
        %barrier3A = arith.constant 0 : index
        tpu.barrier barrier_id(%barrier3A)
        %dma_wait3A_85 = arith.constant 0 : i32
        %dma_wait3A_86 = arith.constant 0 : i32
        %dma_wait3A_87 = tpu.memref_slice %arg6[%dma_wait3A_85, %dma_wait3A_86] : memref<16x125xi32, #tpu.memory_space<vmem>> -> memref<1x125xi32, #tpu.memory_space<vmem>>
        %dma_wait3A_88 = tpu.memref_squeeze %dma_wait3A_87 : memref<1x125xi32, #tpu.memory_space<vmem>> -> memref<125xi32, #tpu.memory_space<vmem>>
        %dma_wait3A_89 = arith.constant 0 : i32
        %dma_wait3A_90 = arith.constant 0 : i32
        %dma_wait3A_91 = tpu.memref_slice %arg2[%dma_wait3A_89, %dma_wait3A_90] : memref<50000x128xf32, #tpu.memory_space<hbm>> -> memref<50000x128xf32, #tpu.memory_space<hbm>>
        tpu.wait_indirect_dma semaphore(%arg12 : memref<!tpu.dma_semaphore, #tpu.memory_space<semaphore_mem>>) src(%dma_wait3A_91 : memref<50000x128xf32, #tpu.memory_space<hbm>>) dst(%arg8 : memref<125x128xf32, #tpu.memory_space<vmem>>)
        %run_scoped3A_92 = arith.constant 0 : i32
        "tpu.region"() ({
          %run_scoped3A_322 = tpu.sem_alloc : memref<!tpu.dma_semaphore, #tpu.memory_space<semaphore_mem>>
          %dma_start3A_323 = arith.constant 0 : i32
          %dma_start3A_324 = tpu.memref_slice %arg7[%run_scoped3A_92, %dma_start3A_323] : memref<16x125xi32, #tpu.memory_space<vmem>> -> memref<1x125xi32, #tpu.memory_space<vmem>>
          %dma_start3A_325 = tpu.memref_squeeze %dma_start3A_324 : memref<1x125xi32, #tpu.memory_space<vmem>> -> memref<125xi32, #tpu.memory_space<vmem>>
          %dma_start3A_326 = arith.constant 0 : i32
          %dma_start3A_327 = arith.constant 0 : i32
          %dma_start3A_328 = tpu.memref_slice %arg11[%dma_start3A_326, %dma_start3A_327] : memref<10240x128xf32, #tpu.memory_space<vmem_shared>> -> memref<10240x128xf32, #tpu.memory_space<vmem_shared>>
          tpu.enqueue_indirect_dma source(%arg8 : memref<125x128xf32, #tpu.memory_space<vmem>>) target(%dma_start3A_328 : memref<10240x128xf32, #tpu.memory_space<vmem_shared>>) offsets(%dma_start3A_325 : memref<125xi32, #tpu.memory_space<vmem>>) semaphore(%run_scoped3A_322 : memref<!tpu.dma_semaphore, #tpu.memory_space<semaphore_mem>>) {add = true}
          %dma_wait3A_329 = arith.constant 0 : i32
          %dma_wait3A_330 = tpu.memref_slice %arg7[%run_scoped3A_92, %dma_wait3A_329] : memref<16x125xi32, #tpu.memory_space<vmem>> -> memref<1x125xi32, #tpu.memory_space<vmem>>
          %dma_wait3A_331 = tpu.memref_squeeze %dma_wait3A_330 : memref<1x125xi32, #tpu.memory_space<vmem>> -> memref<125xi32, #tpu.memory_space<vmem>>
          %dma_wait3A_332 = arith.constant 0 : i32
          %dma_wait3A_333 = arith.constant 0 : i32
          %dma_wait3A_334 = tpu.memref_slice %arg11[%dma_wait3A_332, %dma_wait3A_333] : memref<10240x128xf32, #tpu.memory_space<vmem_shared>> -> memref<10240x128xf32, #tpu.memory_space<vmem_shared>>
          tpu.wait_indirect_dma semaphore(%run_scoped3A_322 : memref<!tpu.dma_semaphore, #tpu.memory_space<semaphore_mem>>) src(%arg8 : memref<125x128xf32, #tpu.memory_space<vmem>>) dst(%dma_wait3A_334 : memref<10240x128xf32, #tpu.memory_space<vmem_shared>>)
          tpu.yield
        }) : () -> ()
        %dma_start3A_93 = arith.constant 2 : i32
        %dma_start3A_94 = arith.constant 0 : i32
        %dma_start3A_95 = tpu.memref_slice %arg6[%dma_start3A_93, %dma_start3A_94] : memref<16x125xi32, #tpu.memory_space<vmem>> -> memref<1x125xi32, #tpu.memory_space<vmem>>
        %dma_start3A_96 = tpu.memref_squeeze %dma_start3A_95 : memref<1x125xi32, #tpu.memory_space<vmem>> -> memref<125xi32, #tpu.memory_space<vmem>>
        %dma_start3A_97 = arith.constant 0 : i32
        %dma_start3A_98 = arith.constant 0 : i32
        %dma_start3A_99 = tpu.memref_slice %arg2[%dma_start3A_97, %dma_start3A_98] : memref<50000x128xf32, #tpu.memory_space<hbm>> -> memref<50000x128xf32, #tpu.memory_space<hbm>>
        tpu.enqueue_indirect_dma source(%dma_start3A_99 : memref<50000x128xf32, #tpu.memory_space<hbm>>) target(%arg8 : memref<125x128xf32, #tpu.memory_space<vmem>>) offsets(%dma_start3A_96 : memref<125xi32, #tpu.memory_space<vmem>>) semaphore(%arg12 : memref<!tpu.dma_semaphore, #tpu.memory_space<semaphore_mem>>)
        %dma_wait3A_100 = arith.constant 1 : i32
        %dma_wait3A_101 = arith.constant 0 : i32
        %dma_wait3A_102 = tpu.memref_slice %arg6[%dma_wait3A_100, %dma_wait3A_101] : memref<16x125xi32, #tpu.memory_space<vmem>> -> memref<1x125xi32, #tpu.memory_space<vmem>>
        %dma_wait3A_103 = tpu.memref_squeeze %dma_wait3A_102 : memref<1x125xi32, #tpu.memory_space<vmem>> -> memref<125xi32, #tpu.memory_space<vmem>>
        %dma_wait3A_104 = arith.constant 0 : i32
        %dma_wait3A_105 = arith.constant 0 : i32
        %dma_wait3A_106 = tpu.memref_slice %arg2[%dma_wait3A_104, %dma_wait3A_105] : memref<50000x128xf32, #tpu.memory_space<hbm>> -> memref<50000x128xf32, #tpu.memory_space<hbm>>
        tpu.wait_indirect_dma semaphore(%arg13 : memref<!tpu.dma_semaphore, #tpu.memory_space<semaphore_mem>>) src(%dma_wait3A_106 : memref<50000x128xf32, #tpu.memory_space<hbm>>) dst(%arg9 : memref<125x128xf32, #tpu.memory_space<vmem>>)
        %run_scoped3A_107 = arith.constant 1 : i32
        "tpu.region"() ({
          %run_scoped3A_322 = tpu.sem_alloc : memref<!tpu.dma_semaphore, #tpu.memory_space<semaphore_mem>>
          %dma_start3A_323 = arith.constant 0 : i32
          %dma_start3A_324 = tpu.memref_slice %arg7[%run_scoped3A_107, %dma_start3A_323] : memref<16x125xi32, #tpu.memory_space<vmem>> -> memref<1x125xi32, #tpu.memory_space<vmem>>
          %dma_start3A_325 = tpu.memref_squeeze %dma_start3A_324 : memref<1x125xi32, #tpu.memory_space<vmem>> -> memref<125xi32, #tpu.memory_space<vmem>>
          %dma_start3A_326 = arith.constant 0 : i32
          %dma_start3A_327 = arith.constant 0 : i32
          %dma_start3A_328 = tpu.memref_slice %arg11[%dma_start3A_326, %dma_start3A_327] : memref<10240x128xf32, #tpu.memory_space<vmem_shared>> -> memref<10240x128xf32, #tpu.memory_space<vmem_shared>>
          tpu.enqueue_indirect_dma source(%arg9 : memref<125x128xf32, #tpu.memory_space<vmem>>) target(%dma_start3A_328 : memref<10240x128xf32, #tpu.memory_space<vmem_shared>>) offsets(%dma_start3A_325 : memref<125xi32, #tpu.memory_space<vmem>>) semaphore(%run_scoped3A_322 : memref<!tpu.dma_semaphore, #tpu.memory_space<semaphore_mem>>) {add = true}
          %dma_wait3A_329 = arith.constant 0 : i32
          %dma_wait3A_330 = tpu.memref_slice %arg7[%run_scoped3A_107, %dma_wait3A_329] : memref<16x125xi32, #tpu.memory_space<vmem>> -> memref<1x125xi32, #tpu.memory_space<vmem>>
          %dma_wait3A_331 = tpu.memref_squeeze %dma_wait3A_330 : memref<1x125xi32, #tpu.memory_space<vmem>> -> memref<125xi32, #tpu.memory_space<vmem>>
          %dma_wait3A_332 = arith.constant 0 : i32
          %dma_wait3A_333 = arith.constant 0 : i32
          %dma_wait3A_334 = tpu.memref_slice %arg11[%dma_wait3A_332, %dma_wait3A_333] : memref<10240x128xf32, #tpu.memory_space<vmem_shared>> -> memref<10240x128xf32, #tpu.memory_space<vmem_shared>>
          tpu.wait_indirect_dma semaphore(%run_scoped3A_322 : memref<!tpu.dma_semaphore, #tpu.memory_space<semaphore_mem>>) src(%arg9 : memref<125x128xf32, #tpu.memory_space<vmem>>) dst(%dma_wait3A_334 : memref<10240x128xf32, #tpu.memory_space<vmem_shared>>)
          tpu.yield
        }) : () -> ()
        %dma_start3A_108 = arith.constant 3 : i32
        %dma_start3A_109 = arith.constant 0 : i32
        %dma_start3A_110 = tpu.memref_slice %arg6[%dma_start3A_108, %dma_start3A_109] : memref<16x125xi32, #tpu.memory_space<vmem>> -> memref<1x125xi32, #tpu.memory_space<vmem>>
        %dma_start3A_111 = tpu.memref_squeeze %dma_start3A_110 : memref<1x125xi32, #tpu.memory_space<vmem>> -> memref<125xi32, #tpu.memory_space<vmem>>
        %dma_start3A_112 = arith.constant 0 : i32
        %dma_start3A_113 = arith.constant 0 : i32
        %dma_start3A_114 = tpu.memref_slice %arg2[%dma_start3A_112, %dma_start3A_113] : memref<50000x128xf32, #tpu.memory_space<hbm>> -> memref<50000x128xf32, #tpu.memory_space<hbm>>
        tpu.enqueue_indirect_dma source(%dma_start3A_114 : memref<50000x128xf32, #tpu.memory_space<hbm>>) target(%arg9 : memref<125x128xf32, #tpu.memory_space<vmem>>) offsets(%dma_start3A_111 : memref<125xi32, #tpu.memory_space<vmem>>) semaphore(%arg13 : memref<!tpu.dma_semaphore, #tpu.memory_space<semaphore_mem>>)
        %dma_wait3A_115 = arith.constant 2 : i32
        %dma_wait3A_116 = arith.constant 0 : i32
        %dma_wait3A_117 = tpu.memref_slice %arg6[%dma_wait3A_115, %dma_wait3A_116] : memref<16x125xi32, #tpu.memory_space<vmem>> -> memref<1x125xi32, #tpu.memory_space<vmem>>
        %dma_wait3A_118 = tpu.memref_squeeze %dma_wait3A_117 : memref<1x125xi32, #tpu.memory_space<vmem>> -> memref<125xi32, #tpu.memory_space<vmem>>
        %dma_wait3A_119 = arith.constant 0 : i32
        %dma_wait3A_120 = arith.constant 0 : i32
        %dma_wait3A_121 = tpu.memref_slice %arg2[%dma_wait3A_119, %dma_wait3A_120] : memref<50000x128xf32, #tpu.memory_space<hbm>> -> memref<50000x128xf32, #tpu.memory_space<hbm>>
        tpu.wait_indirect_dma semaphore(%arg12 : memref<!tpu.dma_semaphore, #tpu.memory_space<semaphore_mem>>) src(%dma_wait3A_121 : memref<50000x128xf32, #tpu.memory_space<hbm>>) dst(%arg8 : memref<125x128xf32, #tpu.memory_space<vmem>>)
        %run_scoped3A_122 = arith.constant 2 : i32
        "tpu.region"() ({
          %run_scoped3A_322 = tpu.sem_alloc : memref<!tpu.dma_semaphore, #tpu.memory_space<semaphore_mem>>
          %dma_start3A_323 = arith.constant 0 : i32
          %dma_start3A_324 = tpu.memref_slice %arg7[%run_scoped3A_122, %dma_start3A_323] : memref<16x125xi32, #tpu.memory_space<vmem>> -> memref<1x125xi32, #tpu.memory_space<vmem>>
          %dma_start3A_325 = tpu.memref_squeeze %dma_start3A_324 : memref<1x125xi32, #tpu.memory_space<vmem>> -> memref<125xi32, #tpu.memory_space<vmem>>
          %dma_start3A_326 = arith.constant 0 : i32
          %dma_start3A_327 = arith.constant 0 : i32
          %dma_start3A_328 = tpu.memref_slice %arg11[%dma_start3A_326, %dma_start3A_327] : memref<10240x128xf32, #tpu.memory_space<vmem_shared>> -> memref<10240x128xf32, #tpu.memory_space<vmem_shared>>
          tpu.enqueue_indirect_dma source(%arg8 : memref<125x128xf32, #tpu.memory_space<vmem>>) target(%dma_start3A_328 : memref<10240x128xf32, #tpu.memory_space<vmem_shared>>) offsets(%dma_start3A_325 : memref<125xi32, #tpu.memory_space<vmem>>) semaphore(%run_scoped3A_322 : memref<!tpu.dma_semaphore, #tpu.memory_space<semaphore_mem>>) {add = true}
          %dma_wait3A_329 = arith.constant 0 : i32
          %dma_wait3A_330 = tpu.memref_slice %arg7[%run_scoped3A_122, %dma_wait3A_329] : memref<16x125xi32, #tpu.memory_space<vmem>> -> memref<1x125xi32, #tpu.memory_space<vmem>>
          %dma_wait3A_331 = tpu.memref_squeeze %dma_wait3A_330 : memref<1x125xi32, #tpu.memory_space<vmem>> -> memref<125xi32, #tpu.memory_space<vmem>>
          %dma_wait3A_332 = arith.constant 0 : i32
          %dma_wait3A_333 = arith.constant 0 : i32
          %dma_wait3A_334 = tpu.memref_slice %arg11[%dma_wait3A_332, %dma_wait3A_333] : memref<10240x128xf32, #tpu.memory_space<vmem_shared>> -> memref<10240x128xf32, #tpu.memory_space<vmem_shared>>
          tpu.wait_indirect_dma semaphore(%run_scoped3A_322 : memref<!tpu.dma_semaphore, #tpu.memory_space<semaphore_mem>>) src(%arg8 : memref<125x128xf32, #tpu.memory_space<vmem>>) dst(%dma_wait3A_334 : memref<10240x128xf32, #tpu.memory_space<vmem_shared>>)
          tpu.yield
        }) : () -> ()
        %dma_start3A_123 = arith.constant 4 : i32
        %dma_start3A_124 = arith.constant 0 : i32
        %dma_start3A_125 = tpu.memref_slice %arg6[%dma_start3A_123, %dma_start3A_124] : memref<16x125xi32, #tpu.memory_space<vmem>> -> memref<1x125xi32, #tpu.memory_space<vmem>>
        %dma_start3A_126 = tpu.memref_squeeze %dma_start3A_125 : memref<1x125xi32, #tpu.memory_space<vmem>> -> memref<125xi32, #tpu.memory_space<vmem>>
        %dma_start3A_127 = arith.constant 0 : i32
        %dma_start3A_128 = arith.constant 0 : i32
        %dma_start3A_129 = tpu.memref_slice %arg2[%dma_start3A_127, %dma_start3A_128] : memref<50000x128xf32, #tpu.memory_space<hbm>> -> memref<50000x128xf32, #tpu.memory_space<hbm>>
        tpu.enqueue_indirect_dma source(%dma_start3A_129 : memref<50000x128xf32, #tpu.memory_space<hbm>>) target(%arg8 : memref<125x128xf32, #tpu.memory_space<vmem>>) offsets(%dma_start3A_126 : memref<125xi32, #tpu.memory_space<vmem>>) semaphore(%arg12 : memref<!tpu.dma_semaphore, #tpu.memory_space<semaphore_mem>>)
        %dma_wait3A_130 = arith.constant 3 : i32
        %dma_wait3A_131 = arith.constant 0 : i32
        %dma_wait3A_132 = tpu.memref_slice %arg6[%dma_wait3A_130, %dma_wait3A_131] : memref<16x125xi32, #tpu.memory_space<vmem>> -> memref<1x125xi32, #tpu.memory_space<vmem>>
        %dma_wait3A_133 = tpu.memref_squeeze %dma_wait3A_132 : memref<1x125xi32, #tpu.memory_space<vmem>> -> memref<125xi32, #tpu.memory_space<vmem>>
        %dma_wait3A_134 = arith.constant 0 : i32
        %dma_wait3A_135 = arith.constant 0 : i32
        %dma_wait3A_136 = tpu.memref_slice %arg2[%dma_wait3A_134, %dma_wait3A_135] : memref<50000x128xf32, #tpu.memory_space<hbm>> -> memref<50000x128xf32, #tpu.memory_space<hbm>>
        tpu.wait_indirect_dma semaphore(%arg13 : memref<!tpu.dma_semaphore, #tpu.memory_space<semaphore_mem>>) src(%dma_wait3A_136 : memref<50000x128xf32, #tpu.memory_space<hbm>>) dst(%arg9 : memref<125x128xf32, #tpu.memory_space<vmem>>)
        %run_scoped3A_137 = arith.constant 3 : i32
        "tpu.region"() ({
          %run_scoped3A_322 = tpu.sem_alloc : memref<!tpu.dma_semaphore, #tpu.memory_space<semaphore_mem>>
          %dma_start3A_323 = arith.constant 0 : i32
          %dma_start3A_324 = tpu.memref_slice %arg7[%run_scoped3A_137, %dma_start3A_323] : memref<16x125xi32, #tpu.memory_space<vmem>> -> memref<1x125xi32, #tpu.memory_space<vmem>>
          %dma_start3A_325 = tpu.memref_squeeze %dma_start3A_324 : memref<1x125xi32, #tpu.memory_space<vmem>> -> memref<125xi32, #tpu.memory_space<vmem>>
          %dma_start3A_326 = arith.constant 0 : i32
          %dma_start3A_327 = arith.constant 0 : i32
          %dma_start3A_328 = tpu.memref_slice %arg11[%dma_start3A_326, %dma_start3A_327] : memref<10240x128xf32, #tpu.memory_space<vmem_shared>> -> memref<10240x128xf32, #tpu.memory_space<vmem_shared>>
          tpu.enqueue_indirect_dma source(%arg9 : memref<125x128xf32, #tpu.memory_space<vmem>>) target(%dma_start3A_328 : memref<10240x128xf32, #tpu.memory_space<vmem_shared>>) offsets(%dma_start3A_325 : memref<125xi32, #tpu.memory_space<vmem>>) semaphore(%run_scoped3A_322 : memref<!tpu.dma_semaphore, #tpu.memory_space<semaphore_mem>>) {add = true}
          %dma_wait3A_329 = arith.constant 0 : i32
          %dma_wait3A_330 = tpu.memref_slice %arg7[%run_scoped3A_137, %dma_wait3A_329] : memref<16x125xi32, #tpu.memory_space<vmem>> -> memref<1x125xi32, #tpu.memory_space<vmem>>
          %dma_wait3A_331 = tpu.memref_squeeze %dma_wait3A_330 : memref<1x125xi32, #tpu.memory_space<vmem>> -> memref<125xi32, #tpu.memory_space<vmem>>
          %dma_wait3A_332 = arith.constant 0 : i32
          %dma_wait3A_333 = arith.constant 0 : i32
          %dma_wait3A_334 = tpu.memref_slice %arg11[%dma_wait3A_332, %dma_wait3A_333] : memref<10240x128xf32, #tpu.memory_space<vmem_shared>> -> memref<10240x128xf32, #tpu.memory_space<vmem_shared>>
          tpu.wait_indirect_dma semaphore(%run_scoped3A_322 : memref<!tpu.dma_semaphore, #tpu.memory_space<semaphore_mem>>) src(%arg9 : memref<125x128xf32, #tpu.memory_space<vmem>>) dst(%dma_wait3A_334 : memref<10240x128xf32, #tpu.memory_space<vmem_shared>>)
          tpu.yield
        }) : () -> ()
        %dma_start3A_138 = arith.constant 5 : i32
        %dma_start3A_139 = arith.constant 0 : i32
        %dma_start3A_140 = tpu.memref_slice %arg6[%dma_start3A_138, %dma_start3A_139] : memref<16x125xi32, #tpu.memory_space<vmem>> -> memref<1x125xi32, #tpu.memory_space<vmem>>
        %dma_start3A_141 = tpu.memref_squeeze %dma_start3A_140 : memref<1x125xi32, #tpu.memory_space<vmem>> -> memref<125xi32, #tpu.memory_space<vmem>>
        %dma_start3A_142 = arith.constant 0 : i32
        %dma_start3A_143 = arith.constant 0 : i32
        %dma_start3A_144 = tpu.memref_slice %arg2[%dma_start3A_142, %dma_start3A_143] : memref<50000x128xf32, #tpu.memory_space<hbm>> -> memref<50000x128xf32, #tpu.memory_space<hbm>>
        tpu.enqueue_indirect_dma source(%dma_start3A_144 : memref<50000x128xf32, #tpu.memory_space<hbm>>) target(%arg9 : memref<125x128xf32, #tpu.memory_space<vmem>>) offsets(%dma_start3A_141 : memref<125xi32, #tpu.memory_space<vmem>>) semaphore(%arg13 : memref<!tpu.dma_semaphore, #tpu.memory_space<semaphore_mem>>)
        %dma_wait3A_145 = arith.constant 4 : i32
        %dma_wait3A_146 = arith.constant 0 : i32
        %dma_wait3A_147 = tpu.memref_slice %arg6[%dma_wait3A_145, %dma_wait3A_146] : memref<16x125xi32, #tpu.memory_space<vmem>> -> memref<1x125xi32, #tpu.memory_space<vmem>>
        %dma_wait3A_148 = tpu.memref_squeeze %dma_wait3A_147 : memref<1x125xi32, #tpu.memory_space<vmem>> -> memref<125xi32, #tpu.memory_space<vmem>>
        %dma_wait3A_149 = arith.constant 0 : i32
        %dma_wait3A_150 = arith.constant 0 : i32
        %dma_wait3A_151 = tpu.memref_slice %arg2[%dma_wait3A_149, %dma_wait3A_150] : memref<50000x128xf32, #tpu.memory_space<hbm>> -> memref<50000x128xf32, #tpu.memory_space<hbm>>
        tpu.wait_indirect_dma semaphore(%arg12 : memref<!tpu.dma_semaphore, #tpu.memory_space<semaphore_mem>>) src(%dma_wait3A_151 : memref<50000x128xf32, #tpu.memory_space<hbm>>) dst(%arg8 : memref<125x128xf32, #tpu.memory_space<vmem>>)
        %run_scoped3A_152 = arith.constant 4 : i32
        "tpu.region"() ({
          %run_scoped3A_322 = tpu.sem_alloc : memref<!tpu.dma_semaphore, #tpu.memory_space<semaphore_mem>>
          %dma_start3A_323 = arith.constant 0 : i32
          %dma_start3A_324 = tpu.memref_slice %arg7[%run_scoped3A_152, %dma_start3A_323] : memref<16x125xi32, #tpu.memory_space<vmem>> -> memref<1x125xi32, #tpu.memory_space<vmem>>
          %dma_start3A_325 = tpu.memref_squeeze %dma_start3A_324 : memref<1x125xi32, #tpu.memory_space<vmem>> -> memref<125xi32, #tpu.memory_space<vmem>>
          %dma_start3A_326 = arith.constant 0 : i32
          %dma_start3A_327 = arith.constant 0 : i32
          %dma_start3A_328 = tpu.memref_slice %arg11[%dma_start3A_326, %dma_start3A_327] : memref<10240x128xf32, #tpu.memory_space<vmem_shared>> -> memref<10240x128xf32, #tpu.memory_space<vmem_shared>>
          tpu.enqueue_indirect_dma source(%arg8 : memref<125x128xf32, #tpu.memory_space<vmem>>) target(%dma_start3A_328 : memref<10240x128xf32, #tpu.memory_space<vmem_shared>>) offsets(%dma_start3A_325 : memref<125xi32, #tpu.memory_space<vmem>>) semaphore(%run_scoped3A_322 : memref<!tpu.dma_semaphore, #tpu.memory_space<semaphore_mem>>) {add = true}
          %dma_wait3A_329 = arith.constant 0 : i32
          %dma_wait3A_330 = tpu.memref_slice %arg7[%run_scoped3A_152, %dma_wait3A_329] : memref<16x125xi32, #tpu.memory_space<vmem>> -> memref<1x125xi32, #tpu.memory_space<vmem>>
          %dma_wait3A_331 = tpu.memref_squeeze %dma_wait3A_330 : memref<1x125xi32, #tpu.memory_space<vmem>> -> memref<125xi32, #tpu.memory_space<vmem>>
          %dma_wait3A_332 = arith.constant 0 : i32
          %dma_wait3A_333 = arith.constant 0 : i32
          %dma_wait3A_334 = tpu.memref_slice %arg11[%dma_wait3A_332, %dma_wait3A_333] : memref<10240x128xf32, #tpu.memory_space<vmem_shared>> -> memref<10240x128xf32, #tpu.memory_space<vmem_shared>>
          tpu.wait_indirect_dma semaphore(%run_scoped3A_322 : memref<!tpu.dma_semaphore, #tpu.memory_space<semaphore_mem>>) src(%arg8 : memref<125x128xf32, #tpu.memory_space<vmem>>) dst(%dma_wait3A_334 : memref<10240x128xf32, #tpu.memory_space<vmem_shared>>)
          tpu.yield
        }) : () -> ()
        %dma_start3A_153 = arith.constant 6 : i32
        %dma_start3A_154 = arith.constant 0 : i32
        %dma_start3A_155 = tpu.memref_slice %arg6[%dma_start3A_153, %dma_start3A_154] : memref<16x125xi32, #tpu.memory_space<vmem>> -> memref<1x125xi32, #tpu.memory_space<vmem>>
        %dma_start3A_156 = tpu.memref_squeeze %dma_start3A_155 : memref<1x125xi32, #tpu.memory_space<vmem>> -> memref<125xi32, #tpu.memory_space<vmem>>
        %dma_start3A_157 = arith.constant 0 : i32
        %dma_start3A_158 = arith.constant 0 : i32
        %dma_start3A_159 = tpu.memref_slice %arg2[%dma_start3A_157, %dma_start3A_158] : memref<50000x128xf32, #tpu.memory_space<hbm>> -> memref<50000x128xf32, #tpu.memory_space<hbm>>
        tpu.enqueue_indirect_dma source(%dma_start3A_159 : memref<50000x128xf32, #tpu.memory_space<hbm>>) target(%arg8 : memref<125x128xf32, #tpu.memory_space<vmem>>) offsets(%dma_start3A_156 : memref<125xi32, #tpu.memory_space<vmem>>) semaphore(%arg12 : memref<!tpu.dma_semaphore, #tpu.memory_space<semaphore_mem>>)
        %dma_wait3A_160 = arith.constant 5 : i32
        %dma_wait3A_161 = arith.constant 0 : i32
        %dma_wait3A_162 = tpu.memref_slice %arg6[%dma_wait3A_160, %dma_wait3A_161] : memref<16x125xi32, #tpu.memory_space<vmem>> -> memref<1x125xi32, #tpu.memory_space<vmem>>
        %dma_wait3A_163 = tpu.memref_squeeze %dma_wait3A_162 : memref<1x125xi32, #tpu.memory_space<vmem>> -> memref<125xi32, #tpu.memory_space<vmem>>
        %dma_wait3A_164 = arith.constant 0 : i32
        %dma_wait3A_165 = arith.constant 0 : i32
        %dma_wait3A_166 = tpu.memref_slice %arg2[%dma_wait3A_164, %dma_wait3A_165] : memref<50000x128xf32, #tpu.memory_space<hbm>> -> memref<50000x128xf32, #tpu.memory_space<hbm>>
        tpu.wait_indirect_dma semaphore(%arg13 : memref<!tpu.dma_semaphore, #tpu.memory_space<semaphore_mem>>) src(%dma_wait3A_166 : memref<50000x128xf32, #tpu.memory_space<hbm>>) dst(%arg9 : memref<125x128xf32, #tpu.memory_space<vmem>>)
        %run_scoped3A_167 = arith.constant 5 : i32
        "tpu.region"() ({
          %run_scoped3A_322 = tpu.sem_alloc : memref<!tpu.dma_semaphore, #tpu.memory_space<semaphore_mem>>
          %dma_start3A_323 = arith.constant 0 : i32
          %dma_start3A_324 = tpu.memref_slice %arg7[%run_scoped3A_167, %dma_start3A_323] : memref<16x125xi32, #tpu.memory_space<vmem>> -> memref<1x125xi32, #tpu.memory_space<vmem>>
          %dma_start3A_325 = tpu.memref_squeeze %dma_start3A_324 : memref<1x125xi32, #tpu.memory_space<vmem>> -> memref<125xi32, #tpu.memory_space<vmem>>
          %dma_start3A_326 = arith.constant 0 : i32
          %dma_start3A_327 = arith.constant 0 : i32
          %dma_start3A_328 = tpu.memref_slice %arg11[%dma_start3A_326, %dma_start3A_327] : memref<10240x128xf32, #tpu.memory_space<vmem_shared>> -> memref<10240x128xf32, #tpu.memory_space<vmem_shared>>
          tpu.enqueue_indirect_dma source(%arg9 : memref<125x128xf32, #tpu.memory_space<vmem>>) target(%dma_start3A_328 : memref<10240x128xf32, #tpu.memory_space<vmem_shared>>) offsets(%dma_start3A_325 : memref<125xi32, #tpu.memory_space<vmem>>) semaphore(%run_scoped3A_322 : memref<!tpu.dma_semaphore, #tpu.memory_space<semaphore_mem>>) {add = true}
          %dma_wait3A_329 = arith.constant 0 : i32
          %dma_wait3A_330 = tpu.memref_slice %arg7[%run_scoped3A_167, %dma_wait3A_329] : memref<16x125xi32, #tpu.memory_space<vmem>> -> memref<1x125xi32, #tpu.memory_space<vmem>>
          %dma_wait3A_331 = tpu.memref_squeeze %dma_wait3A_330 : memref<1x125xi32, #tpu.memory_space<vmem>> -> memref<125xi32, #tpu.memory_space<vmem>>
          %dma_wait3A_332 = arith.constant 0 : i32
          %dma_wait3A_333 = arith.constant 0 : i32
          %dma_wait3A_334 = tpu.memref_slice %arg11[%dma_wait3A_332, %dma_wait3A_333] : memref<10240x128xf32, #tpu.memory_space<vmem_shared>> -> memref<10240x128xf32, #tpu.memory_space<vmem_shared>>
          tpu.wait_indirect_dma semaphore(%run_scoped3A_322 : memref<!tpu.dma_semaphore, #tpu.memory_space<semaphore_mem>>) src(%arg9 : memref<125x128xf32, #tpu.memory_space<vmem>>) dst(%dma_wait3A_334 : memref<10240x128xf32, #tpu.memory_space<vmem_shared>>)
          tpu.yield
        }) : () -> ()
        %dma_start3A_168 = arith.constant 7 : i32
        %dma_start3A_169 = arith.constant 0 : i32
        %dma_start3A_170 = tpu.memref_slice %arg6[%dma_start3A_168, %dma_start3A_169] : memref<16x125xi32, #tpu.memory_space<vmem>> -> memref<1x125xi32, #tpu.memory_space<vmem>>
        %dma_start3A_171 = tpu.memref_squeeze %dma_start3A_170 : memref<1x125xi32, #tpu.memory_space<vmem>> -> memref<125xi32, #tpu.memory_space<vmem>>
        %dma_start3A_172 = arith.constant 0 : i32
        %dma_start3A_173 = arith.constant 0 : i32
        %dma_start3A_174 = tpu.memref_slice %arg2[%dma_start3A_172, %dma_start3A_173] : memref<50000x128xf32, #tpu.memory_space<hbm>> -> memref<50000x128xf32, #tpu.memory_space<hbm>>
        tpu.enqueue_indirect_dma source(%dma_start3A_174 : memref<50000x128xf32, #tpu.memory_space<hbm>>) target(%arg9 : memref<125x128xf32, #tpu.memory_space<vmem>>) offsets(%dma_start3A_171 : memref<125xi32, #tpu.memory_space<vmem>>) semaphore(%arg13 : memref<!tpu.dma_semaphore, #tpu.memory_space<semaphore_mem>>)
        %dma_wait3A_175 = arith.constant 6 : i32
        %dma_wait3A_176 = arith.constant 0 : i32
        %dma_wait3A_177 = tpu.memref_slice %arg6[%dma_wait3A_175, %dma_wait3A_176] : memref<16x125xi32, #tpu.memory_space<vmem>> -> memref<1x125xi32, #tpu.memory_space<vmem>>
        %dma_wait3A_178 = tpu.memref_squeeze %dma_wait3A_177 : memref<1x125xi32, #tpu.memory_space<vmem>> -> memref<125xi32, #tpu.memory_space<vmem>>
        %dma_wait3A_179 = arith.constant 0 : i32
        %dma_wait3A_180 = arith.constant 0 : i32
        %dma_wait3A_181 = tpu.memref_slice %arg2[%dma_wait3A_179, %dma_wait3A_180] : memref<50000x128xf32, #tpu.memory_space<hbm>> -> memref<50000x128xf32, #tpu.memory_space<hbm>>
        tpu.wait_indirect_dma semaphore(%arg12 : memref<!tpu.dma_semaphore, #tpu.memory_space<semaphore_mem>>) src(%dma_wait3A_181 : memref<50000x128xf32, #tpu.memory_space<hbm>>) dst(%arg8 : memref<125x128xf32, #tpu.memory_space<vmem>>)
        %run_scoped3A_182 = arith.constant 6 : i32
        "tpu.region"() ({
          %run_scoped3A_322 = tpu.sem_alloc : memref<!tpu.dma_semaphore, #tpu.memory_space<semaphore_mem>>
          %dma_start3A_323 = arith.constant 0 : i32
          %dma_start3A_324 = tpu.memref_slice %arg7[%run_scoped3A_182, %dma_start3A_323] : memref<16x125xi32, #tpu.memory_space<vmem>> -> memref<1x125xi32, #tpu.memory_space<vmem>>
          %dma_start3A_325 = tpu.memref_squeeze %dma_start3A_324 : memref<1x125xi32, #tpu.memory_space<vmem>> -> memref<125xi32, #tpu.memory_space<vmem>>
          %dma_start3A_326 = arith.constant 0 : i32
          %dma_start3A_327 = arith.constant 0 : i32
          %dma_start3A_328 = tpu.memref_slice %arg11[%dma_start3A_326, %dma_start3A_327] : memref<10240x128xf32, #tpu.memory_space<vmem_shared>> -> memref<10240x128xf32, #tpu.memory_space<vmem_shared>>
          tpu.enqueue_indirect_dma source(%arg8 : memref<125x128xf32, #tpu.memory_space<vmem>>) target(%dma_start3A_328 : memref<10240x128xf32, #tpu.memory_space<vmem_shared>>) offsets(%dma_start3A_325 : memref<125xi32, #tpu.memory_space<vmem>>) semaphore(%run_scoped3A_322 : memref<!tpu.dma_semaphore, #tpu.memory_space<semaphore_mem>>) {add = true}
          %dma_wait3A_329 = arith.constant 0 : i32
          %dma_wait3A_330 = tpu.memref_slice %arg7[%run_scoped3A_182, %dma_wait3A_329] : memref<16x125xi32, #tpu.memory_space<vmem>> -> memref<1x125xi32, #tpu.memory_space<vmem>>
          %dma_wait3A_331 = tpu.memref_squeeze %dma_wait3A_330 : memref<1x125xi32, #tpu.memory_space<vmem>> -> memref<125xi32, #tpu.memory_space<vmem>>
          %dma_wait3A_332 = arith.constant 0 : i32
          %dma_wait3A_333 = arith.constant 0 : i32
          %dma_wait3A_334 = tpu.memref_slice %arg11[%dma_wait3A_332, %dma_wait3A_333] : memref<10240x128xf32, #tpu.memory_space<vmem_shared>> -> memref<10240x128xf32, #tpu.memory_space<vmem_shared>>
          tpu.wait_indirect_dma semaphore(%run_scoped3A_322 : memref<!tpu.dma_semaphore, #tpu.memory_space<semaphore_mem>>) src(%arg8 : memref<125x128xf32, #tpu.memory_space<vmem>>) dst(%dma_wait3A_334 : memref<10240x128xf32, #tpu.memory_space<vmem_shared>>)
          tpu.yield
        }) : () -> ()
        %dma_start3A_183 = arith.constant 8 : i32
        %dma_start3A_184 = arith.constant 0 : i32
        %dma_start3A_185 = tpu.memref_slice %arg6[%dma_start3A_183, %dma_start3A_184] : memref<16x125xi32, #tpu.memory_space<vmem>> -> memref<1x125xi32, #tpu.memory_space<vmem>>
        %dma_start3A_186 = tpu.memref_squeeze %dma_start3A_185 : memref<1x125xi32, #tpu.memory_space<vmem>> -> memref<125xi32, #tpu.memory_space<vmem>>
        %dma_start3A_187 = arith.constant 0 : i32
        %dma_start3A_188 = arith.constant 0 : i32
        %dma_start3A_189 = tpu.memref_slice %arg2[%dma_start3A_187, %dma_start3A_188] : memref<50000x128xf32, #tpu.memory_space<hbm>> -> memref<50000x128xf32, #tpu.memory_space<hbm>>
        tpu.enqueue_indirect_dma source(%dma_start3A_189 : memref<50000x128xf32, #tpu.memory_space<hbm>>) target(%arg8 : memref<125x128xf32, #tpu.memory_space<vmem>>) offsets(%dma_start3A_186 : memref<125xi32, #tpu.memory_space<vmem>>) semaphore(%arg12 : memref<!tpu.dma_semaphore, #tpu.memory_space<semaphore_mem>>)
        %dma_wait3A_190 = arith.constant 7 : i32
        %dma_wait3A_191 = arith.constant 0 : i32
        %dma_wait3A_192 = tpu.memref_slice %arg6[%dma_wait3A_190, %dma_wait3A_191] : memref<16x125xi32, #tpu.memory_space<vmem>> -> memref<1x125xi32, #tpu.memory_space<vmem>>
        %dma_wait3A_193 = tpu.memref_squeeze %dma_wait3A_192 : memref<1x125xi32, #tpu.memory_space<vmem>> -> memref<125xi32, #tpu.memory_space<vmem>>
        %dma_wait3A_194 = arith.constant 0 : i32
        %dma_wait3A_195 = arith.constant 0 : i32
        %dma_wait3A_196 = tpu.memref_slice %arg2[%dma_wait3A_194, %dma_wait3A_195] : memref<50000x128xf32, #tpu.memory_space<hbm>> -> memref<50000x128xf32, #tpu.memory_space<hbm>>
        tpu.wait_indirect_dma semaphore(%arg13 : memref<!tpu.dma_semaphore, #tpu.memory_space<semaphore_mem>>) src(%dma_wait3A_196 : memref<50000x128xf32, #tpu.memory_space<hbm>>) dst(%arg9 : memref<125x128xf32, #tpu.memory_space<vmem>>)
        %run_scoped3A_197 = arith.constant 7 : i32
        "tpu.region"() ({
          %run_scoped3A_322 = tpu.sem_alloc : memref<!tpu.dma_semaphore, #tpu.memory_space<semaphore_mem>>
          %dma_start3A_323 = arith.constant 0 : i32
          %dma_start3A_324 = tpu.memref_slice %arg7[%run_scoped3A_197, %dma_start3A_323] : memref<16x125xi32, #tpu.memory_space<vmem>> -> memref<1x125xi32, #tpu.memory_space<vmem>>
          %dma_start3A_325 = tpu.memref_squeeze %dma_start3A_324 : memref<1x125xi32, #tpu.memory_space<vmem>> -> memref<125xi32, #tpu.memory_space<vmem>>
          %dma_start3A_326 = arith.constant 0 : i32
          %dma_start3A_327 = arith.constant 0 : i32
          %dma_start3A_328 = tpu.memref_slice %arg11[%dma_start3A_326, %dma_start3A_327] : memref<10240x128xf32, #tpu.memory_space<vmem_shared>> -> memref<10240x128xf32, #tpu.memory_space<vmem_shared>>
          tpu.enqueue_indirect_dma source(%arg9 : memref<125x128xf32, #tpu.memory_space<vmem>>) target(%dma_start3A_328 : memref<10240x128xf32, #tpu.memory_space<vmem_shared>>) offsets(%dma_start3A_325 : memref<125xi32, #tpu.memory_space<vmem>>) semaphore(%run_scoped3A_322 : memref<!tpu.dma_semaphore, #tpu.memory_space<semaphore_mem>>) {add = true}
          %dma_wait3A_329 = arith.constant 0 : i32
          %dma_wait3A_330 = tpu.memref_slice %arg7[%run_scoped3A_197, %dma_wait3A_329] : memref<16x125xi32, #tpu.memory_space<vmem>> -> memref<1x125xi32, #tpu.memory_space<vmem>>
          %dma_wait3A_331 = tpu.memref_squeeze %dma_wait3A_330 : memref<1x125xi32, #tpu.memory_space<vmem>> -> memref<125xi32, #tpu.memory_space<vmem>>
          %dma_wait3A_332 = arith.constant 0 : i32
          %dma_wait3A_333 = arith.constant 0 : i32
          %dma_wait3A_334 = tpu.memref_slice %arg11[%dma_wait3A_332, %dma_wait3A_333] : memref<10240x128xf32, #tpu.memory_space<vmem_shared>> -> memref<10240x128xf32, #tpu.memory_space<vmem_shared>>
          tpu.wait_indirect_dma semaphore(%run_scoped3A_322 : memref<!tpu.dma_semaphore, #tpu.memory_space<semaphore_mem>>) src(%arg9 : memref<125x128xf32, #tpu.memory_space<vmem>>) dst(%dma_wait3A_334 : memref<10240x128xf32, #tpu.memory_space<vmem_shared>>)
          tpu.yield
        }) : () -> ()
        %dma_start3A_198 = arith.constant 9 : i32
        %dma_start3A_199 = arith.constant 0 : i32
        %dma_start3A_200 = tpu.memref_slice %arg6[%dma_start3A_198, %dma_start3A_199] : memref<16x125xi32, #tpu.memory_space<vmem>> -> memref<1x125xi32, #tpu.memory_space<vmem>>
        %dma_start3A_201 = tpu.memref_squeeze %dma_start3A_200 : memref<1x125xi32, #tpu.memory_space<vmem>> -> memref<125xi32, #tpu.memory_space<vmem>>
        %dma_start3A_202 = arith.constant 0 : i32
        %dma_start3A_203 = arith.constant 0 : i32
        %dma_start3A_204 = tpu.memref_slice %arg2[%dma_start3A_202, %dma_start3A_203] : memref<50000x128xf32, #tpu.memory_space<hbm>> -> memref<50000x128xf32, #tpu.memory_space<hbm>>
        tpu.enqueue_indirect_dma source(%dma_start3A_204 : memref<50000x128xf32, #tpu.memory_space<hbm>>) target(%arg9 : memref<125x128xf32, #tpu.memory_space<vmem>>) offsets(%dma_start3A_201 : memref<125xi32, #tpu.memory_space<vmem>>) semaphore(%arg13 : memref<!tpu.dma_semaphore, #tpu.memory_space<semaphore_mem>>)
        %dma_wait3A_205 = arith.constant 8 : i32
        %dma_wait3A_206 = arith.constant 0 : i32
        %dma_wait3A_207 = tpu.memref_slice %arg6[%dma_wait3A_205, %dma_wait3A_206] : memref<16x125xi32, #tpu.memory_space<vmem>> -> memref<1x125xi32, #tpu.memory_space<vmem>>
        %dma_wait3A_208 = tpu.memref_squeeze %dma_wait3A_207 : memref<1x125xi32, #tpu.memory_space<vmem>> -> memref<125xi32, #tpu.memory_space<vmem>>
        %dma_wait3A_209 = arith.constant 0 : i32
        %dma_wait3A_210 = arith.constant 0 : i32
        %dma_wait3A_211 = tpu.memref_slice %arg2[%dma_wait3A_209, %dma_wait3A_210] : memref<50000x128xf32, #tpu.memory_space<hbm>> -> memref<50000x128xf32, #tpu.memory_space<hbm>>
        tpu.wait_indirect_dma semaphore(%arg12 : memref<!tpu.dma_semaphore, #tpu.memory_space<semaphore_mem>>) src(%dma_wait3A_211 : memref<50000x128xf32, #tpu.memory_space<hbm>>) dst(%arg8 : memref<125x128xf32, #tpu.memory_space<vmem>>)
        %run_scoped3A_212 = arith.constant 8 : i32
        "tpu.region"() ({
          %run_scoped3A_322 = tpu.sem_alloc : memref<!tpu.dma_semaphore, #tpu.memory_space<semaphore_mem>>
          %dma_start3A_323 = arith.constant 0 : i32
          %dma_start3A_324 = tpu.memref_slice %arg7[%run_scoped3A_212, %dma_start3A_323] : memref<16x125xi32, #tpu.memory_space<vmem>> -> memref<1x125xi32, #tpu.memory_space<vmem>>
          %dma_start3A_325 = tpu.memref_squeeze %dma_start3A_324 : memref<1x125xi32, #tpu.memory_space<vmem>> -> memref<125xi32, #tpu.memory_space<vmem>>
          %dma_start3A_326 = arith.constant 0 : i32
          %dma_start3A_327 = arith.constant 0 : i32
          %dma_start3A_328 = tpu.memref_slice %arg11[%dma_start3A_326, %dma_start3A_327] : memref<10240x128xf32, #tpu.memory_space<vmem_shared>> -> memref<10240x128xf32, #tpu.memory_space<vmem_shared>>
          tpu.enqueue_indirect_dma source(%arg8 : memref<125x128xf32, #tpu.memory_space<vmem>>) target(%dma_start3A_328 : memref<10240x128xf32, #tpu.memory_space<vmem_shared>>) offsets(%dma_start3A_325 : memref<125xi32, #tpu.memory_space<vmem>>) semaphore(%run_scoped3A_322 : memref<!tpu.dma_semaphore, #tpu.memory_space<semaphore_mem>>) {add = true}
          %dma_wait3A_329 = arith.constant 0 : i32
          %dma_wait3A_330 = tpu.memref_slice %arg7[%run_scoped3A_212, %dma_wait3A_329] : memref<16x125xi32, #tpu.memory_space<vmem>> -> memref<1x125xi32, #tpu.memory_space<vmem>>
          %dma_wait3A_331 = tpu.memref_squeeze %dma_wait3A_330 : memref<1x125xi32, #tpu.memory_space<vmem>> -> memref<125xi32, #tpu.memory_space<vmem>>
          %dma_wait3A_332 = arith.constant 0 : i32
          %dma_wait3A_333 = arith.constant 0 : i32
          %dma_wait3A_334 = tpu.memref_slice %arg11[%dma_wait3A_332, %dma_wait3A_333] : memref<10240x128xf32, #tpu.memory_space<vmem_shared>> -> memref<10240x128xf32, #tpu.memory_space<vmem_shared>>
          tpu.wait_indirect_dma semaphore(%run_scoped3A_322 : memref<!tpu.dma_semaphore, #tpu.memory_space<semaphore_mem>>) src(%arg8 : memref<125x128xf32, #tpu.memory_space<vmem>>) dst(%dma_wait3A_334 : memref<10240x128xf32, #tpu.memory_space<vmem_shared>>)
          tpu.yield
        }) : () -> ()
        %dma_start3A_213 = arith.constant 10 : i32
        %dma_start3A_214 = arith.constant 0 : i32
        %dma_start3A_215 = tpu.memref_slice %arg6[%dma_start3A_213, %dma_start3A_214] : memref<16x125xi32, #tpu.memory_space<vmem>> -> memref<1x125xi32, #tpu.memory_space<vmem>>
        %dma_start3A_216 = tpu.memref_squeeze %dma_start3A_215 : memref<1x125xi32, #tpu.memory_space<vmem>> -> memref<125xi32, #tpu.memory_space<vmem>>
        %dma_start3A_217 = arith.constant 0 : i32
        %dma_start3A_218 = arith.constant 0 : i32
        %dma_start3A_219 = tpu.memref_slice %arg2[%dma_start3A_217, %dma_start3A_218] : memref<50000x128xf32, #tpu.memory_space<hbm>> -> memref<50000x128xf32, #tpu.memory_space<hbm>>
        tpu.enqueue_indirect_dma source(%dma_start3A_219 : memref<50000x128xf32, #tpu.memory_space<hbm>>) target(%arg8 : memref<125x128xf32, #tpu.memory_space<vmem>>) offsets(%dma_start3A_216 : memref<125xi32, #tpu.memory_space<vmem>>) semaphore(%arg12 : memref<!tpu.dma_semaphore, #tpu.memory_space<semaphore_mem>>)
        %dma_wait3A_220 = arith.constant 9 : i32
        %dma_wait3A_221 = arith.constant 0 : i32
        %dma_wait3A_222 = tpu.memref_slice %arg6[%dma_wait3A_220, %dma_wait3A_221] : memref<16x125xi32, #tpu.memory_space<vmem>> -> memref<1x125xi32, #tpu.memory_space<vmem>>
        %dma_wait3A_223 = tpu.memref_squeeze %dma_wait3A_222 : memref<1x125xi32, #tpu.memory_space<vmem>> -> memref<125xi32, #tpu.memory_space<vmem>>
        %dma_wait3A_224 = arith.constant 0 : i32
        %dma_wait3A_225 = arith.constant 0 : i32
        %dma_wait3A_226 = tpu.memref_slice %arg2[%dma_wait3A_224, %dma_wait3A_225] : memref<50000x128xf32, #tpu.memory_space<hbm>> -> memref<50000x128xf32, #tpu.memory_space<hbm>>
        tpu.wait_indirect_dma semaphore(%arg13 : memref<!tpu.dma_semaphore, #tpu.memory_space<semaphore_mem>>) src(%dma_wait3A_226 : memref<50000x128xf32, #tpu.memory_space<hbm>>) dst(%arg9 : memref<125x128xf32, #tpu.memory_space<vmem>>)
        %run_scoped3A_227 = arith.constant 9 : i32
        "tpu.region"() ({
          %run_scoped3A_322 = tpu.sem_alloc : memref<!tpu.dma_semaphore, #tpu.memory_space<semaphore_mem>>
          %dma_start3A_323 = arith.constant 0 : i32
          %dma_start3A_324 = tpu.memref_slice %arg7[%run_scoped3A_227, %dma_start3A_323] : memref<16x125xi32, #tpu.memory_space<vmem>> -> memref<1x125xi32, #tpu.memory_space<vmem>>
          %dma_start3A_325 = tpu.memref_squeeze %dma_start3A_324 : memref<1x125xi32, #tpu.memory_space<vmem>> -> memref<125xi32, #tpu.memory_space<vmem>>
          %dma_start3A_326 = arith.constant 0 : i32
          %dma_start3A_327 = arith.constant 0 : i32
          %dma_start3A_328 = tpu.memref_slice %arg11[%dma_start3A_326, %dma_start3A_327] : memref<10240x128xf32, #tpu.memory_space<vmem_shared>> -> memref<10240x128xf32, #tpu.memory_space<vmem_shared>>
          tpu.enqueue_indirect_dma source(%arg9 : memref<125x128xf32, #tpu.memory_space<vmem>>) target(%dma_start3A_328 : memref<10240x128xf32, #tpu.memory_space<vmem_shared>>) offsets(%dma_start3A_325 : memref<125xi32, #tpu.memory_space<vmem>>) semaphore(%run_scoped3A_322 : memref<!tpu.dma_semaphore, #tpu.memory_space<semaphore_mem>>) {add = true}
          %dma_wait3A_329 = arith.constant 0 : i32
          %dma_wait3A_330 = tpu.memref_slice %arg7[%run_scoped3A_227, %dma_wait3A_329] : memref<16x125xi32, #tpu.memory_space<vmem>> -> memref<1x125xi32, #tpu.memory_space<vmem>>
          %dma_wait3A_331 = tpu.memref_squeeze %dma_wait3A_330 : memref<1x125xi32, #tpu.memory_space<vmem>> -> memref<125xi32, #tpu.memory_space<vmem>>
          %dma_wait3A_332 = arith.constant 0 : i32
          %dma_wait3A_333 = arith.constant 0 : i32
          %dma_wait3A_334 = tpu.memref_slice %arg11[%dma_wait3A_332, %dma_wait3A_333] : memref<10240x128xf32, #tpu.memory_space<vmem_shared>> -> memref<10240x128xf32, #tpu.memory_space<vmem_shared>>
          tpu.wait_indirect_dma semaphore(%run_scoped3A_322 : memref<!tpu.dma_semaphore, #tpu.memory_space<semaphore_mem>>) src(%arg9 : memref<125x128xf32, #tpu.memory_space<vmem>>) dst(%dma_wait3A_334 : memref<10240x128xf32, #tpu.memory_space<vmem_shared>>)
          tpu.yield
        }) : () -> ()
        %dma_start3A_228 = arith.constant 11 : i32
        %dma_start3A_229 = arith.constant 0 : i32
        %dma_start3A_230 = tpu.memref_slice %arg6[%dma_start3A_228, %dma_start3A_229] : memref<16x125xi32, #tpu.memory_space<vmem>> -> memref<1x125xi32, #tpu.memory_space<vmem>>
        %dma_start3A_231 = tpu.memref_squeeze %dma_start3A_230 : memref<1x125xi32, #tpu.memory_space<vmem>> -> memref<125xi32, #tpu.memory_space<vmem>>
        %dma_start3A_232 = arith.constant 0 : i32
        %dma_start3A_233 = arith.constant 0 : i32
        %dma_start3A_234 = tpu.memref_slice %arg2[%dma_start3A_232, %dma_start3A_233] : memref<50000x128xf32, #tpu.memory_space<hbm>> -> memref<50000x128xf32, #tpu.memory_space<hbm>>
        tpu.enqueue_indirect_dma source(%dma_start3A_234 : memref<50000x128xf32, #tpu.memory_space<hbm>>) target(%arg9 : memref<125x128xf32, #tpu.memory_space<vmem>>) offsets(%dma_start3A_231 : memref<125xi32, #tpu.memory_space<vmem>>) semaphore(%arg13 : memref<!tpu.dma_semaphore, #tpu.memory_space<semaphore_mem>>)
        %dma_wait3A_235 = arith.constant 10 : i32
        %dma_wait3A_236 = arith.constant 0 : i32
        %dma_wait3A_237 = tpu.memref_slice %arg6[%dma_wait3A_235, %dma_wait3A_236] : memref<16x125xi32, #tpu.memory_space<vmem>> -> memref<1x125xi32, #tpu.memory_space<vmem>>
        %dma_wait3A_238 = tpu.memref_squeeze %dma_wait3A_237 : memref<1x125xi32, #tpu.memory_space<vmem>> -> memref<125xi32, #tpu.memory_space<vmem>>
        %dma_wait3A_239 = arith.constant 0 : i32
        %dma_wait3A_240 = arith.constant 0 : i32
        %dma_wait3A_241 = tpu.memref_slice %arg2[%dma_wait3A_239, %dma_wait3A_240] : memref<50000x128xf32, #tpu.memory_space<hbm>> -> memref<50000x128xf32, #tpu.memory_space<hbm>>
        tpu.wait_indirect_dma semaphore(%arg12 : memref<!tpu.dma_semaphore, #tpu.memory_space<semaphore_mem>>) src(%dma_wait3A_241 : memref<50000x128xf32, #tpu.memory_space<hbm>>) dst(%arg8 : memref<125x128xf32, #tpu.memory_space<vmem>>)
        %run_scoped3A_242 = arith.constant 10 : i32
        "tpu.region"() ({
          %run_scoped3A_322 = tpu.sem_alloc : memref<!tpu.dma_semaphore, #tpu.memory_space<semaphore_mem>>
          %dma_start3A_323 = arith.constant 0 : i32
          %dma_start3A_324 = tpu.memref_slice %arg7[%run_scoped3A_242, %dma_start3A_323] : memref<16x125xi32, #tpu.memory_space<vmem>> -> memref<1x125xi32, #tpu.memory_space<vmem>>
          %dma_start3A_325 = tpu.memref_squeeze %dma_start3A_324 : memref<1x125xi32, #tpu.memory_space<vmem>> -> memref<125xi32, #tpu.memory_space<vmem>>
          %dma_start3A_326 = arith.constant 0 : i32
          %dma_start3A_327 = arith.constant 0 : i32
          %dma_start3A_328 = tpu.memref_slice %arg11[%dma_start3A_326, %dma_start3A_327] : memref<10240x128xf32, #tpu.memory_space<vmem_shared>> -> memref<10240x128xf32, #tpu.memory_space<vmem_shared>>
          tpu.enqueue_indirect_dma source(%arg8 : memref<125x128xf32, #tpu.memory_space<vmem>>) target(%dma_start3A_328 : memref<10240x128xf32, #tpu.memory_space<vmem_shared>>) offsets(%dma_start3A_325 : memref<125xi32, #tpu.memory_space<vmem>>) semaphore(%run_scoped3A_322 : memref<!tpu.dma_semaphore, #tpu.memory_space<semaphore_mem>>) {add = true}
          %dma_wait3A_329 = arith.constant 0 : i32
          %dma_wait3A_330 = tpu.memref_slice %arg7[%run_scoped3A_242, %dma_wait3A_329] : memref<16x125xi32, #tpu.memory_space<vmem>> -> memref<1x125xi32, #tpu.memory_space<vmem>>
          %dma_wait3A_331 = tpu.memref_squeeze %dma_wait3A_330 : memref<1x125xi32, #tpu.memory_space<vmem>> -> memref<125xi32, #tpu.memory_space<vmem>>
          %dma_wait3A_332 = arith.constant 0 : i32
          %dma_wait3A_333 = arith.constant 0 : i32
          %dma_wait3A_334 = tpu.memref_slice %arg11[%dma_wait3A_332, %dma_wait3A_333] : memref<10240x128xf32, #tpu.memory_space<vmem_shared>> -> memref<10240x128xf32, #tpu.memory_space<vmem_shared>>
          tpu.wait_indirect_dma semaphore(%run_scoped3A_322 : memref<!tpu.dma_semaphore, #tpu.memory_space<semaphore_mem>>) src(%arg8 : memref<125x128xf32, #tpu.memory_space<vmem>>) dst(%dma_wait3A_334 : memref<10240x128xf32, #tpu.memory_space<vmem_shared>>)
          tpu.yield
        }) : () -> ()
        %dma_start3A_243 = arith.constant 12 : i32
        %dma_start3A_244 = arith.constant 0 : i32
        %dma_start3A_245 = tpu.memref_slice %arg6[%dma_start3A_243, %dma_start3A_244] : memref<16x125xi32, #tpu.memory_space<vmem>> -> memref<1x125xi32, #tpu.memory_space<vmem>>
        %dma_start3A_246 = tpu.memref_squeeze %dma_start3A_245 : memref<1x125xi32, #tpu.memory_space<vmem>> -> memref<125xi32, #tpu.memory_space<vmem>>
        %dma_start3A_247 = arith.constant 0 : i32
        %dma_start3A_248 = arith.constant 0 : i32
        %dma_start3A_249 = tpu.memref_slice %arg2[%dma_start3A_247, %dma_start3A_248] : memref<50000x128xf32, #tpu.memory_space<hbm>> -> memref<50000x128xf32, #tpu.memory_space<hbm>>
        tpu.enqueue_indirect_dma source(%dma_start3A_249 : memref<50000x128xf32, #tpu.memory_space<hbm>>) target(%arg8 : memref<125x128xf32, #tpu.memory_space<vmem>>) offsets(%dma_start3A_246 : memref<125xi32, #tpu.memory_space<vmem>>) semaphore(%arg12 : memref<!tpu.dma_semaphore, #tpu.memory_space<semaphore_mem>>)
        %dma_wait3A_250 = arith.constant 11 : i32
        %dma_wait3A_251 = arith.constant 0 : i32
        %dma_wait3A_252 = tpu.memref_slice %arg6[%dma_wait3A_250, %dma_wait3A_251] : memref<16x125xi32, #tpu.memory_space<vmem>> -> memref<1x125xi32, #tpu.memory_space<vmem>>
        %dma_wait3A_253 = tpu.memref_squeeze %dma_wait3A_252 : memref<1x125xi32, #tpu.memory_space<vmem>> -> memref<125xi32, #tpu.memory_space<vmem>>
        %dma_wait3A_254 = arith.constant 0 : i32
        %dma_wait3A_255 = arith.constant 0 : i32
        %dma_wait3A_256 = tpu.memref_slice %arg2[%dma_wait3A_254, %dma_wait3A_255] : memref<50000x128xf32, #tpu.memory_space<hbm>> -> memref<50000x128xf32, #tpu.memory_space<hbm>>
        tpu.wait_indirect_dma semaphore(%arg13 : memref<!tpu.dma_semaphore, #tpu.memory_space<semaphore_mem>>) src(%dma_wait3A_256 : memref<50000x128xf32, #tpu.memory_space<hbm>>) dst(%arg9 : memref<125x128xf32, #tpu.memory_space<vmem>>)
        %run_scoped3A_257 = arith.constant 11 : i32
        "tpu.region"() ({
          %run_scoped3A_322 = tpu.sem_alloc : memref<!tpu.dma_semaphore, #tpu.memory_space<semaphore_mem>>
          %dma_start3A_323 = arith.constant 0 : i32
          %dma_start3A_324 = tpu.memref_slice %arg7[%run_scoped3A_257, %dma_start3A_323] : memref<16x125xi32, #tpu.memory_space<vmem>> -> memref<1x125xi32, #tpu.memory_space<vmem>>
          %dma_start3A_325 = tpu.memref_squeeze %dma_start3A_324 : memref<1x125xi32, #tpu.memory_space<vmem>> -> memref<125xi32, #tpu.memory_space<vmem>>
          %dma_start3A_326 = arith.constant 0 : i32
          %dma_start3A_327 = arith.constant 0 : i32
          %dma_start3A_328 = tpu.memref_slice %arg11[%dma_start3A_326, %dma_start3A_327] : memref<10240x128xf32, #tpu.memory_space<vmem_shared>> -> memref<10240x128xf32, #tpu.memory_space<vmem_shared>>
          tpu.enqueue_indirect_dma source(%arg9 : memref<125x128xf32, #tpu.memory_space<vmem>>) target(%dma_start3A_328 : memref<10240x128xf32, #tpu.memory_space<vmem_shared>>) offsets(%dma_start3A_325 : memref<125xi32, #tpu.memory_space<vmem>>) semaphore(%run_scoped3A_322 : memref<!tpu.dma_semaphore, #tpu.memory_space<semaphore_mem>>) {add = true}
          %dma_wait3A_329 = arith.constant 0 : i32
          %dma_wait3A_330 = tpu.memref_slice %arg7[%run_scoped3A_257, %dma_wait3A_329] : memref<16x125xi32, #tpu.memory_space<vmem>> -> memref<1x125xi32, #tpu.memory_space<vmem>>
          %dma_wait3A_331 = tpu.memref_squeeze %dma_wait3A_330 : memref<1x125xi32, #tpu.memory_space<vmem>> -> memref<125xi32, #tpu.memory_space<vmem>>
          %dma_wait3A_332 = arith.constant 0 : i32
          %dma_wait3A_333 = arith.constant 0 : i32
          %dma_wait3A_334 = tpu.memref_slice %arg11[%dma_wait3A_332, %dma_wait3A_333] : memref<10240x128xf32, #tpu.memory_space<vmem_shared>> -> memref<10240x128xf32, #tpu.memory_space<vmem_shared>>
          tpu.wait_indirect_dma semaphore(%run_scoped3A_322 : memref<!tpu.dma_semaphore, #tpu.memory_space<semaphore_mem>>) src(%arg9 : memref<125x128xf32, #tpu.memory_space<vmem>>) dst(%dma_wait3A_334 : memref<10240x128xf32, #tpu.memory_space<vmem_shared>>)
          tpu.yield
        }) : () -> ()
        %dma_start3A_258 = arith.constant 13 : i32
        %dma_start3A_259 = arith.constant 0 : i32
        %dma_start3A_260 = tpu.memref_slice %arg6[%dma_start3A_258, %dma_start3A_259] : memref<16x125xi32, #tpu.memory_space<vmem>> -> memref<1x125xi32, #tpu.memory_space<vmem>>
        %dma_start3A_261 = tpu.memref_squeeze %dma_start3A_260 : memref<1x125xi32, #tpu.memory_space<vmem>> -> memref<125xi32, #tpu.memory_space<vmem>>
        %dma_start3A_262 = arith.constant 0 : i32
        %dma_start3A_263 = arith.constant 0 : i32
        %dma_start3A_264 = tpu.memref_slice %arg2[%dma_start3A_262, %dma_start3A_263] : memref<50000x128xf32, #tpu.memory_space<hbm>> -> memref<50000x128xf32, #tpu.memory_space<hbm>>
        tpu.enqueue_indirect_dma source(%dma_start3A_264 : memref<50000x128xf32, #tpu.memory_space<hbm>>) target(%arg9 : memref<125x128xf32, #tpu.memory_space<vmem>>) offsets(%dma_start3A_261 : memref<125xi32, #tpu.memory_space<vmem>>) semaphore(%arg13 : memref<!tpu.dma_semaphore, #tpu.memory_space<semaphore_mem>>)
        %dma_wait3A_265 = arith.constant 12 : i32
        %dma_wait3A_266 = arith.constant 0 : i32
        %dma_wait3A_267 = tpu.memref_slice %arg6[%dma_wait3A_265, %dma_wait3A_266] : memref<16x125xi32, #tpu.memory_space<vmem>> -> memref<1x125xi32, #tpu.memory_space<vmem>>
        %dma_wait3A_268 = tpu.memref_squeeze %dma_wait3A_267 : memref<1x125xi32, #tpu.memory_space<vmem>> -> memref<125xi32, #tpu.memory_space<vmem>>
        %dma_wait3A_269 = arith.constant 0 : i32
        %dma_wait3A_270 = arith.constant 0 : i32
        %dma_wait3A_271 = tpu.memref_slice %arg2[%dma_wait3A_269, %dma_wait3A_270] : memref<50000x128xf32, #tpu.memory_space<hbm>> -> memref<50000x128xf32, #tpu.memory_space<hbm>>
        tpu.wait_indirect_dma semaphore(%arg12 : memref<!tpu.dma_semaphore, #tpu.memory_space<semaphore_mem>>) src(%dma_wait3A_271 : memref<50000x128xf32, #tpu.memory_space<hbm>>) dst(%arg8 : memref<125x128xf32, #tpu.memory_space<vmem>>)
        %run_scoped3A_272 = arith.constant 12 : i32
        "tpu.region"() ({
          %run_scoped3A_322 = tpu.sem_alloc : memref<!tpu.dma_semaphore, #tpu.memory_space<semaphore_mem>>
          %dma_start3A_323 = arith.constant 0 : i32
          %dma_start3A_324 = tpu.memref_slice %arg7[%run_scoped3A_272, %dma_start3A_323] : memref<16x125xi32, #tpu.memory_space<vmem>> -> memref<1x125xi32, #tpu.memory_space<vmem>>
          %dma_start3A_325 = tpu.memref_squeeze %dma_start3A_324 : memref<1x125xi32, #tpu.memory_space<vmem>> -> memref<125xi32, #tpu.memory_space<vmem>>
          %dma_start3A_326 = arith.constant 0 : i32
          %dma_start3A_327 = arith.constant 0 : i32
          %dma_start3A_328 = tpu.memref_slice %arg11[%dma_start3A_326, %dma_start3A_327] : memref<10240x128xf32, #tpu.memory_space<vmem_shared>> -> memref<10240x128xf32, #tpu.memory_space<vmem_shared>>
          tpu.enqueue_indirect_dma source(%arg8 : memref<125x128xf32, #tpu.memory_space<vmem>>) target(%dma_start3A_328 : memref<10240x128xf32, #tpu.memory_space<vmem_shared>>) offsets(%dma_start3A_325 : memref<125xi32, #tpu.memory_space<vmem>>) semaphore(%run_scoped3A_322 : memref<!tpu.dma_semaphore, #tpu.memory_space<semaphore_mem>>) {add = true}
          %dma_wait3A_329 = arith.constant 0 : i32
          %dma_wait3A_330 = tpu.memref_slice %arg7[%run_scoped3A_272, %dma_wait3A_329] : memref<16x125xi32, #tpu.memory_space<vmem>> -> memref<1x125xi32, #tpu.memory_space<vmem>>
          %dma_wait3A_331 = tpu.memref_squeeze %dma_wait3A_330 : memref<1x125xi32, #tpu.memory_space<vmem>> -> memref<125xi32, #tpu.memory_space<vmem>>
          %dma_wait3A_332 = arith.constant 0 : i32
          %dma_wait3A_333 = arith.constant 0 : i32
          %dma_wait3A_334 = tpu.memref_slice %arg11[%dma_wait3A_332, %dma_wait3A_333] : memref<10240x128xf32, #tpu.memory_space<vmem_shared>> -> memref<10240x128xf32, #tpu.memory_space<vmem_shared>>
          tpu.wait_indirect_dma semaphore(%run_scoped3A_322 : memref<!tpu.dma_semaphore, #tpu.memory_space<semaphore_mem>>) src(%arg8 : memref<125x128xf32, #tpu.memory_space<vmem>>) dst(%dma_wait3A_334 : memref<10240x128xf32, #tpu.memory_space<vmem_shared>>)
          tpu.yield
        }) : () -> ()
        %dma_start3A_273 = arith.constant 14 : i32
        %dma_start3A_274 = arith.constant 0 : i32
        %dma_start3A_275 = tpu.memref_slice %arg6[%dma_start3A_273, %dma_start3A_274] : memref<16x125xi32, #tpu.memory_space<vmem>> -> memref<1x125xi32, #tpu.memory_space<vmem>>
        %dma_start3A_276 = tpu.memref_squeeze %dma_start3A_275 : memref<1x125xi32, #tpu.memory_space<vmem>> -> memref<125xi32, #tpu.memory_space<vmem>>
        %dma_start3A_277 = arith.constant 0 : i32
        %dma_start3A_278 = arith.constant 0 : i32
        %dma_start3A_279 = tpu.memref_slice %arg2[%dma_start3A_277, %dma_start3A_278] : memref<50000x128xf32, #tpu.memory_space<hbm>> -> memref<50000x128xf32, #tpu.memory_space<hbm>>
        tpu.enqueue_indirect_dma source(%dma_start3A_279 : memref<50000x128xf32, #tpu.memory_space<hbm>>) target(%arg8 : memref<125x128xf32, #tpu.memory_space<vmem>>) offsets(%dma_start3A_276 : memref<125xi32, #tpu.memory_space<vmem>>) semaphore(%arg12 : memref<!tpu.dma_semaphore, #tpu.memory_space<semaphore_mem>>)
        %dma_wait3A_280 = arith.constant 13 : i32
        %dma_wait3A_281 = arith.constant 0 : i32
        %dma_wait3A_282 = tpu.memref_slice %arg6[%dma_wait3A_280, %dma_wait3A_281] : memref<16x125xi32, #tpu.memory_space<vmem>> -> memref<1x125xi32, #tpu.memory_space<vmem>>
        %dma_wait3A_283 = tpu.memref_squeeze %dma_wait3A_282 : memref<1x125xi32, #tpu.memory_space<vmem>> -> memref<125xi32, #tpu.memory_space<vmem>>
        %dma_wait3A_284 = arith.constant 0 : i32
        %dma_wait3A_285 = arith.constant 0 : i32
        %dma_wait3A_286 = tpu.memref_slice %arg2[%dma_wait3A_284, %dma_wait3A_285] : memref<50000x128xf32, #tpu.memory_space<hbm>> -> memref<50000x128xf32, #tpu.memory_space<hbm>>
        tpu.wait_indirect_dma semaphore(%arg13 : memref<!tpu.dma_semaphore, #tpu.memory_space<semaphore_mem>>) src(%dma_wait3A_286 : memref<50000x128xf32, #tpu.memory_space<hbm>>) dst(%arg9 : memref<125x128xf32, #tpu.memory_space<vmem>>)
        %run_scoped3A_287 = arith.constant 13 : i32
        "tpu.region"() ({
          %run_scoped3A_322 = tpu.sem_alloc : memref<!tpu.dma_semaphore, #tpu.memory_space<semaphore_mem>>
          %dma_start3A_323 = arith.constant 0 : i32
          %dma_start3A_324 = tpu.memref_slice %arg7[%run_scoped3A_287, %dma_start3A_323] : memref<16x125xi32, #tpu.memory_space<vmem>> -> memref<1x125xi32, #tpu.memory_space<vmem>>
          %dma_start3A_325 = tpu.memref_squeeze %dma_start3A_324 : memref<1x125xi32, #tpu.memory_space<vmem>> -> memref<125xi32, #tpu.memory_space<vmem>>
          %dma_start3A_326 = arith.constant 0 : i32
          %dma_start3A_327 = arith.constant 0 : i32
          %dma_start3A_328 = tpu.memref_slice %arg11[%dma_start3A_326, %dma_start3A_327] : memref<10240x128xf32, #tpu.memory_space<vmem_shared>> -> memref<10240x128xf32, #tpu.memory_space<vmem_shared>>
          tpu.enqueue_indirect_dma source(%arg9 : memref<125x128xf32, #tpu.memory_space<vmem>>) target(%dma_start3A_328 : memref<10240x128xf32, #tpu.memory_space<vmem_shared>>) offsets(%dma_start3A_325 : memref<125xi32, #tpu.memory_space<vmem>>) semaphore(%run_scoped3A_322 : memref<!tpu.dma_semaphore, #tpu.memory_space<semaphore_mem>>) {add = true}
          %dma_wait3A_329 = arith.constant 0 : i32
          %dma_wait3A_330 = tpu.memref_slice %arg7[%run_scoped3A_287, %dma_wait3A_329] : memref<16x125xi32, #tpu.memory_space<vmem>> -> memref<1x125xi32, #tpu.memory_space<vmem>>
          %dma_wait3A_331 = tpu.memref_squeeze %dma_wait3A_330 : memref<1x125xi32, #tpu.memory_space<vmem>> -> memref<125xi32, #tpu.memory_space<vmem>>
          %dma_wait3A_332 = arith.constant 0 : i32
          %dma_wait3A_333 = arith.constant 0 : i32
          %dma_wait3A_334 = tpu.memref_slice %arg11[%dma_wait3A_332, %dma_wait3A_333] : memref<10240x128xf32, #tpu.memory_space<vmem_shared>> -> memref<10240x128xf32, #tpu.memory_space<vmem_shared>>
          tpu.wait_indirect_dma semaphore(%run_scoped3A_322 : memref<!tpu.dma_semaphore, #tpu.memory_space<semaphore_mem>>) src(%arg9 : memref<125x128xf32, #tpu.memory_space<vmem>>) dst(%dma_wait3A_334 : memref<10240x128xf32, #tpu.memory_space<vmem_shared>>)
          tpu.yield
        }) : () -> ()
        %dma_start3A_288 = arith.constant 15 : i32
        %dma_start3A_289 = arith.constant 0 : i32
        %dma_start3A_290 = tpu.memref_slice %arg6[%dma_start3A_288, %dma_start3A_289] : memref<16x125xi32, #tpu.memory_space<vmem>> -> memref<1x125xi32, #tpu.memory_space<vmem>>
        %dma_start3A_291 = tpu.memref_squeeze %dma_start3A_290 : memref<1x125xi32, #tpu.memory_space<vmem>> -> memref<125xi32, #tpu.memory_space<vmem>>
        %dma_start3A_292 = arith.constant 0 : i32
        %dma_start3A_293 = arith.constant 0 : i32
        %dma_start3A_294 = tpu.memref_slice %arg2[%dma_start3A_292, %dma_start3A_293] : memref<50000x128xf32, #tpu.memory_space<hbm>> -> memref<50000x128xf32, #tpu.memory_space<hbm>>
        tpu.enqueue_indirect_dma source(%dma_start3A_294 : memref<50000x128xf32, #tpu.memory_space<hbm>>) target(%arg9 : memref<125x128xf32, #tpu.memory_space<vmem>>) offsets(%dma_start3A_291 : memref<125xi32, #tpu.memory_space<vmem>>) semaphore(%arg13 : memref<!tpu.dma_semaphore, #tpu.memory_space<semaphore_mem>>)
        %dma_wait3A_295 = arith.constant 14 : i32
        %dma_wait3A_296 = arith.constant 0 : i32
        %dma_wait3A_297 = tpu.memref_slice %arg6[%dma_wait3A_295, %dma_wait3A_296] : memref<16x125xi32, #tpu.memory_space<vmem>> -> memref<1x125xi32, #tpu.memory_space<vmem>>
        %dma_wait3A_298 = tpu.memref_squeeze %dma_wait3A_297 : memref<1x125xi32, #tpu.memory_space<vmem>> -> memref<125xi32, #tpu.memory_space<vmem>>
        %dma_wait3A_299 = arith.constant 0 : i32
        %dma_wait3A_300 = arith.constant 0 : i32
        %dma_wait3A_301 = tpu.memref_slice %arg2[%dma_wait3A_299, %dma_wait3A_300] : memref<50000x128xf32, #tpu.memory_space<hbm>> -> memref<50000x128xf32, #tpu.memory_space<hbm>>
        tpu.wait_indirect_dma semaphore(%arg12 : memref<!tpu.dma_semaphore, #tpu.memory_space<semaphore_mem>>) src(%dma_wait3A_301 : memref<50000x128xf32, #tpu.memory_space<hbm>>) dst(%arg8 : memref<125x128xf32, #tpu.memory_space<vmem>>)
        %run_scoped3A_302 = arith.constant 14 : i32
        "tpu.region"() ({
          %run_scoped3A_322 = tpu.sem_alloc : memref<!tpu.dma_semaphore, #tpu.memory_space<semaphore_mem>>
          %dma_start3A_323 = arith.constant 0 : i32
          %dma_start3A_324 = tpu.memref_slice %arg7[%run_scoped3A_302, %dma_start3A_323] : memref<16x125xi32, #tpu.memory_space<vmem>> -> memref<1x125xi32, #tpu.memory_space<vmem>>
          %dma_start3A_325 = tpu.memref_squeeze %dma_start3A_324 : memref<1x125xi32, #tpu.memory_space<vmem>> -> memref<125xi32, #tpu.memory_space<vmem>>
          %dma_start3A_326 = arith.constant 0 : i32
          %dma_start3A_327 = arith.constant 0 : i32
          %dma_start3A_328 = tpu.memref_slice %arg11[%dma_start3A_326, %dma_start3A_327] : memref<10240x128xf32, #tpu.memory_space<vmem_shared>> -> memref<10240x128xf32, #tpu.memory_space<vmem_shared>>
          tpu.enqueue_indirect_dma source(%arg8 : memref<125x128xf32, #tpu.memory_space<vmem>>) target(%dma_start3A_328 : memref<10240x128xf32, #tpu.memory_space<vmem_shared>>) offsets(%dma_start3A_325 : memref<125xi32, #tpu.memory_space<vmem>>) semaphore(%run_scoped3A_322 : memref<!tpu.dma_semaphore, #tpu.memory_space<semaphore_mem>>) {add = true}
          %dma_wait3A_329 = arith.constant 0 : i32
          %dma_wait3A_330 = tpu.memref_slice %arg7[%run_scoped3A_302, %dma_wait3A_329] : memref<16x125xi32, #tpu.memory_space<vmem>> -> memref<1x125xi32, #tpu.memory_space<vmem>>
          %dma_wait3A_331 = tpu.memref_squeeze %dma_wait3A_330 : memref<1x125xi32, #tpu.memory_space<vmem>> -> memref<125xi32, #tpu.memory_space<vmem>>
          %dma_wait3A_332 = arith.constant 0 : i32
          %dma_wait3A_333 = arith.constant 0 : i32
          %dma_wait3A_334 = tpu.memref_slice %arg11[%dma_wait3A_332, %dma_wait3A_333] : memref<10240x128xf32, #tpu.memory_space<vmem_shared>> -> memref<10240x128xf32, #tpu.memory_space<vmem_shared>>
          tpu.wait_indirect_dma semaphore(%run_scoped3A_322 : memref<!tpu.dma_semaphore, #tpu.memory_space<semaphore_mem>>) src(%arg8 : memref<125x128xf32, #tpu.memory_space<vmem>>) dst(%dma_wait3A_334 : memref<10240x128xf32, #tpu.memory_space<vmem_shared>>)
          tpu.yield
        }) : () -> ()
        %dma_wait3A_303 = arith.constant 15 : i32
        %dma_wait3A_304 = arith.constant 0 : i32
        %dma_wait3A_305 = tpu.memref_slice %arg6[%dma_wait3A_303, %dma_wait3A_304] : memref<16x125xi32, #tpu.memory_space<vmem>> -> memref<1x125xi32, #tpu.memory_space<vmem>>
        %dma_wait3A_306 = tpu.memref_squeeze %dma_wait3A_305 : memref<1x125xi32, #tpu.memory_space<vmem>> -> memref<125xi32, #tpu.memory_space<vmem>>
        %dma_wait3A_307 = arith.constant 0 : i32
        %dma_wait3A_308 = arith.constant 0 : i32
        %dma_wait3A_309 = tpu.memref_slice %arg2[%dma_wait3A_307, %dma_wait3A_308] : memref<50000x128xf32, #tpu.memory_space<hbm>> -> memref<50000x128xf32, #tpu.memory_space<hbm>>
        tpu.wait_indirect_dma semaphore(%arg13 : memref<!tpu.dma_semaphore, #tpu.memory_space<semaphore_mem>>) src(%dma_wait3A_309 : memref<50000x128xf32, #tpu.memory_space<hbm>>) dst(%arg9 : memref<125x128xf32, #tpu.memory_space<vmem>>)
        %run_scoped3A_310 = arith.constant 15 : i32
        "tpu.region"() ({
          %run_scoped3A_322 = tpu.sem_alloc : memref<!tpu.dma_semaphore, #tpu.memory_space<semaphore_mem>>
          %dma_start3A_323 = arith.constant 0 : i32
          %dma_start3A_324 = tpu.memref_slice %arg7[%run_scoped3A_310, %dma_start3A_323] : memref<16x125xi32, #tpu.memory_space<vmem>> -> memref<1x125xi32, #tpu.memory_space<vmem>>
          %dma_start3A_325 = tpu.memref_squeeze %dma_start3A_324 : memref<1x125xi32, #tpu.memory_space<vmem>> -> memref<125xi32, #tpu.memory_space<vmem>>
          %dma_start3A_326 = arith.constant 0 : i32
          %dma_start3A_327 = arith.constant 0 : i32
          %dma_start3A_328 = tpu.memref_slice %arg11[%dma_start3A_326, %dma_start3A_327] : memref<10240x128xf32, #tpu.memory_space<vmem_shared>> -> memref<10240x128xf32, #tpu.memory_space<vmem_shared>>
          tpu.enqueue_indirect_dma source(%arg9 : memref<125x128xf32, #tpu.memory_space<vmem>>) target(%dma_start3A_328 : memref<10240x128xf32, #tpu.memory_space<vmem_shared>>) offsets(%dma_start3A_325 : memref<125xi32, #tpu.memory_space<vmem>>) semaphore(%run_scoped3A_322 : memref<!tpu.dma_semaphore, #tpu.memory_space<semaphore_mem>>) {add = true}
          %dma_wait3A_329 = arith.constant 0 : i32
          %dma_wait3A_330 = tpu.memref_slice %arg7[%run_scoped3A_310, %dma_wait3A_329] : memref<16x125xi32, #tpu.memory_space<vmem>> -> memref<1x125xi32, #tpu.memory_space<vmem>>
          %dma_wait3A_331 = tpu.memref_squeeze %dma_wait3A_330 : memref<1x125xi32, #tpu.memory_space<vmem>> -> memref<125xi32, #tpu.memory_space<vmem>>
          %dma_wait3A_332 = arith.constant 0 : i32
          %dma_wait3A_333 = arith.constant 0 : i32
          %dma_wait3A_334 = tpu.memref_slice %arg11[%dma_wait3A_332, %dma_wait3A_333] : memref<10240x128xf32, #tpu.memory_space<vmem_shared>> -> memref<10240x128xf32, #tpu.memory_space<vmem_shared>>
          tpu.wait_indirect_dma semaphore(%run_scoped3A_322 : memref<!tpu.dma_semaphore, #tpu.memory_space<semaphore_mem>>) src(%arg9 : memref<125x128xf32, #tpu.memory_space<vmem>>) dst(%dma_wait3A_334 : memref<10240x128xf32, #tpu.memory_space<vmem_shared>>)
          tpu.yield
        }) : () -> ()
        %barrier3A_311 = arith.constant 0 : index
        tpu.barrier barrier_id(%barrier3A_311)
        %mul3A_312 = arith.constant 640 : i32
        %mul3A_313 = arith.muli %arg1, %mul3A_312 : i32
        %mul3A_314 = arith.constant 640 : i32
        %mul3A_315 = arith.muli %arg1, %mul3A_314 : i32
        %dma_start3A_316 = arith.constant 0 : i32
        %dma_start3A_317 = arith.constant 0 : i32
        %dma_start3A_318 = tpu.memref_slice %arg5[%dma_start3A_316, %scan3A_27, %mul3A_315, %dma_start3A_317] : memref<2x5x10240x128xf32, #tpu.memory_space<hbm>> -> memref<1x1x640x128xf32, #tpu.memory_space<hbm>>
        %dma_start3A_319 = tpu.memref_squeeze %dma_start3A_318 : memref<1x1x640x128xf32, #tpu.memory_space<hbm>> -> memref<640x128xf32, #tpu.memory_space<hbm>>
        %dma_start3A_320 = arith.constant 0 : i32
        %dma_start3A_321 = tpu.memref_slice %arg11[%mul3A_313, %dma_start3A_320] : memref<10240x128xf32, #tpu.memory_space<vmem_shared>> -> memref<640x128xf32, #tpu.memory_space<vmem_shared>>
        tpu.enqueue_dma source(%dma_start3A_321 : memref<640x128xf32, #tpu.memory_space<vmem_shared>>) target(%dma_start3A_319 : memref<640x128xf32, #tpu.memory_space<hbm>>) target_semaphore(%arg14 : memref<!tpu.dma_semaphore, #tpu.memory_space<semaphore_mem>>)
      }
      %scan3A_17 = arith.constant 5 : i32
      %mul3A = arith.constant 640 : i32
      %mul3A_18 = arith.muli %arg1, %mul3A : i32
      %mul3A_19 = arith.constant 640 : i32
      %mul3A_20 = arith.muli %arg1, %mul3A_19 : i32
      %dma_wait3A = arith.constant 0 : i32
      %dma_wait3A_21 = arith.constant 0 : i32
      %dma_wait3A_22 = arith.constant 0 : i32
      %dma_wait3A_23 = tpu.memref_slice %arg11[%mul3A_20, %dma_wait3A_22] : memref<10240x128xf32, #tpu.memory_space<vmem_shared>> -> memref<640x128xf32, #tpu.memory_space<vmem_shared>>
      %dma_wait3A_24 = arith.constant 0 : i32
      %dma_wait3A_25 = tpu.memref_slice %arg5[%dma_wait3A, %dma_wait3A_21, %mul3A_18, %dma_wait3A_24] : memref<2x5x10240x128xf32, #tpu.memory_space<hbm>> -> memref<1x1x640x128xf32, #tpu.memory_space<hbm>>
      %dma_wait3A_26 = tpu.memref_squeeze %dma_wait3A_25 : memref<1x1x640x128xf32, #tpu.memory_space<hbm>> -> memref<640x128xf32, #tpu.memory_space<hbm>>
      tpu.wait_dma2 semaphore(%arg14 : memref<!tpu.dma_semaphore, #tpu.memory_space<semaphore_mem>>) src(%dma_wait3A_26 : memref<640x128xf32, #tpu.memory_space<hbm>>) dst(%dma_wait3A_23 : memref<640x128xf32, #tpu.memory_space<vmem_shared>>)
    } else {
    }
    %eq3A_7 = arith.constant 1 : i32
    %eq3A_8 = arith.cmpi eq, %arg0, %eq3A_7 : i32
    %convert_element_type3A_9 = arith.extui %eq3A_8 : i1 to i32
    %cond3A_10 = arith.constant 0 : i32
    %cond3A_11 = arith.cmpi ne, %convert_element_type3A_9, %cond3A_10 : i32
    scf.if %cond3A_11 {
      %scan3A_12 = arith.constant 0 : i32
      %scan3A_13 = arith.constant 0 : i32
      %scan3A_14 = arith.constant 5 : i32
      %scan3A_15 = arith.addi %scan3A_13, %scan3A_14 : i32
      %scan3A_16 = arith.constant 1 : i32
      scf.for %scan3A_27 = %scan3A_13 to %scan3A_15 step %scan3A_16  : i32 {
        %run_scoped3A = arith.constant 1 : i32
        "tpu.region"() ({
          %run_scoped3A_322 = tpu.sem_alloc : memref<!tpu.dma_semaphore, #tpu.memory_space<semaphore_mem>>
          %dma_start3A_323 = arith.constant 0 : i32
          %dma_start3A_324 = arith.constant 0 : i32
          %dma_start3A_325 = tpu.memref_slice %arg3[%run_scoped3A, %scan3A_27, %arg1, %dma_start3A_323, %dma_start3A_324] : memref<2x5x16x16x125xi32, #tpu.memory_space<hbm>> -> memref<1x1x1x16x125xi32, #tpu.memory_space<hbm>>
          %dma_start3A_326 = tpu.memref_squeeze %dma_start3A_325 : memref<1x1x1x16x125xi32, #tpu.memory_space<hbm>> -> memref<16x125xi32, #tpu.memory_space<hbm>>
          %dma_start3A_327 = arith.constant 0 : i32
          %dma_start3A_328 = arith.constant 0 : i32
          %dma_start3A_329 = tpu.memref_slice %arg3[%run_scoped3A, %scan3A_27, %arg1, %dma_start3A_327, %dma_start3A_328] : memref<2x5x16x16x125xi32, #tpu.memory_space<hbm>> -> memref<1x1x1x16x125xi32, #tpu.memory_space<hbm>>
          %dma_start3A_330 = tpu.memref_squeeze %dma_start3A_329 : memref<1x1x1x16x125xi32, #tpu.memory_space<hbm>> -> memref<16x125xi32, #tpu.memory_space<hbm>>
          tpu.enqueue_dma source(%dma_start3A_330 : memref<16x125xi32, #tpu.memory_space<hbm>>) target(%arg6 : memref<16x125xi32, #tpu.memory_space<vmem>>) target_semaphore(%run_scoped3A_322 : memref<!tpu.dma_semaphore, #tpu.memory_space<semaphore_mem>>)
          %dma_wait3A_331 = arith.constant 0 : i32
          %dma_wait3A_332 = arith.constant 0 : i32
          %dma_wait3A_333 = tpu.memref_slice %arg3[%run_scoped3A, %scan3A_27, %arg1, %dma_wait3A_331, %dma_wait3A_332] : memref<2x5x16x16x125xi32, #tpu.memory_space<hbm>> -> memref<1x1x1x16x125xi32, #tpu.memory_space<hbm>>
          %dma_wait3A_334 = tpu.memref_squeeze %dma_wait3A_333 : memref<1x1x1x16x125xi32, #tpu.memory_space<hbm>> -> memref<16x125xi32, #tpu.memory_space<hbm>>
          %dma_wait3A_335 = arith.constant 0 : i32
          %dma_wait3A_336 = arith.constant 0 : i32
          %dma_wait3A_337 = tpu.memref_slice %arg3[%run_scoped3A, %scan3A_27, %arg1, %dma_wait3A_335, %dma_wait3A_336] : memref<2x5x16x16x125xi32, #tpu.memory_space<hbm>> -> memref<1x1x1x16x125xi32, #tpu.memory_space<hbm>>
          %dma_wait3A_338 = tpu.memref_squeeze %dma_wait3A_337 : memref<1x1x1x16x125xi32, #tpu.memory_space<hbm>> -> memref<16x125xi32, #tpu.memory_space<hbm>>
          tpu.wait_dma2 semaphore(%run_scoped3A_322 : memref<!tpu.dma_semaphore, #tpu.memory_space<semaphore_mem>>) src(%dma_wait3A_338 : memref<16x125xi32, #tpu.memory_space<hbm>>) dst(%arg6 : memref<16x125xi32, #tpu.memory_space<vmem>>)
          tpu.yield
        }) : () -> ()
        %run_scoped3A_28 = arith.constant 1 : i32
        "tpu.region"() ({
          %run_scoped3A_322 = tpu.sem_alloc : memref<!tpu.dma_semaphore, #tpu.memory_space<semaphore_mem>>
          %dma_start3A_323 = arith.constant 0 : i32
          %dma_start3A_324 = arith.constant 0 : i32
          %dma_start3A_325 = tpu.memref_slice %arg4[%run_scoped3A_28, %scan3A_27, %arg1, %dma_start3A_323, %dma_start3A_324] : memref<2x5x16x16x125xi32, #tpu.memory_space<hbm>> -> memref<1x1x1x16x125xi32, #tpu.memory_space<hbm>>
          %dma_start3A_326 = tpu.memref_squeeze %dma_start3A_325 : memref<1x1x1x16x125xi32, #tpu.memory_space<hbm>> -> memref<16x125xi32, #tpu.memory_space<hbm>>
          %dma_start3A_327 = arith.constant 0 : i32
          %dma_start3A_328 = arith.constant 0 : i32
          %dma_start3A_329 = tpu.memref_slice %arg4[%run_scoped3A_28, %scan3A_27, %arg1, %dma_start3A_327, %dma_start3A_328] : memref<2x5x16x16x125xi32, #tpu.memory_space<hbm>> -> memref<1x1x1x16x125xi32, #tpu.memory_space<hbm>>
          %dma_start3A_330 = tpu.memref_squeeze %dma_start3A_329 : memref<1x1x1x16x125xi32, #tpu.memory_space<hbm>> -> memref<16x125xi32, #tpu.memory_space<hbm>>
          tpu.enqueue_dma source(%dma_start3A_330 : memref<16x125xi32, #tpu.memory_space<hbm>>) target(%arg7 : memref<16x125xi32, #tpu.memory_space<vmem>>) target_semaphore(%run_scoped3A_322 : memref<!tpu.dma_semaphore, #tpu.memory_space<semaphore_mem>>)
          %dma_wait3A_331 = arith.constant 0 : i32
          %dma_wait3A_332 = arith.constant 0 : i32
          %dma_wait3A_333 = tpu.memref_slice %arg4[%run_scoped3A_28, %scan3A_27, %arg1, %dma_wait3A_331, %dma_wait3A_332] : memref<2x5x16x16x125xi32, #tpu.memory_space<hbm>> -> memref<1x1x1x16x125xi32, #tpu.memory_space<hbm>>
          %dma_wait3A_334 = tpu.memref_squeeze %dma_wait3A_333 : memref<1x1x1x16x125xi32, #tpu.memory_space<hbm>> -> memref<16x125xi32, #tpu.memory_space<hbm>>
          %dma_wait3A_335 = arith.constant 0 : i32
          %dma_wait3A_336 = arith.constant 0 : i32
          %dma_wait3A_337 = tpu.memref_slice %arg4[%run_scoped3A_28, %scan3A_27, %arg1, %dma_wait3A_335, %dma_wait3A_336] : memref<2x5x16x16x125xi32, #tpu.memory_space<hbm>> -> memref<1x1x1x16x125xi32, #tpu.memory_space<hbm>>
          %dma_wait3A_338 = tpu.memref_squeeze %dma_wait3A_337 : memref<1x1x1x16x125xi32, #tpu.memory_space<hbm>> -> memref<16x125xi32, #tpu.memory_space<hbm>>
          tpu.wait_dma2 semaphore(%run_scoped3A_322 : memref<!tpu.dma_semaphore, #tpu.memory_space<semaphore_mem>>) src(%dma_wait3A_338 : memref<16x125xi32, #tpu.memory_space<hbm>>) dst(%arg7 : memref<16x125xi32, #tpu.memory_space<vmem>>)
          tpu.yield
        }) : () -> ()
        %dma_start3A = arith.constant 0 : i32
        %dma_start3A_29 = arith.constant 0 : i32
        %dma_start3A_30 = tpu.memref_slice %arg6[%dma_start3A, %dma_start3A_29] : memref<16x125xi32, #tpu.memory_space<vmem>> -> memref<1x125xi32, #tpu.memory_space<vmem>>
        %dma_start3A_31 = tpu.memref_squeeze %dma_start3A_30 : memref<1x125xi32, #tpu.memory_space<vmem>> -> memref<125xi32, #tpu.memory_space<vmem>>
        %dma_start3A_32 = arith.constant 0 : i32
        %dma_start3A_33 = arith.constant 0 : i32
        %dma_start3A_34 = tpu.memref_slice %arg2[%dma_start3A_32, %dma_start3A_33] : memref<50000x128xf32, #tpu.memory_space<hbm>> -> memref<50000x128xf32, #tpu.memory_space<hbm>>
        tpu.enqueue_indirect_dma source(%dma_start3A_34 : memref<50000x128xf32, #tpu.memory_space<hbm>>) target(%arg8 : memref<125x128xf32, #tpu.memory_space<vmem>>) offsets(%dma_start3A_31 : memref<125xi32, #tpu.memory_space<vmem>>) semaphore(%arg12 : memref<!tpu.dma_semaphore, #tpu.memory_space<semaphore_mem>>)
        %dma_start3A_35 = arith.constant 1 : i32
        %dma_start3A_36 = arith.constant 0 : i32
        %dma_start3A_37 = tpu.memref_slice %arg6[%dma_start3A_35, %dma_start3A_36] : memref<16x125xi32, #tpu.memory_space<vmem>> -> memref<1x125xi32, #tpu.memory_space<vmem>>
        %dma_start3A_38 = tpu.memref_squeeze %dma_start3A_37 : memref<1x125xi32, #tpu.memory_space<vmem>> -> memref<125xi32, #tpu.memory_space<vmem>>
        %dma_start3A_39 = arith.constant 0 : i32
        %dma_start3A_40 = arith.constant 0 : i32
        %dma_start3A_41 = tpu.memref_slice %arg2[%dma_start3A_39, %dma_start3A_40] : memref<50000x128xf32, #tpu.memory_space<hbm>> -> memref<50000x128xf32, #tpu.memory_space<hbm>>
        tpu.enqueue_indirect_dma source(%dma_start3A_41 : memref<50000x128xf32, #tpu.memory_space<hbm>>) target(%arg9 : memref<125x128xf32, #tpu.memory_space<vmem>>) offsets(%dma_start3A_38 : memref<125xi32, #tpu.memory_space<vmem>>) semaphore(%arg13 : memref<!tpu.dma_semaphore, #tpu.memory_space<semaphore_mem>>)
        %gt3A = arith.constant 0 : i32
        %gt3A_42 = arith.cmpi sgt, %scan3A_27, %gt3A : i32
        %convert_element_type3A_43 = arith.extui %gt3A_42 : i1 to i32
        %cond3A_44 = arith.constant 0 : i32
        %cond3A_45 = arith.cmpi ne, %convert_element_type3A_43, %cond3A_44 : i32
        scf.if %cond3A_45 {
          %mul3A_322 = arith.constant 640 : i32
          %mul3A_323 = arith.muli %arg1, %mul3A_322 : i32
          %mul3A_324 = arith.constant 640 : i32
          %mul3A_325 = arith.muli %arg1, %mul3A_324 : i32
          %dma_wait3A_326 = arith.constant 1 : i32
          %dma_wait3A_327 = arith.constant 0 : i32
          %dma_wait3A_328 = arith.constant 0 : i32
          %dma_wait3A_329 = tpu.memref_slice %arg11[%mul3A_325, %dma_wait3A_328] : memref<10240x128xf32, #tpu.memory_space<vmem_shared>> -> memref<640x128xf32, #tpu.memory_space<vmem_shared>>
          %dma_wait3A_330 = arith.constant 0 : i32
          %dma_wait3A_331 = tpu.memref_slice %arg5[%dma_wait3A_326, %dma_wait3A_327, %mul3A_323, %dma_wait3A_330] : memref<2x5x10240x128xf32, #tpu.memory_space<hbm>> -> memref<1x1x640x128xf32, #tpu.memory_space<hbm>>
          %dma_wait3A_332 = tpu.memref_squeeze %dma_wait3A_331 : memref<1x1x640x128xf32, #tpu.memory_space<hbm>> -> memref<640x128xf32, #tpu.memory_space<hbm>>
          tpu.wait_dma2 semaphore(%arg14 : memref<!tpu.dma_semaphore, #tpu.memory_space<semaphore_mem>>) src(%dma_wait3A_332 : memref<640x128xf32, #tpu.memory_space<hbm>>) dst(%dma_wait3A_329 : memref<640x128xf32, #tpu.memory_space<vmem_shared>>)
        } else {
        }
        %mul3A_46 = arith.constant 640 : i32
        %mul3A_47 = arith.muli %arg1, %mul3A_46 : i32
        %add3A = arith.constant 0 : i32
        %add3A_48 = arith.addi %mul3A_47, %add3A : i32
        "tpu.region"() ({
          %run_scoped3A_322 = tpu.sem_alloc : memref<!tpu.dma_semaphore, #tpu.memory_space<semaphore_mem>>
          %dma_start3A_323 = arith.constant 0 : i32
          %dma_start3A_324 = tpu.memref_slice %arg11[%add3A_48, %dma_start3A_323] : memref<10240x128xf32, #tpu.memory_space<vmem_shared>> -> memref<64x128xf32, #tpu.memory_space<vmem_shared>>
          %dma_start3A_325 = arith.constant 0 : i32
          %dma_start3A_326 = tpu.memref_slice %arg11[%add3A_48, %dma_start3A_325] : memref<10240x128xf32, #tpu.memory_space<vmem_shared>> -> memref<64x128xf32, #tpu.memory_space<vmem_shared>>
          tpu.enqueue_dma source(%arg10 : memref<64x128xf32, #tpu.memory_space<vmem>>) target(%dma_start3A_326 : memref<64x128xf32, #tpu.memory_space<vmem_shared>>) target_semaphore(%run_scoped3A_322 : memref<!tpu.dma_semaphore, #tpu.memory_space<semaphore_mem>>)
          %dma_wait3A_327 = arith.constant 0 : i32
          %dma_wait3A_328 = tpu.memref_slice %arg11[%add3A_48, %dma_wait3A_327] : memref<10240x128xf32, #tpu.memory_space<vmem_shared>> -> memref<64x128xf32, #tpu.memory_space<vmem_shared>>
          %dma_wait3A_329 = arith.constant 0 : i32
          %dma_wait3A_330 = tpu.memref_slice %arg11[%add3A_48, %dma_wait3A_329] : memref<10240x128xf32, #tpu.memory_space<vmem_shared>> -> memref<64x128xf32, #tpu.memory_space<vmem_shared>>
          tpu.wait_dma2 semaphore(%run_scoped3A_322 : memref<!tpu.dma_semaphore, #tpu.memory_space<semaphore_mem>>) src(%arg10 : memref<64x128xf32, #tpu.memory_space<vmem>>) dst(%dma_wait3A_330 : memref<64x128xf32, #tpu.memory_space<vmem_shared>>)
          tpu.yield
        }) : () -> ()
        %mul3A_49 = arith.constant 640 : i32
        %mul3A_50 = arith.muli %arg1, %mul3A_49 : i32
        %add3A_51 = arith.constant 64 : i32
        %add3A_52 = arith.addi %mul3A_50, %add3A_51 : i32
        "tpu.region"() ({
          %run_scoped3A_322 = tpu.sem_alloc : memref<!tpu.dma_semaphore, #tpu.memory_space<semaphore_mem>>
          %dma_start3A_323 = arith.constant 0 : i32
          %dma_start3A_324 = tpu.memref_slice %arg11[%add3A_52, %dma_start3A_323] : memref<10240x128xf32, #tpu.memory_space<vmem_shared>> -> memref<64x128xf32, #tpu.memory_space<vmem_shared>>
          %dma_start3A_325 = arith.constant 0 : i32
          %dma_start3A_326 = tpu.memref_slice %arg11[%add3A_52, %dma_start3A_325] : memref<10240x128xf32, #tpu.memory_space<vmem_shared>> -> memref<64x128xf32, #tpu.memory_space<vmem_shared>>
          tpu.enqueue_dma source(%arg10 : memref<64x128xf32, #tpu.memory_space<vmem>>) target(%dma_start3A_326 : memref<64x128xf32, #tpu.memory_space<vmem_shared>>) target_semaphore(%run_scoped3A_322 : memref<!tpu.dma_semaphore, #tpu.memory_space<semaphore_mem>>)
          %dma_wait3A_327 = arith.constant 0 : i32
          %dma_wait3A_328 = tpu.memref_slice %arg11[%add3A_52, %dma_wait3A_327] : memref<10240x128xf32, #tpu.memory_space<vmem_shared>> -> memref<64x128xf32, #tpu.memory_space<vmem_shared>>
          %dma_wait3A_329 = arith.constant 0 : i32
          %dma_wait3A_330 = tpu.memref_slice %arg11[%add3A_52, %dma_wait3A_329] : memref<10240x128xf32, #tpu.memory_space<vmem_shared>> -> memref<64x128xf32, #tpu.memory_space<vmem_shared>>
          tpu.wait_dma2 semaphore(%run_scoped3A_322 : memref<!tpu.dma_semaphore, #tpu.memory_space<semaphore_mem>>) src(%arg10 : memref<64x128xf32, #tpu.memory_space<vmem>>) dst(%dma_wait3A_330 : memref<64x128xf32, #tpu.memory_space<vmem_shared>>)
          tpu.yield
        }) : () -> ()
        %mul3A_53 = arith.constant 640 : i32
        %mul3A_54 = arith.muli %arg1, %mul3A_53 : i32
        %add3A_55 = arith.constant 128 : i32
        %add3A_56 = arith.addi %mul3A_54, %add3A_55 : i32
        "tpu.region"() ({
          %run_scoped3A_322 = tpu.sem_alloc : memref<!tpu.dma_semaphore, #tpu.memory_space<semaphore_mem>>
          %dma_start3A_323 = arith.constant 0 : i32
          %dma_start3A_324 = tpu.memref_slice %arg11[%add3A_56, %dma_start3A_323] : memref<10240x128xf32, #tpu.memory_space<vmem_shared>> -> memref<64x128xf32, #tpu.memory_space<vmem_shared>>
          %dma_start3A_325 = arith.constant 0 : i32
          %dma_start3A_326 = tpu.memref_slice %arg11[%add3A_56, %dma_start3A_325] : memref<10240x128xf32, #tpu.memory_space<vmem_shared>> -> memref<64x128xf32, #tpu.memory_space<vmem_shared>>
          tpu.enqueue_dma source(%arg10 : memref<64x128xf32, #tpu.memory_space<vmem>>) target(%dma_start3A_326 : memref<64x128xf32, #tpu.memory_space<vmem_shared>>) target_semaphore(%run_scoped3A_322 : memref<!tpu.dma_semaphore, #tpu.memory_space<semaphore_mem>>)
          %dma_wait3A_327 = arith.constant 0 : i32
          %dma_wait3A_328 = tpu.memref_slice %arg11[%add3A_56, %dma_wait3A_327] : memref<10240x128xf32, #tpu.memory_space<vmem_shared>> -> memref<64x128xf32, #tpu.memory_space<vmem_shared>>
          %dma_wait3A_329 = arith.constant 0 : i32
          %dma_wait3A_330 = tpu.memref_slice %arg11[%add3A_56, %dma_wait3A_329] : memref<10240x128xf32, #tpu.memory_space<vmem_shared>> -> memref<64x128xf32, #tpu.memory_space<vmem_shared>>
          tpu.wait_dma2 semaphore(%run_scoped3A_322 : memref<!tpu.dma_semaphore, #tpu.memory_space<semaphore_mem>>) src(%arg10 : memref<64x128xf32, #tpu.memory_space<vmem>>) dst(%dma_wait3A_330 : memref<64x128xf32, #tpu.memory_space<vmem_shared>>)
          tpu.yield
        }) : () -> ()
        %mul3A_57 = arith.constant 640 : i32
        %mul3A_58 = arith.muli %arg1, %mul3A_57 : i32
        %add3A_59 = arith.constant 192 : i32
        %add3A_60 = arith.addi %mul3A_58, %add3A_59 : i32
        "tpu.region"() ({
          %run_scoped3A_322 = tpu.sem_alloc : memref<!tpu.dma_semaphore, #tpu.memory_space<semaphore_mem>>
          %dma_start3A_323 = arith.constant 0 : i32
          %dma_start3A_324 = tpu.memref_slice %arg11[%add3A_60, %dma_start3A_323] : memref<10240x128xf32, #tpu.memory_space<vmem_shared>> -> memref<64x128xf32, #tpu.memory_space<vmem_shared>>
          %dma_start3A_325 = arith.constant 0 : i32
          %dma_start3A_326 = tpu.memref_slice %arg11[%add3A_60, %dma_start3A_325] : memref<10240x128xf32, #tpu.memory_space<vmem_shared>> -> memref<64x128xf32, #tpu.memory_space<vmem_shared>>
          tpu.enqueue_dma source(%arg10 : memref<64x128xf32, #tpu.memory_space<vmem>>) target(%dma_start3A_326 : memref<64x128xf32, #tpu.memory_space<vmem_shared>>) target_semaphore(%run_scoped3A_322 : memref<!tpu.dma_semaphore, #tpu.memory_space<semaphore_mem>>)
          %dma_wait3A_327 = arith.constant 0 : i32
          %dma_wait3A_328 = tpu.memref_slice %arg11[%add3A_60, %dma_wait3A_327] : memref<10240x128xf32, #tpu.memory_space<vmem_shared>> -> memref<64x128xf32, #tpu.memory_space<vmem_shared>>
          %dma_wait3A_329 = arith.constant 0 : i32
          %dma_wait3A_330 = tpu.memref_slice %arg11[%add3A_60, %dma_wait3A_329] : memref<10240x128xf32, #tpu.memory_space<vmem_shared>> -> memref<64x128xf32, #tpu.memory_space<vmem_shared>>
          tpu.wait_dma2 semaphore(%run_scoped3A_322 : memref<!tpu.dma_semaphore, #tpu.memory_space<semaphore_mem>>) src(%arg10 : memref<64x128xf32, #tpu.memory_space<vmem>>) dst(%dma_wait3A_330 : memref<64x128xf32, #tpu.memory_space<vmem_shared>>)
          tpu.yield
        }) : () -> ()
        %mul3A_61 = arith.constant 640 : i32
        %mul3A_62 = arith.muli %arg1, %mul3A_61 : i32
        %add3A_63 = arith.constant 256 : i32
        %add3A_64 = arith.addi %mul3A_62, %add3A_63 : i32
        "tpu.region"() ({
          %run_scoped3A_322 = tpu.sem_alloc : memref<!tpu.dma_semaphore, #tpu.memory_space<semaphore_mem>>
          %dma_start3A_323 = arith.constant 0 : i32
          %dma_start3A_324 = tpu.memref_slice %arg11[%add3A_64, %dma_start3A_323] : memref<10240x128xf32, #tpu.memory_space<vmem_shared>> -> memref<64x128xf32, #tpu.memory_space<vmem_shared>>
          %dma_start3A_325 = arith.constant 0 : i32
          %dma_start3A_326 = tpu.memref_slice %arg11[%add3A_64, %dma_start3A_325] : memref<10240x128xf32, #tpu.memory_space<vmem_shared>> -> memref<64x128xf32, #tpu.memory_space<vmem_shared>>
          tpu.enqueue_dma source(%arg10 : memref<64x128xf32, #tpu.memory_space<vmem>>) target(%dma_start3A_326 : memref<64x128xf32, #tpu.memory_space<vmem_shared>>) target_semaphore(%run_scoped3A_322 : memref<!tpu.dma_semaphore, #tpu.memory_space<semaphore_mem>>)
          %dma_wait3A_327 = arith.constant 0 : i32
          %dma_wait3A_328 = tpu.memref_slice %arg11[%add3A_64, %dma_wait3A_327] : memref<10240x128xf32, #tpu.memory_space<vmem_shared>> -> memref<64x128xf32, #tpu.memory_space<vmem_shared>>
          %dma_wait3A_329 = arith.constant 0 : i32
          %dma_wait3A_330 = tpu.memref_slice %arg11[%add3A_64, %dma_wait3A_329] : memref<10240x128xf32, #tpu.memory_space<vmem_shared>> -> memref<64x128xf32, #tpu.memory_space<vmem_shared>>
          tpu.wait_dma2 semaphore(%run_scoped3A_322 : memref<!tpu.dma_semaphore, #tpu.memory_space<semaphore_mem>>) src(%arg10 : memref<64x128xf32, #tpu.memory_space<vmem>>) dst(%dma_wait3A_330 : memref<64x128xf32, #tpu.memory_space<vmem_shared>>)
          tpu.yield
        }) : () -> ()
        %mul3A_65 = arith.constant 640 : i32
        %mul3A_66 = arith.muli %arg1, %mul3A_65 : i32
        %add3A_67 = arith.constant 320 : i32
        %add3A_68 = arith.addi %mul3A_66, %add3A_67 : i32
        "tpu.region"() ({
          %run_scoped3A_322 = tpu.sem_alloc : memref<!tpu.dma_semaphore, #tpu.memory_space<semaphore_mem>>
          %dma_start3A_323 = arith.constant 0 : i32
          %dma_start3A_324 = tpu.memref_slice %arg11[%add3A_68, %dma_start3A_323] : memref<10240x128xf32, #tpu.memory_space<vmem_shared>> -> memref<64x128xf32, #tpu.memory_space<vmem_shared>>
          %dma_start3A_325 = arith.constant 0 : i32
          %dma_start3A_326 = tpu.memref_slice %arg11[%add3A_68, %dma_start3A_325] : memref<10240x128xf32, #tpu.memory_space<vmem_shared>> -> memref<64x128xf32, #tpu.memory_space<vmem_shared>>
          tpu.enqueue_dma source(%arg10 : memref<64x128xf32, #tpu.memory_space<vmem>>) target(%dma_start3A_326 : memref<64x128xf32, #tpu.memory_space<vmem_shared>>) target_semaphore(%run_scoped3A_322 : memref<!tpu.dma_semaphore, #tpu.memory_space<semaphore_mem>>)
          %dma_wait3A_327 = arith.constant 0 : i32
          %dma_wait3A_328 = tpu.memref_slice %arg11[%add3A_68, %dma_wait3A_327] : memref<10240x128xf32, #tpu.memory_space<vmem_shared>> -> memref<64x128xf32, #tpu.memory_space<vmem_shared>>
          %dma_wait3A_329 = arith.constant 0 : i32
          %dma_wait3A_330 = tpu.memref_slice %arg11[%add3A_68, %dma_wait3A_329] : memref<10240x128xf32, #tpu.memory_space<vmem_shared>> -> memref<64x128xf32, #tpu.memory_space<vmem_shared>>
          tpu.wait_dma2 semaphore(%run_scoped3A_322 : memref<!tpu.dma_semaphore, #tpu.memory_space<semaphore_mem>>) src(%arg10 : memref<64x128xf32, #tpu.memory_space<vmem>>) dst(%dma_wait3A_330 : memref<64x128xf32, #tpu.memory_space<vmem_shared>>)
          tpu.yield
        }) : () -> ()
        %mul3A_69 = arith.constant 640 : i32
        %mul3A_70 = arith.muli %arg1, %mul3A_69 : i32
        %add3A_71 = arith.constant 384 : i32
        %add3A_72 = arith.addi %mul3A_70, %add3A_71 : i32
        "tpu.region"() ({
          %run_scoped3A_322 = tpu.sem_alloc : memref<!tpu.dma_semaphore, #tpu.memory_space<semaphore_mem>>
          %dma_start3A_323 = arith.constant 0 : i32
          %dma_start3A_324 = tpu.memref_slice %arg11[%add3A_72, %dma_start3A_323] : memref<10240x128xf32, #tpu.memory_space<vmem_shared>> -> memref<64x128xf32, #tpu.memory_space<vmem_shared>>
          %dma_start3A_325 = arith.constant 0 : i32
          %dma_start3A_326 = tpu.memref_slice %arg11[%add3A_72, %dma_start3A_325] : memref<10240x128xf32, #tpu.memory_space<vmem_shared>> -> memref<64x128xf32, #tpu.memory_space<vmem_shared>>
          tpu.enqueue_dma source(%arg10 : memref<64x128xf32, #tpu.memory_space<vmem>>) target(%dma_start3A_326 : memref<64x128xf32, #tpu.memory_space<vmem_shared>>) target_semaphore(%run_scoped3A_322 : memref<!tpu.dma_semaphore, #tpu.memory_space<semaphore_mem>>)
          %dma_wait3A_327 = arith.constant 0 : i32
          %dma_wait3A_328 = tpu.memref_slice %arg11[%add3A_72, %dma_wait3A_327] : memref<10240x128xf32, #tpu.memory_space<vmem_shared>> -> memref<64x128xf32, #tpu.memory_space<vmem_shared>>
          %dma_wait3A_329 = arith.constant 0 : i32
          %dma_wait3A_330 = tpu.memref_slice %arg11[%add3A_72, %dma_wait3A_329] : memref<10240x128xf32, #tpu.memory_space<vmem_shared>> -> memref<64x128xf32, #tpu.memory_space<vmem_shared>>
          tpu.wait_dma2 semaphore(%run_scoped3A_322 : memref<!tpu.dma_semaphore, #tpu.memory_space<semaphore_mem>>) src(%arg10 : memref<64x128xf32, #tpu.memory_space<vmem>>) dst(%dma_wait3A_330 : memref<64x128xf32, #tpu.memory_space<vmem_shared>>)
          tpu.yield
        }) : () -> ()
        %mul3A_73 = arith.constant 640 : i32
        %mul3A_74 = arith.muli %arg1, %mul3A_73 : i32
        %add3A_75 = arith.constant 448 : i32
        %add3A_76 = arith.addi %mul3A_74, %add3A_75 : i32
        "tpu.region"() ({
          %run_scoped3A_322 = tpu.sem_alloc : memref<!tpu.dma_semaphore, #tpu.memory_space<semaphore_mem>>
          %dma_start3A_323 = arith.constant 0 : i32
          %dma_start3A_324 = tpu.memref_slice %arg11[%add3A_76, %dma_start3A_323] : memref<10240x128xf32, #tpu.memory_space<vmem_shared>> -> memref<64x128xf32, #tpu.memory_space<vmem_shared>>
          %dma_start3A_325 = arith.constant 0 : i32
          %dma_start3A_326 = tpu.memref_slice %arg11[%add3A_76, %dma_start3A_325] : memref<10240x128xf32, #tpu.memory_space<vmem_shared>> -> memref<64x128xf32, #tpu.memory_space<vmem_shared>>
          tpu.enqueue_dma source(%arg10 : memref<64x128xf32, #tpu.memory_space<vmem>>) target(%dma_start3A_326 : memref<64x128xf32, #tpu.memory_space<vmem_shared>>) target_semaphore(%run_scoped3A_322 : memref<!tpu.dma_semaphore, #tpu.memory_space<semaphore_mem>>)
          %dma_wait3A_327 = arith.constant 0 : i32
          %dma_wait3A_328 = tpu.memref_slice %arg11[%add3A_76, %dma_wait3A_327] : memref<10240x128xf32, #tpu.memory_space<vmem_shared>> -> memref<64x128xf32, #tpu.memory_space<vmem_shared>>
          %dma_wait3A_329 = arith.constant 0 : i32
          %dma_wait3A_330 = tpu.memref_slice %arg11[%add3A_76, %dma_wait3A_329] : memref<10240x128xf32, #tpu.memory_space<vmem_shared>> -> memref<64x128xf32, #tpu.memory_space<vmem_shared>>
          tpu.wait_dma2 semaphore(%run_scoped3A_322 : memref<!tpu.dma_semaphore, #tpu.memory_space<semaphore_mem>>) src(%arg10 : memref<64x128xf32, #tpu.memory_space<vmem>>) dst(%dma_wait3A_330 : memref<64x128xf32, #tpu.memory_space<vmem_shared>>)
          tpu.yield
        }) : () -> ()
        %mul3A_77 = arith.constant 640 : i32
        %mul3A_78 = arith.muli %arg1, %mul3A_77 : i32
        %add3A_79 = arith.constant 512 : i32
        %add3A_80 = arith.addi %mul3A_78, %add3A_79 : i32
        "tpu.region"() ({
          %run_scoped3A_322 = tpu.sem_alloc : memref<!tpu.dma_semaphore, #tpu.memory_space<semaphore_mem>>
          %dma_start3A_323 = arith.constant 0 : i32
          %dma_start3A_324 = tpu.memref_slice %arg11[%add3A_80, %dma_start3A_323] : memref<10240x128xf32, #tpu.memory_space<vmem_shared>> -> memref<64x128xf32, #tpu.memory_space<vmem_shared>>
          %dma_start3A_325 = arith.constant 0 : i32
          %dma_start3A_326 = tpu.memref_slice %arg11[%add3A_80, %dma_start3A_325] : memref<10240x128xf32, #tpu.memory_space<vmem_shared>> -> memref<64x128xf32, #tpu.memory_space<vmem_shared>>
          tpu.enqueue_dma source(%arg10 : memref<64x128xf32, #tpu.memory_space<vmem>>) target(%dma_start3A_326 : memref<64x128xf32, #tpu.memory_space<vmem_shared>>) target_semaphore(%run_scoped3A_322 : memref<!tpu.dma_semaphore, #tpu.memory_space<semaphore_mem>>)
          %dma_wait3A_327 = arith.constant 0 : i32
          %dma_wait3A_328 = tpu.memref_slice %arg11[%add3A_80, %dma_wait3A_327] : memref<10240x128xf32, #tpu.memory_space<vmem_shared>> -> memref<64x128xf32, #tpu.memory_space<vmem_shared>>
          %dma_wait3A_329 = arith.constant 0 : i32
          %dma_wait3A_330 = tpu.memref_slice %arg11[%add3A_80, %dma_wait3A_329] : memref<10240x128xf32, #tpu.memory_space<vmem_shared>> -> memref<64x128xf32, #tpu.memory_space<vmem_shared>>
          tpu.wait_dma2 semaphore(%run_scoped3A_322 : memref<!tpu.dma_semaphore, #tpu.memory_space<semaphore_mem>>) src(%arg10 : memref<64x128xf32, #tpu.memory_space<vmem>>) dst(%dma_wait3A_330 : memref<64x128xf32, #tpu.memory_space<vmem_shared>>)
          tpu.yield
        }) : () -> ()
        %mul3A_81 = arith.constant 640 : i32
        %mul3A_82 = arith.muli %arg1, %mul3A_81 : i32
        %add3A_83 = arith.constant 576 : i32
        %add3A_84 = arith.addi %mul3A_82, %add3A_83 : i32
        "tpu.region"() ({
          %run_scoped3A_322 = tpu.sem_alloc : memref<!tpu.dma_semaphore, #tpu.memory_space<semaphore_mem>>
          %dma_start3A_323 = arith.constant 0 : i32
          %dma_start3A_324 = tpu.memref_slice %arg11[%add3A_84, %dma_start3A_323] : memref<10240x128xf32, #tpu.memory_space<vmem_shared>> -> memref<64x128xf32, #tpu.memory_space<vmem_shared>>
          %dma_start3A_325 = arith.constant 0 : i32
          %dma_start3A_326 = tpu.memref_slice %arg11[%add3A_84, %dma_start3A_325] : memref<10240x128xf32, #tpu.memory_space<vmem_shared>> -> memref<64x128xf32, #tpu.memory_space<vmem_shared>>
          tpu.enqueue_dma source(%arg10 : memref<64x128xf32, #tpu.memory_space<vmem>>) target(%dma_start3A_326 : memref<64x128xf32, #tpu.memory_space<vmem_shared>>) target_semaphore(%run_scoped3A_322 : memref<!tpu.dma_semaphore, #tpu.memory_space<semaphore_mem>>)
          %dma_wait3A_327 = arith.constant 0 : i32
          %dma_wait3A_328 = tpu.memref_slice %arg11[%add3A_84, %dma_wait3A_327] : memref<10240x128xf32, #tpu.memory_space<vmem_shared>> -> memref<64x128xf32, #tpu.memory_space<vmem_shared>>
          %dma_wait3A_329 = arith.constant 0 : i32
          %dma_wait3A_330 = tpu.memref_slice %arg11[%add3A_84, %dma_wait3A_329] : memref<10240x128xf32, #tpu.memory_space<vmem_shared>> -> memref<64x128xf32, #tpu.memory_space<vmem_shared>>
          tpu.wait_dma2 semaphore(%run_scoped3A_322 : memref<!tpu.dma_semaphore, #tpu.memory_space<semaphore_mem>>) src(%arg10 : memref<64x128xf32, #tpu.memory_space<vmem>>) dst(%dma_wait3A_330 : memref<64x128xf32, #tpu.memory_space<vmem_shared>>)
          tpu.yield
        }) : () -> ()
        %barrier3A = arith.constant 0 : index
        tpu.barrier barrier_id(%barrier3A)
        %dma_wait3A_85 = arith.constant 0 : i32
        %dma_wait3A_86 = arith.constant 0 : i32
        %dma_wait3A_87 = tpu.memref_slice %arg6[%dma_wait3A_85, %dma_wait3A_86] : memref<16x125xi32, #tpu.memory_space<vmem>> -> memref<1x125xi32, #tpu.memory_space<vmem>>
        %dma_wait3A_88 = tpu.memref_squeeze %dma_wait3A_87 : memref<1x125xi32, #tpu.memory_space<vmem>> -> memref<125xi32, #tpu.memory_space<vmem>>
        %dma_wait3A_89 = arith.constant 0 : i32
        %dma_wait3A_90 = arith.constant 0 : i32
        %dma_wait3A_91 = tpu.memref_slice %arg2[%dma_wait3A_89, %dma_wait3A_90] : memref<50000x128xf32, #tpu.memory_space<hbm>> -> memref<50000x128xf32, #tpu.memory_space<hbm>>
        tpu.wait_indirect_dma semaphore(%arg12 : memref<!tpu.dma_semaphore, #tpu.memory_space<semaphore_mem>>) src(%dma_wait3A_91 : memref<50000x128xf32, #tpu.memory_space<hbm>>) dst(%arg8 : memref<125x128xf32, #tpu.memory_space<vmem>>)
        %run_scoped3A_92 = arith.constant 0 : i32
        "tpu.region"() ({
          %run_scoped3A_322 = tpu.sem_alloc : memref<!tpu.dma_semaphore, #tpu.memory_space<semaphore_mem>>
          %dma_start3A_323 = arith.constant 0 : i32
          %dma_start3A_324 = tpu.memref_slice %arg7[%run_scoped3A_92, %dma_start3A_323] : memref<16x125xi32, #tpu.memory_space<vmem>> -> memref<1x125xi32, #tpu.memory_space<vmem>>
          %dma_start3A_325 = tpu.memref_squeeze %dma_start3A_324 : memref<1x125xi32, #tpu.memory_space<vmem>> -> memref<125xi32, #tpu.memory_space<vmem>>
          %dma_start3A_326 = arith.constant 0 : i32
          %dma_start3A_327 = arith.constant 0 : i32
          %dma_start3A_328 = tpu.memref_slice %arg11[%dma_start3A_326, %dma_start3A_327] : memref<10240x128xf32, #tpu.memory_space<vmem_shared>> -> memref<10240x128xf32, #tpu.memory_space<vmem_shared>>
          tpu.enqueue_indirect_dma source(%arg8 : memref<125x128xf32, #tpu.memory_space<vmem>>) target(%dma_start3A_328 : memref<10240x128xf32, #tpu.memory_space<vmem_shared>>) offsets(%dma_start3A_325 : memref<125xi32, #tpu.memory_space<vmem>>) semaphore(%run_scoped3A_322 : memref<!tpu.dma_semaphore, #tpu.memory_space<semaphore_mem>>) {add = true}
          %dma_wait3A_329 = arith.constant 0 : i32
          %dma_wait3A_330 = tpu.memref_slice %arg7[%run_scoped3A_92, %dma_wait3A_329] : memref<16x125xi32, #tpu.memory_space<vmem>> -> memref<1x125xi32, #tpu.memory_space<vmem>>
          %dma_wait3A_331 = tpu.memref_squeeze %dma_wait3A_330 : memref<1x125xi32, #tpu.memory_space<vmem>> -> memref<125xi32, #tpu.memory_space<vmem>>
          %dma_wait3A_332 = arith.constant 0 : i32
          %dma_wait3A_333 = arith.constant 0 : i32
          %dma_wait3A_334 = tpu.memref_slice %arg11[%dma_wait3A_332, %dma_wait3A_333] : memref<10240x128xf32, #tpu.memory_space<vmem_shared>> -> memref<10240x128xf32, #tpu.memory_space<vmem_shared>>
          tpu.wait_indirect_dma semaphore(%run_scoped3A_322 : memref<!tpu.dma_semaphore, #tpu.memory_space<semaphore_mem>>) src(%arg8 : memref<125x128xf32, #tpu.memory_space<vmem>>) dst(%dma_wait3A_334 : memref<10240x128xf32, #tpu.memory_space<vmem_shared>>)
          tpu.yield
        }) : () -> ()
        %dma_start3A_93 = arith.constant 2 : i32
        %dma_start3A_94 = arith.constant 0 : i32
        %dma_start3A_95 = tpu.memref_slice %arg6[%dma_start3A_93, %dma_start3A_94] : memref<16x125xi32, #tpu.memory_space<vmem>> -> memref<1x125xi32, #tpu.memory_space<vmem>>
        %dma_start3A_96 = tpu.memref_squeeze %dma_start3A_95 : memref<1x125xi32, #tpu.memory_space<vmem>> -> memref<125xi32, #tpu.memory_space<vmem>>
        %dma_start3A_97 = arith.constant 0 : i32
        %dma_start3A_98 = arith.constant 0 : i32
        %dma_start3A_99 = tpu.memref_slice %arg2[%dma_start3A_97, %dma_start3A_98] : memref<50000x128xf32, #tpu.memory_space<hbm>> -> memref<50000x128xf32, #tpu.memory_space<hbm>>
        tpu.enqueue_indirect_dma source(%dma_start3A_99 : memref<50000x128xf32, #tpu.memory_space<hbm>>) target(%arg8 : memref<125x128xf32, #tpu.memory_space<vmem>>) offsets(%dma_start3A_96 : memref<125xi32, #tpu.memory_space<vmem>>) semaphore(%arg12 : memref<!tpu.dma_semaphore, #tpu.memory_space<semaphore_mem>>)
        %dma_wait3A_100 = arith.constant 1 : i32
        %dma_wait3A_101 = arith.constant 0 : i32
        %dma_wait3A_102 = tpu.memref_slice %arg6[%dma_wait3A_100, %dma_wait3A_101] : memref<16x125xi32, #tpu.memory_space<vmem>> -> memref<1x125xi32, #tpu.memory_space<vmem>>
        %dma_wait3A_103 = tpu.memref_squeeze %dma_wait3A_102 : memref<1x125xi32, #tpu.memory_space<vmem>> -> memref<125xi32, #tpu.memory_space<vmem>>
        %dma_wait3A_104 = arith.constant 0 : i32
        %dma_wait3A_105 = arith.constant 0 : i32
        %dma_wait3A_106 = tpu.memref_slice %arg2[%dma_wait3A_104, %dma_wait3A_105] : memref<50000x128xf32, #tpu.memory_space<hbm>> -> memref<50000x128xf32, #tpu.memory_space<hbm>>
        tpu.wait_indirect_dma semaphore(%arg13 : memref<!tpu.dma_semaphore, #tpu.memory_space<semaphore_mem>>) src(%dma_wait3A_106 : memref<50000x128xf32, #tpu.memory_space<hbm>>) dst(%arg9 : memref<125x128xf32, #tpu.memory_space<vmem>>)
        %run_scoped3A_107 = arith.constant 1 : i32
        "tpu.region"() ({
          %run_scoped3A_322 = tpu.sem_alloc : memref<!tpu.dma_semaphore, #tpu.memory_space<semaphore_mem>>
          %dma_start3A_323 = arith.constant 0 : i32
          %dma_start3A_324 = tpu.memref_slice %arg7[%run_scoped3A_107, %dma_start3A_323] : memref<16x125xi32, #tpu.memory_space<vmem>> -> memref<1x125xi32, #tpu.memory_space<vmem>>
          %dma_start3A_325 = tpu.memref_squeeze %dma_start3A_324 : memref<1x125xi32, #tpu.memory_space<vmem>> -> memref<125xi32, #tpu.memory_space<vmem>>
          %dma_start3A_326 = arith.constant 0 : i32
          %dma_start3A_327 = arith.constant 0 : i32
          %dma_start3A_328 = tpu.memref_slice %arg11[%dma_start3A_326, %dma_start3A_327] : memref<10240x128xf32, #tpu.memory_space<vmem_shared>> -> memref<10240x128xf32, #tpu.memory_space<vmem_shared>>
          tpu.enqueue_indirect_dma source(%arg9 : memref<125x128xf32, #tpu.memory_space<vmem>>) target(%dma_start3A_328 : memref<10240x128xf32, #tpu.memory_space<vmem_shared>>) offsets(%dma_start3A_325 : memref<125xi32, #tpu.memory_space<vmem>>) semaphore(%run_scoped3A_322 : memref<!tpu.dma_semaphore, #tpu.memory_space<semaphore_mem>>) {add = true}
          %dma_wait3A_329 = arith.constant 0 : i32
          %dma_wait3A_330 = tpu.memref_slice %arg7[%run_scoped3A_107, %dma_wait3A_329] : memref<16x125xi32, #tpu.memory_space<vmem>> -> memref<1x125xi32, #tpu.memory_space<vmem>>
          %dma_wait3A_331 = tpu.memref_squeeze %dma_wait3A_330 : memref<1x125xi32, #tpu.memory_space<vmem>> -> memref<125xi32, #tpu.memory_space<vmem>>
          %dma_wait3A_332 = arith.constant 0 : i32
          %dma_wait3A_333 = arith.constant 0 : i32
          %dma_wait3A_334 = tpu.memref_slice %arg11[%dma_wait3A_332, %dma_wait3A_333] : memref<10240x128xf32, #tpu.memory_space<vmem_shared>> -> memref<10240x128xf32, #tpu.memory_space<vmem_shared>>
          tpu.wait_indirect_dma semaphore(%run_scoped3A_322 : memref<!tpu.dma_semaphore, #tpu.memory_space<semaphore_mem>>) src(%arg9 : memref<125x128xf32, #tpu.memory_space<vmem>>) dst(%dma_wait3A_334 : memref<10240x128xf32, #tpu.memory_space<vmem_shared>>)
          tpu.yield
        }) : () -> ()
        %dma_start3A_108 = arith.constant 3 : i32
        %dma_start3A_109 = arith.constant 0 : i32
        %dma_start3A_110 = tpu.memref_slice %arg6[%dma_start3A_108, %dma_start3A_109] : memref<16x125xi32, #tpu.memory_space<vmem>> -> memref<1x125xi32, #tpu.memory_space<vmem>>
        %dma_start3A_111 = tpu.memref_squeeze %dma_start3A_110 : memref<1x125xi32, #tpu.memory_space<vmem>> -> memref<125xi32, #tpu.memory_space<vmem>>
        %dma_start3A_112 = arith.constant 0 : i32
        %dma_start3A_113 = arith.constant 0 : i32
        %dma_start3A_114 = tpu.memref_slice %arg2[%dma_start3A_112, %dma_start3A_113] : memref<50000x128xf32, #tpu.memory_space<hbm>> -> memref<50000x128xf32, #tpu.memory_space<hbm>>
        tpu.enqueue_indirect_dma source(%dma_start3A_114 : memref<50000x128xf32, #tpu.memory_space<hbm>>) target(%arg9 : memref<125x128xf32, #tpu.memory_space<vmem>>) offsets(%dma_start3A_111 : memref<125xi32, #tpu.memory_space<vmem>>) semaphore(%arg13 : memref<!tpu.dma_semaphore, #tpu.memory_space<semaphore_mem>>)
        %dma_wait3A_115 = arith.constant 2 : i32
        %dma_wait3A_116 = arith.constant 0 : i32
        %dma_wait3A_117 = tpu.memref_slice %arg6[%dma_wait3A_115, %dma_wait3A_116] : memref<16x125xi32, #tpu.memory_space<vmem>> -> memref<1x125xi32, #tpu.memory_space<vmem>>
        %dma_wait3A_118 = tpu.memref_squeeze %dma_wait3A_117 : memref<1x125xi32, #tpu.memory_space<vmem>> -> memref<125xi32, #tpu.memory_space<vmem>>
        %dma_wait3A_119 = arith.constant 0 : i32
        %dma_wait3A_120 = arith.constant 0 : i32
        %dma_wait3A_121 = tpu.memref_slice %arg2[%dma_wait3A_119, %dma_wait3A_120] : memref<50000x128xf32, #tpu.memory_space<hbm>> -> memref<50000x128xf32, #tpu.memory_space<hbm>>
        tpu.wait_indirect_dma semaphore(%arg12 : memref<!tpu.dma_semaphore, #tpu.memory_space<semaphore_mem>>) src(%dma_wait3A_121 : memref<50000x128xf32, #tpu.memory_space<hbm>>) dst(%arg8 : memref<125x128xf32, #tpu.memory_space<vmem>>)
        %run_scoped3A_122 = arith.constant 2 : i32
        "tpu.region"() ({
          %run_scoped3A_322 = tpu.sem_alloc : memref<!tpu.dma_semaphore, #tpu.memory_space<semaphore_mem>>
          %dma_start3A_323 = arith.constant 0 : i32
          %dma_start3A_324 = tpu.memref_slice %arg7[%run_scoped3A_122, %dma_start3A_323] : memref<16x125xi32, #tpu.memory_space<vmem>> -> memref<1x125xi32, #tpu.memory_space<vmem>>
          %dma_start3A_325 = tpu.memref_squeeze %dma_start3A_324 : memref<1x125xi32, #tpu.memory_space<vmem>> -> memref<125xi32, #tpu.memory_space<vmem>>
          %dma_start3A_326 = arith.constant 0 : i32
          %dma_start3A_327 = arith.constant 0 : i32
          %dma_start3A_328 = tpu.memref_slice %arg11[%dma_start3A_326, %dma_start3A_327] : memref<10240x128xf32, #tpu.memory_space<vmem_shared>> -> memref<10240x128xf32, #tpu.memory_space<vmem_shared>>
          tpu.enqueue_indirect_dma source(%arg8 : memref<125x128xf32, #tpu.memory_space<vmem>>) target(%dma_start3A_328 : memref<10240x128xf32, #tpu.memory_space<vmem_shared>>) offsets(%dma_start3A_325 : memref<125xi32, #tpu.memory_space<vmem>>) semaphore(%run_scoped3A_322 : memref<!tpu.dma_semaphore, #tpu.memory_space<semaphore_mem>>) {add = true}
          %dma_wait3A_329 = arith.constant 0 : i32
          %dma_wait3A_330 = tpu.memref_slice %arg7[%run_scoped3A_122, %dma_wait3A_329] : memref<16x125xi32, #tpu.memory_space<vmem>> -> memref<1x125xi32, #tpu.memory_space<vmem>>
          %dma_wait3A_331 = tpu.memref_squeeze %dma_wait3A_330 : memref<1x125xi32, #tpu.memory_space<vmem>> -> memref<125xi32, #tpu.memory_space<vmem>>
          %dma_wait3A_332 = arith.constant 0 : i32
          %dma_wait3A_333 = arith.constant 0 : i32
          %dma_wait3A_334 = tpu.memref_slice %arg11[%dma_wait3A_332, %dma_wait3A_333] : memref<10240x128xf32, #tpu.memory_space<vmem_shared>> -> memref<10240x128xf32, #tpu.memory_space<vmem_shared>>
          tpu.wait_indirect_dma semaphore(%run_scoped3A_322 : memref<!tpu.dma_semaphore, #tpu.memory_space<semaphore_mem>>) src(%arg8 : memref<125x128xf32, #tpu.memory_space<vmem>>) dst(%dma_wait3A_334 : memref<10240x128xf32, #tpu.memory_space<vmem_shared>>)
          tpu.yield
        }) : () -> ()
        %dma_start3A_123 = arith.constant 4 : i32
        %dma_start3A_124 = arith.constant 0 : i32
        %dma_start3A_125 = tpu.memref_slice %arg6[%dma_start3A_123, %dma_start3A_124] : memref<16x125xi32, #tpu.memory_space<vmem>> -> memref<1x125xi32, #tpu.memory_space<vmem>>
        %dma_start3A_126 = tpu.memref_squeeze %dma_start3A_125 : memref<1x125xi32, #tpu.memory_space<vmem>> -> memref<125xi32, #tpu.memory_space<vmem>>
        %dma_start3A_127 = arith.constant 0 : i32
        %dma_start3A_128 = arith.constant 0 : i32
        %dma_start3A_129 = tpu.memref_slice %arg2[%dma_start3A_127, %dma_start3A_128] : memref<50000x128xf32, #tpu.memory_space<hbm>> -> memref<50000x128xf32, #tpu.memory_space<hbm>>
        tpu.enqueue_indirect_dma source(%dma_start3A_129 : memref<50000x128xf32, #tpu.memory_space<hbm>>) target(%arg8 : memref<125x128xf32, #tpu.memory_space<vmem>>) offsets(%dma_start3A_126 : memref<125xi32, #tpu.memory_space<vmem>>) semaphore(%arg12 : memref<!tpu.dma_semaphore, #tpu.memory_space<semaphore_mem>>)
        %dma_wait3A_130 = arith.constant 3 : i32
        %dma_wait3A_131 = arith.constant 0 : i32
        %dma_wait3A_132 = tpu.memref_slice %arg6[%dma_wait3A_130, %dma_wait3A_131] : memref<16x125xi32, #tpu.memory_space<vmem>> -> memref<1x125xi32, #tpu.memory_space<vmem>>
        %dma_wait3A_133 = tpu.memref_squeeze %dma_wait3A_132 : memref<1x125xi32, #tpu.memory_space<vmem>> -> memref<125xi32, #tpu.memory_space<vmem>>
        %dma_wait3A_134 = arith.constant 0 : i32
        %dma_wait3A_135 = arith.constant 0 : i32
        %dma_wait3A_136 = tpu.memref_slice %arg2[%dma_wait3A_134, %dma_wait3A_135] : memref<50000x128xf32, #tpu.memory_space<hbm>> -> memref<50000x128xf32, #tpu.memory_space<hbm>>
        tpu.wait_indirect_dma semaphore(%arg13 : memref<!tpu.dma_semaphore, #tpu.memory_space<semaphore_mem>>) src(%dma_wait3A_136 : memref<50000x128xf32, #tpu.memory_space<hbm>>) dst(%arg9 : memref<125x128xf32, #tpu.memory_space<vmem>>)
        %run_scoped3A_137 = arith.constant 3 : i32
        "tpu.region"() ({
          %run_scoped3A_322 = tpu.sem_alloc : memref<!tpu.dma_semaphore, #tpu.memory_space<semaphore_mem>>
          %dma_start3A_323 = arith.constant 0 : i32
          %dma_start3A_324 = tpu.memref_slice %arg7[%run_scoped3A_137, %dma_start3A_323] : memref<16x125xi32, #tpu.memory_space<vmem>> -> memref<1x125xi32, #tpu.memory_space<vmem>>
          %dma_start3A_325 = tpu.memref_squeeze %dma_start3A_324 : memref<1x125xi32, #tpu.memory_space<vmem>> -> memref<125xi32, #tpu.memory_space<vmem>>
          %dma_start3A_326 = arith.constant 0 : i32
          %dma_start3A_327 = arith.constant 0 : i32
          %dma_start3A_328 = tpu.memref_slice %arg11[%dma_start3A_326, %dma_start3A_327] : memref<10240x128xf32, #tpu.memory_space<vmem_shared>> -> memref<10240x128xf32, #tpu.memory_space<vmem_shared>>
          tpu.enqueue_indirect_dma source(%arg9 : memref<125x128xf32, #tpu.memory_space<vmem>>) target(%dma_start3A_328 : memref<10240x128xf32, #tpu.memory_space<vmem_shared>>) offsets(%dma_start3A_325 : memref<125xi32, #tpu.memory_space<vmem>>) semaphore(%run_scoped3A_322 : memref<!tpu.dma_semaphore, #tpu.memory_space<semaphore_mem>>) {add = true}
          %dma_wait3A_329 = arith.constant 0 : i32
          %dma_wait3A_330 = tpu.memref_slice %arg7[%run_scoped3A_137, %dma_wait3A_329] : memref<16x125xi32, #tpu.memory_space<vmem>> -> memref<1x125xi32, #tpu.memory_space<vmem>>
          %dma_wait3A_331 = tpu.memref_squeeze %dma_wait3A_330 : memref<1x125xi32, #tpu.memory_space<vmem>> -> memref<125xi32, #tpu.memory_space<vmem>>
          %dma_wait3A_332 = arith.constant 0 : i32
          %dma_wait3A_333 = arith.constant 0 : i32
          %dma_wait3A_334 = tpu.memref_slice %arg11[%dma_wait3A_332, %dma_wait3A_333] : memref<10240x128xf32, #tpu.memory_space<vmem_shared>> -> memref<10240x128xf32, #tpu.memory_space<vmem_shared>>
          tpu.wait_indirect_dma semaphore(%run_scoped3A_322 : memref<!tpu.dma_semaphore, #tpu.memory_space<semaphore_mem>>) src(%arg9 : memref<125x128xf32, #tpu.memory_space<vmem>>) dst(%dma_wait3A_334 : memref<10240x128xf32, #tpu.memory_space<vmem_shared>>)
          tpu.yield
        }) : () -> ()
        %dma_start3A_138 = arith.constant 5 : i32
        %dma_start3A_139 = arith.constant 0 : i32
        %dma_start3A_140 = tpu.memref_slice %arg6[%dma_start3A_138, %dma_start3A_139] : memref<16x125xi32, #tpu.memory_space<vmem>> -> memref<1x125xi32, #tpu.memory_space<vmem>>
        %dma_start3A_141 = tpu.memref_squeeze %dma_start3A_140 : memref<1x125xi32, #tpu.memory_space<vmem>> -> memref<125xi32, #tpu.memory_space<vmem>>
        %dma_start3A_142 = arith.constant 0 : i32
        %dma_start3A_143 = arith.constant 0 : i32
        %dma_start3A_144 = tpu.memref_slice %arg2[%dma_start3A_142, %dma_start3A_143] : memref<50000x128xf32, #tpu.memory_space<hbm>> -> memref<50000x128xf32, #tpu.memory_space<hbm>>
        tpu.enqueue_indirect_dma source(%dma_start3A_144 : memref<50000x128xf32, #tpu.memory_space<hbm>>) target(%arg9 : memref<125x128xf32, #tpu.memory_space<vmem>>) offsets(%dma_start3A_141 : memref<125xi32, #tpu.memory_space<vmem>>) semaphore(%arg13 : memref<!tpu.dma_semaphore, #tpu.memory_space<semaphore_mem>>)
        %dma_wait3A_145 = arith.constant 4 : i32
        %dma_wait3A_146 = arith.constant 0 : i32
        %dma_wait3A_147 = tpu.memref_slice %arg6[%dma_wait3A_145, %dma_wait3A_146] : memref<16x125xi32, #tpu.memory_space<vmem>> -> memref<1x125xi32, #tpu.memory_space<vmem>>
        %dma_wait3A_148 = tpu.memref_squeeze %dma_wait3A_147 : memref<1x125xi32, #tpu.memory_space<vmem>> -> memref<125xi32, #tpu.memory_space<vmem>>
        %dma_wait3A_149 = arith.constant 0 : i32
        %dma_wait3A_150 = arith.constant 0 : i32
        %dma_wait3A_151 = tpu.memref_slice %arg2[%dma_wait3A_149, %dma_wait3A_150] : memref<50000x128xf32, #tpu.memory_space<hbm>> -> memref<50000x128xf32, #tpu.memory_space<hbm>>
        tpu.wait_indirect_dma semaphore(%arg12 : memref<!tpu.dma_semaphore, #tpu.memory_space<semaphore_mem>>) src(%dma_wait3A_151 : memref<50000x128xf32, #tpu.memory_space<hbm>>) dst(%arg8 : memref<125x128xf32, #tpu.memory_space<vmem>>)
        %run_scoped3A_152 = arith.constant 4 : i32
        "tpu.region"() ({
          %run_scoped3A_322 = tpu.sem_alloc : memref<!tpu.dma_semaphore, #tpu.memory_space<semaphore_mem>>
          %dma_start3A_323 = arith.constant 0 : i32
          %dma_start3A_324 = tpu.memref_slice %arg7[%run_scoped3A_152, %dma_start3A_323] : memref<16x125xi32, #tpu.memory_space<vmem>> -> memref<1x125xi32, #tpu.memory_space<vmem>>
          %dma_start3A_325 = tpu.memref_squeeze %dma_start3A_324 : memref<1x125xi32, #tpu.memory_space<vmem>> -> memref<125xi32, #tpu.memory_space<vmem>>
          %dma_start3A_326 = arith.constant 0 : i32
          %dma_start3A_327 = arith.constant 0 : i32
          %dma_start3A_328 = tpu.memref_slice %arg11[%dma_start3A_326, %dma_start3A_327] : memref<10240x128xf32, #tpu.memory_space<vmem_shared>> -> memref<10240x128xf32, #tpu.memory_space<vmem_shared>>
          tpu.enqueue_indirect_dma source(%arg8 : memref<125x128xf32, #tpu.memory_space<vmem>>) target(%dma_start3A_328 : memref<10240x128xf32, #tpu.memory_space<vmem_shared>>) offsets(%dma_start3A_325 : memref<125xi32, #tpu.memory_space<vmem>>) semaphore(%run_scoped3A_322 : memref<!tpu.dma_semaphore, #tpu.memory_space<semaphore_mem>>) {add = true}
          %dma_wait3A_329 = arith.constant 0 : i32
          %dma_wait3A_330 = tpu.memref_slice %arg7[%run_scoped3A_152, %dma_wait3A_329] : memref<16x125xi32, #tpu.memory_space<vmem>> -> memref<1x125xi32, #tpu.memory_space<vmem>>
          %dma_wait3A_331 = tpu.memref_squeeze %dma_wait3A_330 : memref<1x125xi32, #tpu.memory_space<vmem>> -> memref<125xi32, #tpu.memory_space<vmem>>
          %dma_wait3A_332 = arith.constant 0 : i32
          %dma_wait3A_333 = arith.constant 0 : i32
          %dma_wait3A_334 = tpu.memref_slice %arg11[%dma_wait3A_332, %dma_wait3A_333] : memref<10240x128xf32, #tpu.memory_space<vmem_shared>> -> memref<10240x128xf32, #tpu.memory_space<vmem_shared>>
          tpu.wait_indirect_dma semaphore(%run_scoped3A_322 : memref<!tpu.dma_semaphore, #tpu.memory_space<semaphore_mem>>) src(%arg8 : memref<125x128xf32, #tpu.memory_space<vmem>>) dst(%dma_wait3A_334 : memref<10240x128xf32, #tpu.memory_space<vmem_shared>>)
          tpu.yield
        }) : () -> ()
        %dma_start3A_153 = arith.constant 6 : i32
        %dma_start3A_154 = arith.constant 0 : i32
        %dma_start3A_155 = tpu.memref_slice %arg6[%dma_start3A_153, %dma_start3A_154] : memref<16x125xi32, #tpu.memory_space<vmem>> -> memref<1x125xi32, #tpu.memory_space<vmem>>
        %dma_start3A_156 = tpu.memref_squeeze %dma_start3A_155 : memref<1x125xi32, #tpu.memory_space<vmem>> -> memref<125xi32, #tpu.memory_space<vmem>>
        %dma_start3A_157 = arith.constant 0 : i32
        %dma_start3A_158 = arith.constant 0 : i32
        %dma_start3A_159 = tpu.memref_slice %arg2[%dma_start3A_157, %dma_start3A_158] : memref<50000x128xf32, #tpu.memory_space<hbm>> -> memref<50000x128xf32, #tpu.memory_space<hbm>>
        tpu.enqueue_indirect_dma source(%dma_start3A_159 : memref<50000x128xf32, #tpu.memory_space<hbm>>) target(%arg8 : memref<125x128xf32, #tpu.memory_space<vmem>>) offsets(%dma_start3A_156 : memref<125xi32, #tpu.memory_space<vmem>>) semaphore(%arg12 : memref<!tpu.dma_semaphore, #tpu.memory_space<semaphore_mem>>)
        %dma_wait3A_160 = arith.constant 5 : i32
        %dma_wait3A_161 = arith.constant 0 : i32
        %dma_wait3A_162 = tpu.memref_slice %arg6[%dma_wait3A_160, %dma_wait3A_161] : memref<16x125xi32, #tpu.memory_space<vmem>> -> memref<1x125xi32, #tpu.memory_space<vmem>>
        %dma_wait3A_163 = tpu.memref_squeeze %dma_wait3A_162 : memref<1x125xi32, #tpu.memory_space<vmem>> -> memref<125xi32, #tpu.memory_space<vmem>>
        %dma_wait3A_164 = arith.constant 0 : i32
        %dma_wait3A_165 = arith.constant 0 : i32
        %dma_wait3A_166 = tpu.memref_slice %arg2[%dma_wait3A_164, %dma_wait3A_165] : memref<50000x128xf32, #tpu.memory_space<hbm>> -> memref<50000x128xf32, #tpu.memory_space<hbm>>
        tpu.wait_indirect_dma semaphore(%arg13 : memref<!tpu.dma_semaphore, #tpu.memory_space<semaphore_mem>>) src(%dma_wait3A_166 : memref<50000x128xf32, #tpu.memory_space<hbm>>) dst(%arg9 : memref<125x128xf32, #tpu.memory_space<vmem>>)
        %run_scoped3A_167 = arith.constant 5 : i32
        "tpu.region"() ({
          %run_scoped3A_322 = tpu.sem_alloc : memref<!tpu.dma_semaphore, #tpu.memory_space<semaphore_mem>>
          %dma_start3A_323 = arith.constant 0 : i32
          %dma_start3A_324 = tpu.memref_slice %arg7[%run_scoped3A_167, %dma_start3A_323] : memref<16x125xi32, #tpu.memory_space<vmem>> -> memref<1x125xi32, #tpu.memory_space<vmem>>
          %dma_start3A_325 = tpu.memref_squeeze %dma_start3A_324 : memref<1x125xi32, #tpu.memory_space<vmem>> -> memref<125xi32, #tpu.memory_space<vmem>>
          %dma_start3A_326 = arith.constant 0 : i32
          %dma_start3A_327 = arith.constant 0 : i32
          %dma_start3A_328 = tpu.memref_slice %arg11[%dma_start3A_326, %dma_start3A_327] : memref<10240x128xf32, #tpu.memory_space<vmem_shared>> -> memref<10240x128xf32, #tpu.memory_space<vmem_shared>>
          tpu.enqueue_indirect_dma source(%arg9 : memref<125x128xf32, #tpu.memory_space<vmem>>) target(%dma_start3A_328 : memref<10240x128xf32, #tpu.memory_space<vmem_shared>>) offsets(%dma_start3A_325 : memref<125xi32, #tpu.memory_space<vmem>>) semaphore(%run_scoped3A_322 : memref<!tpu.dma_semaphore, #tpu.memory_space<semaphore_mem>>) {add = true}
          %dma_wait3A_329 = arith.constant 0 : i32
          %dma_wait3A_330 = tpu.memref_slice %arg7[%run_scoped3A_167, %dma_wait3A_329] : memref<16x125xi32, #tpu.memory_space<vmem>> -> memref<1x125xi32, #tpu.memory_space<vmem>>
          %dma_wait3A_331 = tpu.memref_squeeze %dma_wait3A_330 : memref<1x125xi32, #tpu.memory_space<vmem>> -> memref<125xi32, #tpu.memory_space<vmem>>
          %dma_wait3A_332 = arith.constant 0 : i32
          %dma_wait3A_333 = arith.constant 0 : i32
          %dma_wait3A_334 = tpu.memref_slice %arg11[%dma_wait3A_332, %dma_wait3A_333] : memref<10240x128xf32, #tpu.memory_space<vmem_shared>> -> memref<10240x128xf32, #tpu.memory_space<vmem_shared>>
          tpu.wait_indirect_dma semaphore(%run_scoped3A_322 : memref<!tpu.dma_semaphore, #tpu.memory_space<semaphore_mem>>) src(%arg9 : memref<125x128xf32, #tpu.memory_space<vmem>>) dst(%dma_wait3A_334 : memref<10240x128xf32, #tpu.memory_space<vmem_shared>>)
          tpu.yield
        }) : () -> ()
        %dma_start3A_168 = arith.constant 7 : i32
        %dma_start3A_169 = arith.constant 0 : i32
        %dma_start3A_170 = tpu.memref_slice %arg6[%dma_start3A_168, %dma_start3A_169] : memref<16x125xi32, #tpu.memory_space<vmem>> -> memref<1x125xi32, #tpu.memory_space<vmem>>
        %dma_start3A_171 = tpu.memref_squeeze %dma_start3A_170 : memref<1x125xi32, #tpu.memory_space<vmem>> -> memref<125xi32, #tpu.memory_space<vmem>>
        %dma_start3A_172 = arith.constant 0 : i32
        %dma_start3A_173 = arith.constant 0 : i32
        %dma_start3A_174 = tpu.memref_slice %arg2[%dma_start3A_172, %dma_start3A_173] : memref<50000x128xf32, #tpu.memory_space<hbm>> -> memref<50000x128xf32, #tpu.memory_space<hbm>>
        tpu.enqueue_indirect_dma source(%dma_start3A_174 : memref<50000x128xf32, #tpu.memory_space<hbm>>) target(%arg9 : memref<125x128xf32, #tpu.memory_space<vmem>>) offsets(%dma_start3A_171 : memref<125xi32, #tpu.memory_space<vmem>>) semaphore(%arg13 : memref<!tpu.dma_semaphore, #tpu.memory_space<semaphore_mem>>)
        %dma_wait3A_175 = arith.constant 6 : i32
        %dma_wait3A_176 = arith.constant 0 : i32
        %dma_wait3A_177 = tpu.memref_slice %arg6[%dma_wait3A_175, %dma_wait3A_176] : memref<16x125xi32, #tpu.memory_space<vmem>> -> memref<1x125xi32, #tpu.memory_space<vmem>>
        %dma_wait3A_178 = tpu.memref_squeeze %dma_wait3A_177 : memref<1x125xi32, #tpu.memory_space<vmem>> -> memref<125xi32, #tpu.memory_space<vmem>>
        %dma_wait3A_179 = arith.constant 0 : i32
        %dma_wait3A_180 = arith.constant 0 : i32
        %dma_wait3A_181 = tpu.memref_slice %arg2[%dma_wait3A_179, %dma_wait3A_180] : memref<50000x128xf32, #tpu.memory_space<hbm>> -> memref<50000x128xf32, #tpu.memory_space<hbm>>
        tpu.wait_indirect_dma semaphore(%arg12 : memref<!tpu.dma_semaphore, #tpu.memory_space<semaphore_mem>>) src(%dma_wait3A_181 : memref<50000x128xf32, #tpu.memory_space<hbm>>) dst(%arg8 : memref<125x128xf32, #tpu.memory_space<vmem>>)
        %run_scoped3A_182 = arith.constant 6 : i32
        "tpu.region"() ({
          %run_scoped3A_322 = tpu.sem_alloc : memref<!tpu.dma_semaphore, #tpu.memory_space<semaphore_mem>>
          %dma_start3A_323 = arith.constant 0 : i32
          %dma_start3A_324 = tpu.memref_slice %arg7[%run_scoped3A_182, %dma_start3A_323] : memref<16x125xi32, #tpu.memory_space<vmem>> -> memref<1x125xi32, #tpu.memory_space<vmem>>
          %dma_start3A_325 = tpu.memref_squeeze %dma_start3A_324 : memref<1x125xi32, #tpu.memory_space<vmem>> -> memref<125xi32, #tpu.memory_space<vmem>>
          %dma_start3A_326 = arith.constant 0 : i32
          %dma_start3A_327 = arith.constant 0 : i32
          %dma_start3A_328 = tpu.memref_slice %arg11[%dma_start3A_326, %dma_start3A_327] : memref<10240x128xf32, #tpu.memory_space<vmem_shared>> -> memref<10240x128xf32, #tpu.memory_space<vmem_shared>>
          tpu.enqueue_indirect_dma source(%arg8 : memref<125x128xf32, #tpu.memory_space<vmem>>) target(%dma_start3A_328 : memref<10240x128xf32, #tpu.memory_space<vmem_shared>>) offsets(%dma_start3A_325 : memref<125xi32, #tpu.memory_space<vmem>>) semaphore(%run_scoped3A_322 : memref<!tpu.dma_semaphore, #tpu.memory_space<semaphore_mem>>) {add = true}
          %dma_wait3A_329 = arith.constant 0 : i32
          %dma_wait3A_330 = tpu.memref_slice %arg7[%run_scoped3A_182, %dma_wait3A_329] : memref<16x125xi32, #tpu.memory_space<vmem>> -> memref<1x125xi32, #tpu.memory_space<vmem>>
          %dma_wait3A_331 = tpu.memref_squeeze %dma_wait3A_330 : memref<1x125xi32, #tpu.memory_space<vmem>> -> memref<125xi32, #tpu.memory_space<vmem>>
          %dma_wait3A_332 = arith.constant 0 : i32
          %dma_wait3A_333 = arith.constant 0 : i32
          %dma_wait3A_334 = tpu.memref_slice %arg11[%dma_wait3A_332, %dma_wait3A_333] : memref<10240x128xf32, #tpu.memory_space<vmem_shared>> -> memref<10240x128xf32, #tpu.memory_space<vmem_shared>>
          tpu.wait_indirect_dma semaphore(%run_scoped3A_322 : memref<!tpu.dma_semaphore, #tpu.memory_space<semaphore_mem>>) src(%arg8 : memref<125x128xf32, #tpu.memory_space<vmem>>) dst(%dma_wait3A_334 : memref<10240x128xf32, #tpu.memory_space<vmem_shared>>)
          tpu.yield
        }) : () -> ()
        %dma_start3A_183 = arith.constant 8 : i32
        %dma_start3A_184 = arith.constant 0 : i32
        %dma_start3A_185 = tpu.memref_slice %arg6[%dma_start3A_183, %dma_start3A_184] : memref<16x125xi32, #tpu.memory_space<vmem>> -> memref<1x125xi32, #tpu.memory_space<vmem>>
        %dma_start3A_186 = tpu.memref_squeeze %dma_start3A_185 : memref<1x125xi32, #tpu.memory_space<vmem>> -> memref<125xi32, #tpu.memory_space<vmem>>
        %dma_start3A_187 = arith.constant 0 : i32
        %dma_start3A_188 = arith.constant 0 : i32
        %dma_start3A_189 = tpu.memref_slice %arg2[%dma_start3A_187, %dma_start3A_188] : memref<50000x128xf32, #tpu.memory_space<hbm>> -> memref<50000x128xf32, #tpu.memory_space<hbm>>
        tpu.enqueue_indirect_dma source(%dma_start3A_189 : memref<50000x128xf32, #tpu.memory_space<hbm>>) target(%arg8 : memref<125x128xf32, #tpu.memory_space<vmem>>) offsets(%dma_start3A_186 : memref<125xi32, #tpu.memory_space<vmem>>) semaphore(%arg12 : memref<!tpu.dma_semaphore, #tpu.memory_space<semaphore_mem>>)
        %dma_wait3A_190 = arith.constant 7 : i32
        %dma_wait3A_191 = arith.constant 0 : i32
        %dma_wait3A_192 = tpu.memref_slice %arg6[%dma_wait3A_190, %dma_wait3A_191] : memref<16x125xi32, #tpu.memory_space<vmem>> -> memref<1x125xi32, #tpu.memory_space<vmem>>
        %dma_wait3A_193 = tpu.memref_squeeze %dma_wait3A_192 : memref<1x125xi32, #tpu.memory_space<vmem>> -> memref<125xi32, #tpu.memory_space<vmem>>
        %dma_wait3A_194 = arith.constant 0 : i32
        %dma_wait3A_195 = arith.constant 0 : i32
        %dma_wait3A_196 = tpu.memref_slice %arg2[%dma_wait3A_194, %dma_wait3A_195] : memref<50000x128xf32, #tpu.memory_space<hbm>> -> memref<50000x128xf32, #tpu.memory_space<hbm>>
        tpu.wait_indirect_dma semaphore(%arg13 : memref<!tpu.dma_semaphore, #tpu.memory_space<semaphore_mem>>) src(%dma_wait3A_196 : memref<50000x128xf32, #tpu.memory_space<hbm>>) dst(%arg9 : memref<125x128xf32, #tpu.memory_space<vmem>>)
        %run_scoped3A_197 = arith.constant 7 : i32
        "tpu.region"() ({
          %run_scoped3A_322 = tpu.sem_alloc : memref<!tpu.dma_semaphore, #tpu.memory_space<semaphore_mem>>
          %dma_start3A_323 = arith.constant 0 : i32
          %dma_start3A_324 = tpu.memref_slice %arg7[%run_scoped3A_197, %dma_start3A_323] : memref<16x125xi32, #tpu.memory_space<vmem>> -> memref<1x125xi32, #tpu.memory_space<vmem>>
          %dma_start3A_325 = tpu.memref_squeeze %dma_start3A_324 : memref<1x125xi32, #tpu.memory_space<vmem>> -> memref<125xi32, #tpu.memory_space<vmem>>
          %dma_start3A_326 = arith.constant 0 : i32
          %dma_start3A_327 = arith.constant 0 : i32
          %dma_start3A_328 = tpu.memref_slice %arg11[%dma_start3A_326, %dma_start3A_327] : memref<10240x128xf32, #tpu.memory_space<vmem_shared>> -> memref<10240x128xf32, #tpu.memory_space<vmem_shared>>
          tpu.enqueue_indirect_dma source(%arg9 : memref<125x128xf32, #tpu.memory_space<vmem>>) target(%dma_start3A_328 : memref<10240x128xf32, #tpu.memory_space<vmem_shared>>) offsets(%dma_start3A_325 : memref<125xi32, #tpu.memory_space<vmem>>) semaphore(%run_scoped3A_322 : memref<!tpu.dma_semaphore, #tpu.memory_space<semaphore_mem>>) {add = true}
          %dma_wait3A_329 = arith.constant 0 : i32
          %dma_wait3A_330 = tpu.memref_slice %arg7[%run_scoped3A_197, %dma_wait3A_329] : memref<16x125xi32, #tpu.memory_space<vmem>> -> memref<1x125xi32, #tpu.memory_space<vmem>>
          %dma_wait3A_331 = tpu.memref_squeeze %dma_wait3A_330 : memref<1x125xi32, #tpu.memory_space<vmem>> -> memref<125xi32, #tpu.memory_space<vmem>>
          %dma_wait3A_332 = arith.constant 0 : i32
          %dma_wait3A_333 = arith.constant 0 : i32
          %dma_wait3A_334 = tpu.memref_slice %arg11[%dma_wait3A_332, %dma_wait3A_333] : memref<10240x128xf32, #tpu.memory_space<vmem_shared>> -> memref<10240x128xf32, #tpu.memory_space<vmem_shared>>
          tpu.wait_indirect_dma semaphore(%run_scoped3A_322 : memref<!tpu.dma_semaphore, #tpu.memory_space<semaphore_mem>>) src(%arg9 : memref<125x128xf32, #tpu.memory_space<vmem>>) dst(%dma_wait3A_334 : memref<10240x128xf32, #tpu.memory_space<vmem_shared>>)
          tpu.yield
        }) : () -> ()
        %dma_start3A_198 = arith.constant 9 : i32
        %dma_start3A_199 = arith.constant 0 : i32
        %dma_start3A_200 = tpu.memref_slice %arg6[%dma_start3A_198, %dma_start3A_199] : memref<16x125xi32, #tpu.memory_space<vmem>> -> memref<1x125xi32, #tpu.memory_space<vmem>>
        %dma_start3A_201 = tpu.memref_squeeze %dma_start3A_200 : memref<1x125xi32, #tpu.memory_space<vmem>> -> memref<125xi32, #tpu.memory_space<vmem>>
        %dma_start3A_202 = arith.constant 0 : i32
        %dma_start3A_203 = arith.constant 0 : i32
        %dma_start3A_204 = tpu.memref_slice %arg2[%dma_start3A_202, %dma_start3A_203] : memref<50000x128xf32, #tpu.memory_space<hbm>> -> memref<50000x128xf32, #tpu.memory_space<hbm>>
        tpu.enqueue_indirect_dma source(%dma_start3A_204 : memref<50000x128xf32, #tpu.memory_space<hbm>>) target(%arg9 : memref<125x128xf32, #tpu.memory_space<vmem>>) offsets(%dma_start3A_201 : memref<125xi32, #tpu.memory_space<vmem>>) semaphore(%arg13 : memref<!tpu.dma_semaphore, #tpu.memory_space<semaphore_mem>>)
        %dma_wait3A_205 = arith.constant 8 : i32
        %dma_wait3A_206 = arith.constant 0 : i32
        %dma_wait3A_207 = tpu.memref_slice %arg6[%dma_wait3A_205, %dma_wait3A_206] : memref<16x125xi32, #tpu.memory_space<vmem>> -> memref<1x125xi32, #tpu.memory_space<vmem>>
        %dma_wait3A_208 = tpu.memref_squeeze %dma_wait3A_207 : memref<1x125xi32, #tpu.memory_space<vmem>> -> memref<125xi32, #tpu.memory_space<vmem>>
        %dma_wait3A_209 = arith.constant 0 : i32
        %dma_wait3A_210 = arith.constant 0 : i32
        %dma_wait3A_211 = tpu.memref_slice %arg2[%dma_wait3A_209, %dma_wait3A_210] : memref<50000x128xf32, #tpu.memory_space<hbm>> -> memref<50000x128xf32, #tpu.memory_space<hbm>>
        tpu.wait_indirect_dma semaphore(%arg12 : memref<!tpu.dma_semaphore, #tpu.memory_space<semaphore_mem>>) src(%dma_wait3A_211 : memref<50000x128xf32, #tpu.memory_space<hbm>>) dst(%arg8 : memref<125x128xf32, #tpu.memory_space<vmem>>)
        %run_scoped3A_212 = arith.constant 8 : i32
        "tpu.region"() ({
          %run_scoped3A_322 = tpu.sem_alloc : memref<!tpu.dma_semaphore, #tpu.memory_space<semaphore_mem>>
          %dma_start3A_323 = arith.constant 0 : i32
          %dma_start3A_324 = tpu.memref_slice %arg7[%run_scoped3A_212, %dma_start3A_323] : memref<16x125xi32, #tpu.memory_space<vmem>> -> memref<1x125xi32, #tpu.memory_space<vmem>>
          %dma_start3A_325 = tpu.memref_squeeze %dma_start3A_324 : memref<1x125xi32, #tpu.memory_space<vmem>> -> memref<125xi32, #tpu.memory_space<vmem>>
          %dma_start3A_326 = arith.constant 0 : i32
          %dma_start3A_327 = arith.constant 0 : i32
          %dma_start3A_328 = tpu.memref_slice %arg11[%dma_start3A_326, %dma_start3A_327] : memref<10240x128xf32, #tpu.memory_space<vmem_shared>> -> memref<10240x128xf32, #tpu.memory_space<vmem_shared>>
          tpu.enqueue_indirect_dma source(%arg8 : memref<125x128xf32, #tpu.memory_space<vmem>>) target(%dma_start3A_328 : memref<10240x128xf32, #tpu.memory_space<vmem_shared>>) offsets(%dma_start3A_325 : memref<125xi32, #tpu.memory_space<vmem>>) semaphore(%run_scoped3A_322 : memref<!tpu.dma_semaphore, #tpu.memory_space<semaphore_mem>>) {add = true}
          %dma_wait3A_329 = arith.constant 0 : i32
          %dma_wait3A_330 = tpu.memref_slice %arg7[%run_scoped3A_212, %dma_wait3A_329] : memref<16x125xi32, #tpu.memory_space<vmem>> -> memref<1x125xi32, #tpu.memory_space<vmem>>
          %dma_wait3A_331 = tpu.memref_squeeze %dma_wait3A_330 : memref<1x125xi32, #tpu.memory_space<vmem>> -> memref<125xi32, #tpu.memory_space<vmem>>
          %dma_wait3A_332 = arith.constant 0 : i32
          %dma_wait3A_333 = arith.constant 0 : i32
          %dma_wait3A_334 = tpu.memref_slice %arg11[%dma_wait3A_332, %dma_wait3A_333] : memref<10240x128xf32, #tpu.memory_space<vmem_shared>> -> memref<10240x128xf32, #tpu.memory_space<vmem_shared>>
          tpu.wait_indirect_dma semaphore(%run_scoped3A_322 : memref<!tpu.dma_semaphore, #tpu.memory_space<semaphore_mem>>) src(%arg8 : memref<125x128xf32, #tpu.memory_space<vmem>>) dst(%dma_wait3A_334 : memref<10240x128xf32, #tpu.memory_space<vmem_shared>>)
          tpu.yield
        }) : () -> ()
        %dma_start3A_213 = arith.constant 10 : i32
        %dma_start3A_214 = arith.constant 0 : i32
        %dma_start3A_215 = tpu.memref_slice %arg6[%dma_start3A_213, %dma_start3A_214] : memref<16x125xi32, #tpu.memory_space<vmem>> -> memref<1x125xi32, #tpu.memory_space<vmem>>
        %dma_start3A_216 = tpu.memref_squeeze %dma_start3A_215 : memref<1x125xi32, #tpu.memory_space<vmem>> -> memref<125xi32, #tpu.memory_space<vmem>>
        %dma_start3A_217 = arith.constant 0 : i32
        %dma_start3A_218 = arith.constant 0 : i32
        %dma_start3A_219 = tpu.memref_slice %arg2[%dma_start3A_217, %dma_start3A_218] : memref<50000x128xf32, #tpu.memory_space<hbm>> -> memref<50000x128xf32, #tpu.memory_space<hbm>>
        tpu.enqueue_indirect_dma source(%dma_start3A_219 : memref<50000x128xf32, #tpu.memory_space<hbm>>) target(%arg8 : memref<125x128xf32, #tpu.memory_space<vmem>>) offsets(%dma_start3A_216 : memref<125xi32, #tpu.memory_space<vmem>>) semaphore(%arg12 : memref<!tpu.dma_semaphore, #tpu.memory_space<semaphore_mem>>)
        %dma_wait3A_220 = arith.constant 9 : i32
        %dma_wait3A_221 = arith.constant 0 : i32
        %dma_wait3A_222 = tpu.memref_slice %arg6[%dma_wait3A_220, %dma_wait3A_221] : memref<16x125xi32, #tpu.memory_space<vmem>> -> memref<1x125xi32, #tpu.memory_space<vmem>>
        %dma_wait3A_223 = tpu.memref_squeeze %dma_wait3A_222 : memref<1x125xi32, #tpu.memory_space<vmem>> -> memref<125xi32, #tpu.memory_space<vmem>>
        %dma_wait3A_224 = arith.constant 0 : i32
        %dma_wait3A_225 = arith.constant 0 : i32
        %dma_wait3A_226 = tpu.memref_slice %arg2[%dma_wait3A_224, %dma_wait3A_225] : memref<50000x128xf32, #tpu.memory_space<hbm>> -> memref<50000x128xf32, #tpu.memory_space<hbm>>
        tpu.wait_indirect_dma semaphore(%arg13 : memref<!tpu.dma_semaphore, #tpu.memory_space<semaphore_mem>>) src(%dma_wait3A_226 : memref<50000x128xf32, #tpu.memory_space<hbm>>) dst(%arg9 : memref<125x128xf32, #tpu.memory_space<vmem>>)
        %run_scoped3A_227 = arith.constant 9 : i32
        "tpu.region"() ({
          %run_scoped3A_322 = tpu.sem_alloc : memref<!tpu.dma_semaphore, #tpu.memory_space<semaphore_mem>>
          %dma_start3A_323 = arith.constant 0 : i32
          %dma_start3A_324 = tpu.memref_slice %arg7[%run_scoped3A_227, %dma_start3A_323] : memref<16x125xi32, #tpu.memory_space<vmem>> -> memref<1x125xi32, #tpu.memory_space<vmem>>
          %dma_start3A_325 = tpu.memref_squeeze %dma_start3A_324 : memref<1x125xi32, #tpu.memory_space<vmem>> -> memref<125xi32, #tpu.memory_space<vmem>>
          %dma_start3A_326 = arith.constant 0 : i32
          %dma_start3A_327 = arith.constant 0 : i32
          %dma_start3A_328 = tpu.memref_slice %arg11[%dma_start3A_326, %dma_start3A_327] : memref<10240x128xf32, #tpu.memory_space<vmem_shared>> -> memref<10240x128xf32, #tpu.memory_space<vmem_shared>>
          tpu.enqueue_indirect_dma source(%arg9 : memref<125x128xf32, #tpu.memory_space<vmem>>) target(%dma_start3A_328 : memref<10240x128xf32, #tpu.memory_space<vmem_shared>>) offsets(%dma_start3A_325 : memref<125xi32, #tpu.memory_space<vmem>>) semaphore(%run_scoped3A_322 : memref<!tpu.dma_semaphore, #tpu.memory_space<semaphore_mem>>) {add = true}
          %dma_wait3A_329 = arith.constant 0 : i32
          %dma_wait3A_330 = tpu.memref_slice %arg7[%run_scoped3A_227, %dma_wait3A_329] : memref<16x125xi32, #tpu.memory_space<vmem>> -> memref<1x125xi32, #tpu.memory_space<vmem>>
          %dma_wait3A_331 = tpu.memref_squeeze %dma_wait3A_330 : memref<1x125xi32, #tpu.memory_space<vmem>> -> memref<125xi32, #tpu.memory_space<vmem>>
          %dma_wait3A_332 = arith.constant 0 : i32
          %dma_wait3A_333 = arith.constant 0 : i32
          %dma_wait3A_334 = tpu.memref_slice %arg11[%dma_wait3A_332, %dma_wait3A_333] : memref<10240x128xf32, #tpu.memory_space<vmem_shared>> -> memref<10240x128xf32, #tpu.memory_space<vmem_shared>>
          tpu.wait_indirect_dma semaphore(%run_scoped3A_322 : memref<!tpu.dma_semaphore, #tpu.memory_space<semaphore_mem>>) src(%arg9 : memref<125x128xf32, #tpu.memory_space<vmem>>) dst(%dma_wait3A_334 : memref<10240x128xf32, #tpu.memory_space<vmem_shared>>)
          tpu.yield
        }) : () -> ()
        %dma_start3A_228 = arith.constant 11 : i32
        %dma_start3A_229 = arith.constant 0 : i32
        %dma_start3A_230 = tpu.memref_slice %arg6[%dma_start3A_228, %dma_start3A_229] : memref<16x125xi32, #tpu.memory_space<vmem>> -> memref<1x125xi32, #tpu.memory_space<vmem>>
        %dma_start3A_231 = tpu.memref_squeeze %dma_start3A_230 : memref<1x125xi32, #tpu.memory_space<vmem>> -> memref<125xi32, #tpu.memory_space<vmem>>
        %dma_start3A_232 = arith.constant 0 : i32
        %dma_start3A_233 = arith.constant 0 : i32
        %dma_start3A_234 = tpu.memref_slice %arg2[%dma_start3A_232, %dma_start3A_233] : memref<50000x128xf32, #tpu.memory_space<hbm>> -> memref<50000x128xf32, #tpu.memory_space<hbm>>
        tpu.enqueue_indirect_dma source(%dma_start3A_234 : memref<50000x128xf32, #tpu.memory_space<hbm>>) target(%arg9 : memref<125x128xf32, #tpu.memory_space<vmem>>) offsets(%dma_start3A_231 : memref<125xi32, #tpu.memory_space<vmem>>) semaphore(%arg13 : memref<!tpu.dma_semaphore, #tpu.memory_space<semaphore_mem>>)
        %dma_wait3A_235 = arith.constant 10 : i32
        %dma_wait3A_236 = arith.constant 0 : i32
        %dma_wait3A_237 = tpu.memref_slice %arg6[%dma_wait3A_235, %dma_wait3A_236] : memref<16x125xi32, #tpu.memory_space<vmem>> -> memref<1x125xi32, #tpu.memory_space<vmem>>
        %dma_wait3A_238 = tpu.memref_squeeze %dma_wait3A_237 : memref<1x125xi32, #tpu.memory_space<vmem>> -> memref<125xi32, #tpu.memory_space<vmem>>
        %dma_wait3A_239 = arith.constant 0 : i32
        %dma_wait3A_240 = arith.constant 0 : i32
        %dma_wait3A_241 = tpu.memref_slice %arg2[%dma_wait3A_239, %dma_wait3A_240] : memref<50000x128xf32, #tpu.memory_space<hbm>> -> memref<50000x128xf32, #tpu.memory_space<hbm>>
        tpu.wait_indirect_dma semaphore(%arg12 : memref<!tpu.dma_semaphore, #tpu.memory_space<semaphore_mem>>) src(%dma_wait3A_241 : memref<50000x128xf32, #tpu.memory_space<hbm>>) dst(%arg8 : memref<125x128xf32, #tpu.memory_space<vmem>>)
        %run_scoped3A_242 = arith.constant 10 : i32
        "tpu.region"() ({
          %run_scoped3A_322 = tpu.sem_alloc : memref<!tpu.dma_semaphore, #tpu.memory_space<semaphore_mem>>
          %dma_start3A_323 = arith.constant 0 : i32
          %dma_start3A_324 = tpu.memref_slice %arg7[%run_scoped3A_242, %dma_start3A_323] : memref<16x125xi32, #tpu.memory_space<vmem>> -> memref<1x125xi32, #tpu.memory_space<vmem>>
          %dma_start3A_325 = tpu.memref_squeeze %dma_start3A_324 : memref<1x125xi32, #tpu.memory_space<vmem>> -> memref<125xi32, #tpu.memory_space<vmem>>
          %dma_start3A_326 = arith.constant 0 : i32
          %dma_start3A_327 = arith.constant 0 : i32
          %dma_start3A_328 = tpu.memref_slice %arg11[%dma_start3A_326, %dma_start3A_327] : memref<10240x128xf32, #tpu.memory_space<vmem_shared>> -> memref<10240x128xf32, #tpu.memory_space<vmem_shared>>
          tpu.enqueue_indirect_dma source(%arg8 : memref<125x128xf32, #tpu.memory_space<vmem>>) target(%dma_start3A_328 : memref<10240x128xf32, #tpu.memory_space<vmem_shared>>) offsets(%dma_start3A_325 : memref<125xi32, #tpu.memory_space<vmem>>) semaphore(%run_scoped3A_322 : memref<!tpu.dma_semaphore, #tpu.memory_space<semaphore_mem>>) {add = true}
          %dma_wait3A_329 = arith.constant 0 : i32
          %dma_wait3A_330 = tpu.memref_slice %arg7[%run_scoped3A_242, %dma_wait3A_329] : memref<16x125xi32, #tpu.memory_space<vmem>> -> memref<1x125xi32, #tpu.memory_space<vmem>>
          %dma_wait3A_331 = tpu.memref_squeeze %dma_wait3A_330 : memref<1x125xi32, #tpu.memory_space<vmem>> -> memref<125xi32, #tpu.memory_space<vmem>>
          %dma_wait3A_332 = arith.constant 0 : i32
          %dma_wait3A_333 = arith.constant 0 : i32
          %dma_wait3A_334 = tpu.memref_slice %arg11[%dma_wait3A_332, %dma_wait3A_333] : memref<10240x128xf32, #tpu.memory_space<vmem_shared>> -> memref<10240x128xf32, #tpu.memory_space<vmem_shared>>
          tpu.wait_indirect_dma semaphore(%run_scoped3A_322 : memref<!tpu.dma_semaphore, #tpu.memory_space<semaphore_mem>>) src(%arg8 : memref<125x128xf32, #tpu.memory_space<vmem>>) dst(%dma_wait3A_334 : memref<10240x128xf32, #tpu.memory_space<vmem_shared>>)
          tpu.yield
        }) : () -> ()
        %dma_start3A_243 = arith.constant 12 : i32
        %dma_start3A_244 = arith.constant 0 : i32
        %dma_start3A_245 = tpu.memref_slice %arg6[%dma_start3A_243, %dma_start3A_244] : memref<16x125xi32, #tpu.memory_space<vmem>> -> memref<1x125xi32, #tpu.memory_space<vmem>>
        %dma_start3A_246 = tpu.memref_squeeze %dma_start3A_245 : memref<1x125xi32, #tpu.memory_space<vmem>> -> memref<125xi32, #tpu.memory_space<vmem>>
        %dma_start3A_247 = arith.constant 0 : i32
        %dma_start3A_248 = arith.constant 0 : i32
        %dma_start3A_249 = tpu.memref_slice %arg2[%dma_start3A_247, %dma_start3A_248] : memref<50000x128xf32, #tpu.memory_space<hbm>> -> memref<50000x128xf32, #tpu.memory_space<hbm>>
        tpu.enqueue_indirect_dma source(%dma_start3A_249 : memref<50000x128xf32, #tpu.memory_space<hbm>>) target(%arg8 : memref<125x128xf32, #tpu.memory_space<vmem>>) offsets(%dma_start3A_246 : memref<125xi32, #tpu.memory_space<vmem>>) semaphore(%arg12 : memref<!tpu.dma_semaphore, #tpu.memory_space<semaphore_mem>>)
        %dma_wait3A_250 = arith.constant 11 : i32
        %dma_wait3A_251 = arith.constant 0 : i32
        %dma_wait3A_252 = tpu.memref_slice %arg6[%dma_wait3A_250, %dma_wait3A_251] : memref<16x125xi32, #tpu.memory_space<vmem>> -> memref<1x125xi32, #tpu.memory_space<vmem>>
        %dma_wait3A_253 = tpu.memref_squeeze %dma_wait3A_252 : memref<1x125xi32, #tpu.memory_space<vmem>> -> memref<125xi32, #tpu.memory_space<vmem>>
        %dma_wait3A_254 = arith.constant 0 : i32
        %dma_wait3A_255 = arith.constant 0 : i32
        %dma_wait3A_256 = tpu.memref_slice %arg2[%dma_wait3A_254, %dma_wait3A_255] : memref<50000x128xf32, #tpu.memory_space<hbm>> -> memref<50000x128xf32, #tpu.memory_space<hbm>>
        tpu.wait_indirect_dma semaphore(%arg13 : memref<!tpu.dma_semaphore, #tpu.memory_space<semaphore_mem>>) src(%dma_wait3A_256 : memref<50000x128xf32, #tpu.memory_space<hbm>>) dst(%arg9 : memref<125x128xf32, #tpu.memory_space<vmem>>)
        %run_scoped3A_257 = arith.constant 11 : i32
        "tpu.region"() ({
          %run_scoped3A_322 = tpu.sem_alloc : memref<!tpu.dma_semaphore, #tpu.memory_space<semaphore_mem>>
          %dma_start3A_323 = arith.constant 0 : i32
          %dma_start3A_324 = tpu.memref_slice %arg7[%run_scoped3A_257, %dma_start3A_323] : memref<16x125xi32, #tpu.memory_space<vmem>> -> memref<1x125xi32, #tpu.memory_space<vmem>>
          %dma_start3A_325 = tpu.memref_squeeze %dma_start3A_324 : memref<1x125xi32, #tpu.memory_space<vmem>> -> memref<125xi32, #tpu.memory_space<vmem>>
          %dma_start3A_326 = arith.constant 0 : i32
          %dma_start3A_327 = arith.constant 0 : i32
          %dma_start3A_328 = tpu.memref_slice %arg11[%dma_start3A_326, %dma_start3A_327] : memref<10240x128xf32, #tpu.memory_space<vmem_shared>> -> memref<10240x128xf32, #tpu.memory_space<vmem_shared>>
          tpu.enqueue_indirect_dma source(%arg9 : memref<125x128xf32, #tpu.memory_space<vmem>>) target(%dma_start3A_328 : memref<10240x128xf32, #tpu.memory_space<vmem_shared>>) offsets(%dma_start3A_325 : memref<125xi32, #tpu.memory_space<vmem>>) semaphore(%run_scoped3A_322 : memref<!tpu.dma_semaphore, #tpu.memory_space<semaphore_mem>>) {add = true}
          %dma_wait3A_329 = arith.constant 0 : i32
          %dma_wait3A_330 = tpu.memref_slice %arg7[%run_scoped3A_257, %dma_wait3A_329] : memref<16x125xi32, #tpu.memory_space<vmem>> -> memref<1x125xi32, #tpu.memory_space<vmem>>
          %dma_wait3A_331 = tpu.memref_squeeze %dma_wait3A_330 : memref<1x125xi32, #tpu.memory_space<vmem>> -> memref<125xi32, #tpu.memory_space<vmem>>
          %dma_wait3A_332 = arith.constant 0 : i32
          %dma_wait3A_333 = arith.constant 0 : i32
          %dma_wait3A_334 = tpu.memref_slice %arg11[%dma_wait3A_332, %dma_wait3A_333] : memref<10240x128xf32, #tpu.memory_space<vmem_shared>> -> memref<10240x128xf32, #tpu.memory_space<vmem_shared>>
          tpu.wait_indirect_dma semaphore(%run_scoped3A_322 : memref<!tpu.dma_semaphore, #tpu.memory_space<semaphore_mem>>) src(%arg9 : memref<125x128xf32, #tpu.memory_space<vmem>>) dst(%dma_wait3A_334 : memref<10240x128xf32, #tpu.memory_space<vmem_shared>>)
          tpu.yield
        }) : () -> ()
        %dma_start3A_258 = arith.constant 13 : i32
        %dma_start3A_259 = arith.constant 0 : i32
        %dma_start3A_260 = tpu.memref_slice %arg6[%dma_start3A_258, %dma_start3A_259] : memref<16x125xi32, #tpu.memory_space<vmem>> -> memref<1x125xi32, #tpu.memory_space<vmem>>
        %dma_start3A_261 = tpu.memref_squeeze %dma_start3A_260 : memref<1x125xi32, #tpu.memory_space<vmem>> -> memref<125xi32, #tpu.memory_space<vmem>>
        %dma_start3A_262 = arith.constant 0 : i32
        %dma_start3A_263 = arith.constant 0 : i32
        %dma_start3A_264 = tpu.memref_slice %arg2[%dma_start3A_262, %dma_start3A_263] : memref<50000x128xf32, #tpu.memory_space<hbm>> -> memref<50000x128xf32, #tpu.memory_space<hbm>>
        tpu.enqueue_indirect_dma source(%dma_start3A_264 : memref<50000x128xf32, #tpu.memory_space<hbm>>) target(%arg9 : memref<125x128xf32, #tpu.memory_space<vmem>>) offsets(%dma_start3A_261 : memref<125xi32, #tpu.memory_space<vmem>>) semaphore(%arg13 : memref<!tpu.dma_semaphore, #tpu.memory_space<semaphore_mem>>)
        %dma_wait3A_265 = arith.constant 12 : i32
        %dma_wait3A_266 = arith.constant 0 : i32
        %dma_wait3A_267 = tpu.memref_slice %arg6[%dma_wait3A_265, %dma_wait3A_266] : memref<16x125xi32, #tpu.memory_space<vmem>> -> memref<1x125xi32, #tpu.memory_space<vmem>>
        %dma_wait3A_268 = tpu.memref_squeeze %dma_wait3A_267 : memref<1x125xi32, #tpu.memory_space<vmem>> -> memref<125xi32, #tpu.memory_space<vmem>>
        %dma_wait3A_269 = arith.constant 0 : i32
        %dma_wait3A_270 = arith.constant 0 : i32
        %dma_wait3A_271 = tpu.memref_slice %arg2[%dma_wait3A_269, %dma_wait3A_270] : memref<50000x128xf32, #tpu.memory_space<hbm>> -> memref<50000x128xf32, #tpu.memory_space<hbm>>
        tpu.wait_indirect_dma semaphore(%arg12 : memref<!tpu.dma_semaphore, #tpu.memory_space<semaphore_mem>>) src(%dma_wait3A_271 : memref<50000x128xf32, #tpu.memory_space<hbm>>) dst(%arg8 : memref<125x128xf32, #tpu.memory_space<vmem>>)
        %run_scoped3A_272 = arith.constant 12 : i32
        "tpu.region"() ({
          %run_scoped3A_322 = tpu.sem_alloc : memref<!tpu.dma_semaphore, #tpu.memory_space<semaphore_mem>>
          %dma_start3A_323 = arith.constant 0 : i32
          %dma_start3A_324 = tpu.memref_slice %arg7[%run_scoped3A_272, %dma_start3A_323] : memref<16x125xi32, #tpu.memory_space<vmem>> -> memref<1x125xi32, #tpu.memory_space<vmem>>
          %dma_start3A_325 = tpu.memref_squeeze %dma_start3A_324 : memref<1x125xi32, #tpu.memory_space<vmem>> -> memref<125xi32, #tpu.memory_space<vmem>>
          %dma_start3A_326 = arith.constant 0 : i32
          %dma_start3A_327 = arith.constant 0 : i32
          %dma_start3A_328 = tpu.memref_slice %arg11[%dma_start3A_326, %dma_start3A_327] : memref<10240x128xf32, #tpu.memory_space<vmem_shared>> -> memref<10240x128xf32, #tpu.memory_space<vmem_shared>>
          tpu.enqueue_indirect_dma source(%arg8 : memref<125x128xf32, #tpu.memory_space<vmem>>) target(%dma_start3A_328 : memref<10240x128xf32, #tpu.memory_space<vmem_shared>>) offsets(%dma_start3A_325 : memref<125xi32, #tpu.memory_space<vmem>>) semaphore(%run_scoped3A_322 : memref<!tpu.dma_semaphore, #tpu.memory_space<semaphore_mem>>) {add = true}
          %dma_wait3A_329 = arith.constant 0 : i32
          %dma_wait3A_330 = tpu.memref_slice %arg7[%run_scoped3A_272, %dma_wait3A_329] : memref<16x125xi32, #tpu.memory_space<vmem>> -> memref<1x125xi32, #tpu.memory_space<vmem>>
          %dma_wait3A_331 = tpu.memref_squeeze %dma_wait3A_330 : memref<1x125xi32, #tpu.memory_space<vmem>> -> memref<125xi32, #tpu.memory_space<vmem>>
          %dma_wait3A_332 = arith.constant 0 : i32
          %dma_wait3A_333 = arith.constant 0 : i32
          %dma_wait3A_334 = tpu.memref_slice %arg11[%dma_wait3A_332, %dma_wait3A_333] : memref<10240x128xf32, #tpu.memory_space<vmem_shared>> -> memref<10240x128xf32, #tpu.memory_space<vmem_shared>>
          tpu.wait_indirect_dma semaphore(%run_scoped3A_322 : memref<!tpu.dma_semaphore, #tpu.memory_space<semaphore_mem>>) src(%arg8 : memref<125x128xf32, #tpu.memory_space<vmem>>) dst(%dma_wait3A_334 : memref<10240x128xf32, #tpu.memory_space<vmem_shared>>)
          tpu.yield
        }) : () -> ()
        %dma_start3A_273 = arith.constant 14 : i32
        %dma_start3A_274 = arith.constant 0 : i32
        %dma_start3A_275 = tpu.memref_slice %arg6[%dma_start3A_273, %dma_start3A_274] : memref<16x125xi32, #tpu.memory_space<vmem>> -> memref<1x125xi32, #tpu.memory_space<vmem>>
        %dma_start3A_276 = tpu.memref_squeeze %dma_start3A_275 : memref<1x125xi32, #tpu.memory_space<vmem>> -> memref<125xi32, #tpu.memory_space<vmem>>
        %dma_start3A_277 = arith.constant 0 : i32
        %dma_start3A_278 = arith.constant 0 : i32
        %dma_start3A_279 = tpu.memref_slice %arg2[%dma_start3A_277, %dma_start3A_278] : memref<50000x128xf32, #tpu.memory_space<hbm>> -> memref<50000x128xf32, #tpu.memory_space<hbm>>
        tpu.enqueue_indirect_dma source(%dma_start3A_279 : memref<50000x128xf32, #tpu.memory_space<hbm>>) target(%arg8 : memref<125x128xf32, #tpu.memory_space<vmem>>) offsets(%dma_start3A_276 : memref<125xi32, #tpu.memory_space<vmem>>) semaphore(%arg12 : memref<!tpu.dma_semaphore, #tpu.memory_space<semaphore_mem>>)
        %dma_wait3A_280 = arith.constant 13 : i32
        %dma_wait3A_281 = arith.constant 0 : i32
        %dma_wait3A_282 = tpu.memref_slice %arg6[%dma_wait3A_280, %dma_wait3A_281] : memref<16x125xi32, #tpu.memory_space<vmem>> -> memref<1x125xi32, #tpu.memory_space<vmem>>
        %dma_wait3A_283 = tpu.memref_squeeze %dma_wait3A_282 : memref<1x125xi32, #tpu.memory_space<vmem>> -> memref<125xi32, #tpu.memory_space<vmem>>
        %dma_wait3A_284 = arith.constant 0 : i32
        %dma_wait3A_285 = arith.constant 0 : i32
        %dma_wait3A_286 = tpu.memref_slice %arg2[%dma_wait3A_284, %dma_wait3A_285] : memref<50000x128xf32, #tpu.memory_space<hbm>> -> memref<50000x128xf32, #tpu.memory_space<hbm>>
        tpu.wait_indirect_dma semaphore(%arg13 : memref<!tpu.dma_semaphore, #tpu.memory_space<semaphore_mem>>) src(%dma_wait3A_286 : memref<50000x128xf32, #tpu.memory_space<hbm>>) dst(%arg9 : memref<125x128xf32, #tpu.memory_space<vmem>>)
        %run_scoped3A_287 = arith.constant 13 : i32
        "tpu.region"() ({
          %run_scoped3A_322 = tpu.sem_alloc : memref<!tpu.dma_semaphore, #tpu.memory_space<semaphore_mem>>
          %dma_start3A_323 = arith.constant 0 : i32
          %dma_start3A_324 = tpu.memref_slice %arg7[%run_scoped3A_287, %dma_start3A_323] : memref<16x125xi32, #tpu.memory_space<vmem>> -> memref<1x125xi32, #tpu.memory_space<vmem>>
          %dma_start3A_325 = tpu.memref_squeeze %dma_start3A_324 : memref<1x125xi32, #tpu.memory_space<vmem>> -> memref<125xi32, #tpu.memory_space<vmem>>
          %dma_start3A_326 = arith.constant 0 : i32
          %dma_start3A_327 = arith.constant 0 : i32
          %dma_start3A_328 = tpu.memref_slice %arg11[%dma_start3A_326, %dma_start3A_327] : memref<10240x128xf32, #tpu.memory_space<vmem_shared>> -> memref<10240x128xf32, #tpu.memory_space<vmem_shared>>
          tpu.enqueue_indirect_dma source(%arg9 : memref<125x128xf32, #tpu.memory_space<vmem>>) target(%dma_start3A_328 : memref<10240x128xf32, #tpu.memory_space<vmem_shared>>) offsets(%dma_start3A_325 : memref<125xi32, #tpu.memory_space<vmem>>) semaphore(%run_scoped3A_322 : memref<!tpu.dma_semaphore, #tpu.memory_space<semaphore_mem>>) {add = true}
          %dma_wait3A_329 = arith.constant 0 : i32
          %dma_wait3A_330 = tpu.memref_slice %arg7[%run_scoped3A_287, %dma_wait3A_329] : memref<16x125xi32, #tpu.memory_space<vmem>> -> memref<1x125xi32, #tpu.memory_space<vmem>>
          %dma_wait3A_331 = tpu.memref_squeeze %dma_wait3A_330 : memref<1x125xi32, #tpu.memory_space<vmem>> -> memref<125xi32, #tpu.memory_space<vmem>>
          %dma_wait3A_332 = arith.constant 0 : i32
          %dma_wait3A_333 = arith.constant 0 : i32
          %dma_wait3A_334 = tpu.memref_slice %arg11[%dma_wait3A_332, %dma_wait3A_333] : memref<10240x128xf32, #tpu.memory_space<vmem_shared>> -> memref<10240x128xf32, #tpu.memory_space<vmem_shared>>
          tpu.wait_indirect_dma semaphore(%run_scoped3A_322 : memref<!tpu.dma_semaphore, #tpu.memory_space<semaphore_mem>>) src(%arg9 : memref<125x128xf32, #tpu.memory_space<vmem>>) dst(%dma_wait3A_334 : memref<10240x128xf32, #tpu.memory_space<vmem_shared>>)
          tpu.yield
        }) : () -> ()
        %dma_start3A_288 = arith.constant 15 : i32
        %dma_start3A_289 = arith.constant 0 : i32
        %dma_start3A_290 = tpu.memref_slice %arg6[%dma_start3A_288, %dma_start3A_289] : memref<16x125xi32, #tpu.memory_space<vmem>> -> memref<1x125xi32, #tpu.memory_space<vmem>>
        %dma_start3A_291 = tpu.memref_squeeze %dma_start3A_290 : memref<1x125xi32, #tpu.memory_space<vmem>> -> memref<125xi32, #tpu.memory_space<vmem>>
        %dma_start3A_292 = arith.constant 0 : i32
        %dma_start3A_293 = arith.constant 0 : i32
        %dma_start3A_294 = tpu.memref_slice %arg2[%dma_start3A_292, %dma_start3A_293] : memref<50000x128xf32, #tpu.memory_space<hbm>> -> memref<50000x128xf32, #tpu.memory_space<hbm>>
        tpu.enqueue_indirect_dma source(%dma_start3A_294 : memref<50000x128xf32, #tpu.memory_space<hbm>>) target(%arg9 : memref<125x128xf32, #tpu.memory_space<vmem>>) offsets(%dma_start3A_291 : memref<125xi32, #tpu.memory_space<vmem>>) semaphore(%arg13 : memref<!tpu.dma_semaphore, #tpu.memory_space<semaphore_mem>>)
        %dma_wait3A_295 = arith.constant 14 : i32
        %dma_wait3A_296 = arith.constant 0 : i32
        %dma_wait3A_297 = tpu.memref_slice %arg6[%dma_wait3A_295, %dma_wait3A_296] : memref<16x125xi32, #tpu.memory_space<vmem>> -> memref<1x125xi32, #tpu.memory_space<vmem>>
        %dma_wait3A_298 = tpu.memref_squeeze %dma_wait3A_297 : memref<1x125xi32, #tpu.memory_space<vmem>> -> memref<125xi32, #tpu.memory_space<vmem>>
        %dma_wait3A_299 = arith.constant 0 : i32
        %dma_wait3A_300 = arith.constant 0 : i32
        %dma_wait3A_301 = tpu.memref_slice %arg2[%dma_wait3A_299, %dma_wait3A_300] : memref<50000x128xf32, #tpu.memory_space<hbm>> -> memref<50000x128xf32, #tpu.memory_space<hbm>>
        tpu.wait_indirect_dma semaphore(%arg12 : memref<!tpu.dma_semaphore, #tpu.memory_space<semaphore_mem>>) src(%dma_wait3A_301 : memref<50000x128xf32, #tpu.memory_space<hbm>>) dst(%arg8 : memref<125x128xf32, #tpu.memory_space<vmem>>)
        %run_scoped3A_302 = arith.constant 14 : i32
        "tpu.region"() ({
          %run_scoped3A_322 = tpu.sem_alloc : memref<!tpu.dma_semaphore, #tpu.memory_space<semaphore_mem>>
          %dma_start3A_323 = arith.constant 0 : i32
          %dma_start3A_324 = tpu.memref_slice %arg7[%run_scoped3A_302, %dma_start3A_323] : memref<16x125xi32, #tpu.memory_space<vmem>> -> memref<1x125xi32, #tpu.memory_space<vmem>>
          %dma_start3A_325 = tpu.memref_squeeze %dma_start3A_324 : memref<1x125xi32, #tpu.memory_space<vmem>> -> memref<125xi32, #tpu.memory_space<vmem>>
          %dma_start3A_326 = arith.constant 0 : i32
          %dma_start3A_327 = arith.constant 0 : i32
          %dma_start3A_328 = tpu.memref_slice %arg11[%dma_start3A_326, %dma_start3A_327] : memref<10240x128xf32, #tpu.memory_space<vmem_shared>> -> memref<10240x128xf32, #tpu.memory_space<vmem_shared>>
          tpu.enqueue_indirect_dma source(%arg8 : memref<125x128xf32, #tpu.memory_space<vmem>>) target(%dma_start3A_328 : memref<10240x128xf32, #tpu.memory_space<vmem_shared>>) offsets(%dma_start3A_325 : memref<125xi32, #tpu.memory_space<vmem>>) semaphore(%run_scoped3A_322 : memref<!tpu.dma_semaphore, #tpu.memory_space<semaphore_mem>>) {add = true}
          %dma_wait3A_329 = arith.constant 0 : i32
          %dma_wait3A_330 = tpu.memref_slice %arg7[%run_scoped3A_302, %dma_wait3A_329] : memref<16x125xi32, #tpu.memory_space<vmem>> -> memref<1x125xi32, #tpu.memory_space<vmem>>
          %dma_wait3A_331 = tpu.memref_squeeze %dma_wait3A_330 : memref<1x125xi32, #tpu.memory_space<vmem>> -> memref<125xi32, #tpu.memory_space<vmem>>
          %dma_wait3A_332 = arith.constant 0 : i32
          %dma_wait3A_333 = arith.constant 0 : i32
          %dma_wait3A_334 = tpu.memref_slice %arg11[%dma_wait3A_332, %dma_wait3A_333] : memref<10240x128xf32, #tpu.memory_space<vmem_shared>> -> memref<10240x128xf32, #tpu.memory_space<vmem_shared>>
          tpu.wait_indirect_dma semaphore(%run_scoped3A_322 : memref<!tpu.dma_semaphore, #tpu.memory_space<semaphore_mem>>) src(%arg8 : memref<125x128xf32, #tpu.memory_space<vmem>>) dst(%dma_wait3A_334 : memref<10240x128xf32, #tpu.memory_space<vmem_shared>>)
          tpu.yield
        }) : () -> ()
        %dma_wait3A_303 = arith.constant 15 : i32
        %dma_wait3A_304 = arith.constant 0 : i32
        %dma_wait3A_305 = tpu.memref_slice %arg6[%dma_wait3A_303, %dma_wait3A_304] : memref<16x125xi32, #tpu.memory_space<vmem>> -> memref<1x125xi32, #tpu.memory_space<vmem>>
        %dma_wait3A_306 = tpu.memref_squeeze %dma_wait3A_305 : memref<1x125xi32, #tpu.memory_space<vmem>> -> memref<125xi32, #tpu.memory_space<vmem>>
        %dma_wait3A_307 = arith.constant 0 : i32
        %dma_wait3A_308 = arith.constant 0 : i32
        %dma_wait3A_309 = tpu.memref_slice %arg2[%dma_wait3A_307, %dma_wait3A_308] : memref<50000x128xf32, #tpu.memory_space<hbm>> -> memref<50000x128xf32, #tpu.memory_space<hbm>>
        tpu.wait_indirect_dma semaphore(%arg13 : memref<!tpu.dma_semaphore, #tpu.memory_space<semaphore_mem>>) src(%dma_wait3A_309 : memref<50000x128xf32, #tpu.memory_space<hbm>>) dst(%arg9 : memref<125x128xf32, #tpu.memory_space<vmem>>)
        %run_scoped3A_310 = arith.constant 15 : i32
        "tpu.region"() ({
          %run_scoped3A_322 = tpu.sem_alloc : memref<!tpu.dma_semaphore, #tpu.memory_space<semaphore_mem>>
          %dma_start3A_323 = arith.constant 0 : i32
          %dma_start3A_324 = tpu.memref_slice %arg7[%run_scoped3A_310, %dma_start3A_323] : memref<16x125xi32, #tpu.memory_space<vmem>> -> memref<1x125xi32, #tpu.memory_space<vmem>>
          %dma_start3A_325 = tpu.memref_squeeze %dma_start3A_324 : memref<1x125xi32, #tpu.memory_space<vmem>> -> memref<125xi32, #tpu.memory_space<vmem>>
          %dma_start3A_326 = arith.constant 0 : i32
          %dma_start3A_327 = arith.constant 0 : i32
          %dma_start3A_328 = tpu.memref_slice %arg11[%dma_start3A_326, %dma_start3A_327] : memref<10240x128xf32, #tpu.memory_space<vmem_shared>> -> memref<10240x128xf32, #tpu.memory_space<vmem_shared>>
          tpu.enqueue_indirect_dma source(%arg9 : memref<125x128xf32, #tpu.memory_space<vmem>>) target(%dma_start3A_328 : memref<10240x128xf32, #tpu.memory_space<vmem_shared>>) offsets(%dma_start3A_325 : memref<125xi32, #tpu.memory_space<vmem>>) semaphore(%run_scoped3A_322 : memref<!tpu.dma_semaphore, #tpu.memory_space<semaphore_mem>>) {add = true}
          %dma_wait3A_329 = arith.constant 0 : i32
          %dma_wait3A_330 = tpu.memref_slice %arg7[%run_scoped3A_310, %dma_wait3A_329] : memref<16x125xi32, #tpu.memory_space<vmem>> -> memref<1x125xi32, #tpu.memory_space<vmem>>
          %dma_wait3A_331 = tpu.memref_squeeze %dma_wait3A_330 : memref<1x125xi32, #tpu.memory_space<vmem>> -> memref<125xi32, #tpu.memory_space<vmem>>
          %dma_wait3A_332 = arith.constant 0 : i32
          %dma_wait3A_333 = arith.constant 0 : i32
          %dma_wait3A_334 = tpu.memref_slice %arg11[%dma_wait3A_332, %dma_wait3A_333] : memref<10240x128xf32, #tpu.memory_space<vmem_shared>> -> memref<10240x128xf32, #tpu.memory_space<vmem_shared>>
          tpu.wait_indirect_dma semaphore(%run_scoped3A_322 : memref<!tpu.dma_semaphore, #tpu.memory_space<semaphore_mem>>) src(%arg9 : memref<125x128xf32, #tpu.memory_space<vmem>>) dst(%dma_wait3A_334 : memref<10240x128xf32, #tpu.memory_space<vmem_shared>>)
          tpu.yield
        }) : () -> ()
        %barrier3A_311 = arith.constant 0 : index
        tpu.barrier barrier_id(%barrier3A_311)
        %mul3A_312 = arith.constant 640 : i32
        %mul3A_313 = arith.muli %arg1, %mul3A_312 : i32
        %mul3A_314 = arith.constant 640 : i32
        %mul3A_315 = arith.muli %arg1, %mul3A_314 : i32
        %dma_start3A_316 = arith.constant 1 : i32
        %dma_start3A_317 = arith.constant 0 : i32
        %dma_start3A_318 = tpu.memref_slice %arg5[%dma_start3A_316, %scan3A_27, %mul3A_315, %dma_start3A_317] : memref<2x5x10240x128xf32, #tpu.memory_space<hbm>> -> memref<1x1x640x128xf32, #tpu.memory_space<hbm>>
        %dma_start3A_319 = tpu.memref_squeeze %dma_start3A_318 : memref<1x1x640x128xf32, #tpu.memory_space<hbm>> -> memref<640x128xf32, #tpu.memory_space<hbm>>
        %dma_start3A_320 = arith.constant 0 : i32
        %dma_start3A_321 = tpu.memref_slice %arg11[%mul3A_313, %dma_start3A_320] : memref<10240x128xf32, #tpu.memory_space<vmem_shared>> -> memref<640x128xf32, #tpu.memory_space<vmem_shared>>
        tpu.enqueue_dma source(%dma_start3A_321 : memref<640x128xf32, #tpu.memory_space<vmem_shared>>) target(%dma_start3A_319 : memref<640x128xf32, #tpu.memory_space<hbm>>) target_semaphore(%arg14 : memref<!tpu.dma_semaphore, #tpu.memory_space<semaphore_mem>>)
      }
      %scan3A_17 = arith.constant 5 : i32
      %mul3A = arith.constant 640 : i32
      %mul3A_18 = arith.muli %arg1, %mul3A : i32
      %mul3A_19 = arith.constant 640 : i32
      %mul3A_20 = arith.muli %arg1, %mul3A_19 : i32
      %dma_wait3A = arith.constant 1 : i32
      %dma_wait3A_21 = arith.constant 0 : i32
      %dma_wait3A_22 = arith.constant 0 : i32
      %dma_wait3A_23 = tpu.memref_slice %arg11[%mul3A_20, %dma_wait3A_22] : memref<10240x128xf32, #tpu.memory_space<vmem_shared>> -> memref<640x128xf32, #tpu.memory_space<vmem_shared>>
      %dma_wait3A_24 = arith.constant 0 : i32
      %dma_wait3A_25 = tpu.memref_slice %arg5[%dma_wait3A, %dma_wait3A_21, %mul3A_18, %dma_wait3A_24] : memref<2x5x10240x128xf32, #tpu.memory_space<hbm>> -> memref<1x1x640x128xf32, #tpu.memory_space<hbm>>
      %dma_wait3A_26 = tpu.memref_squeeze %dma_wait3A_25 : memref<1x1x640x128xf32, #tpu.memory_space<hbm>> -> memref<640x128xf32, #tpu.memory_space<hbm>>
      tpu.wait_dma2 semaphore(%arg14 : memref<!tpu.dma_semaphore, #tpu.memory_space<semaphore_mem>>) src(%dma_wait3A_26 : memref<640x128xf32, #tpu.memory_space<hbm>>) dst(%dma_wait3A_23 : memref<640x128xf32, #tpu.memory_space<vmem_shared>>)
    } else {
    }
    return
  }
}

module attributes {stable_mosaic.version = 14 : i64} {
  func.func @_proj_body(%arg0: i32, %arg1: i32, %arg2: memref<2000x256xf32, #tpu.memory_space<vmem>>, %arg3: memref<2000x256xf32, #tpu.memory_space<vmem>>, %arg4: memref<1x256x64xf32, #tpu.memory_space<vmem>>, %arg5: memref<2000x128xf32, #tpu.memory_space<vmem>>) attributes {dimension_semantics = [#tpu.dimension_semantics<arbitrary>, #tpu.dimension_semantics<arbitrary>], iteration_bounds = array<i64: 5, 5>, scalar_prefetch = 0 : i64, scratch_operands = 0 : i64, tpu.core_type = #tpu.core_type<tc>, window_params = [{transform_indices = @transform_0, window_bounds = array<i64: 2000, 256>}, {transform_indices = @transform_1, window_bounds = array<i64: 2000, 256>}, {transform_indices = @transform_2, window_bounds = array<i64: 1, 256, 64>}, {transform_indices = @transform_3, window_bounds = array<i64: 2000, 128>}]} {
    %get3A = arith.constant 0 : index
    %get3A_0 = arith.constant 0 : index
    %get3A_1 = arith.constant 0 : index
    %get3A_2 = vector.load %arg4[%get3A, %get3A_0, %get3A_1] : memref<1x256x64xf32, #tpu.memory_space<vmem>>, vector<1x256x64xf32>
    %get3A_3 = vector.shape_cast %get3A_2 : vector<1x256x64xf32> to vector<256x64xf32>
    %get3A_4 = arith.constant 0 : index
    %get3A_5 = arith.constant 0 : index
    %get3A_6 = vector.load %arg2[%get3A_4, %get3A_5] : memref<2000x256xf32, #tpu.memory_space<vmem>>, vector<2000x256xf32>
    %dot_general3A = arith.constant dense<0.000000e+00> : vector<2000x64xf32>
    %dot_general3A_7 = tpu.matmul %get3A_6, %get3A_3, %dot_general3A {dimension_numbers = #tpu.dot_dimension_numbers<[1], [0], [0], [1], [0, 0, 1, 1], [], []>, transpose_lhs_hint = false} : vector<2000x256xf32>, vector<256x64xf32>, vector<2000x64xf32> -> vector<2000x64xf32>
    %swap3A = arith.constant 0 : index
    %swap3A_8 = arith.constant 0 : index
    %swap3A_9 = vector.load %arg5[%swap3A, %swap3A_8] : memref<2000x128xf32, #tpu.memory_space<vmem>>, vector<2000x64xf32>
    tpu.vector_store %arg5[%swap3A, %swap3A_8], %dot_general3A_7 {strides = array<i32>} : memref<2000x128xf32, #tpu.memory_space<vmem>>, vector<2000x64xf32>,
    %get3A_10 = arith.constant 0 : index
    %get3A_11 = arith.constant 0 : index
    %get3A_12 = vector.load %arg3[%get3A_10, %get3A_11] : memref<2000x256xf32, #tpu.memory_space<vmem>>, vector<2000x256xf32>
    %dot_general3A_13 = arith.constant dense<0.000000e+00> : vector<2000x64xf32>
    %dot_general3A_14 = tpu.matmul %get3A_12, %get3A_3, %dot_general3A_13 {dimension_numbers = #tpu.dot_dimension_numbers<[1], [0], [0], [1], [0, 0, 1, 1], [], []>, transpose_lhs_hint = false} : vector<2000x256xf32>, vector<256x64xf32>, vector<2000x64xf32> -> vector<2000x64xf32>
    %swap3A_15 = arith.constant 0 : index
    %swap3A_16 = arith.constant 64 : index
    %swap3A_17 = vector.load %arg5[%swap3A_15, %swap3A_16] : memref<2000x128xf32, #tpu.memory_space<vmem>>, vector<2000x64xf32>
    tpu.vector_store %arg5[%swap3A_15, %swap3A_16], %dot_general3A_14 {strides = array<i32>} : memref<2000x128xf32, #tpu.memory_space<vmem>>, vector<2000x64xf32>,
    return
  }
  func.func @transform_0(%arg0: i32, %arg1: i32) -> (i32, i32) {
    %c0_i32 = arith.constant 0 : i32
    %c0_i32_0 = arith.constant 0 : i32
    return %arg0, %c0_i32 : i32, i32
  }
  func.func @transform_1(%arg0: i32, %arg1: i32) -> (i32, i32) {
    %c0_i32 = arith.constant 0 : i32
    %c0_i32_0 = arith.constant 0 : i32
    return %arg0, %c0_i32 : i32, i32
  }
  func.func @transform_2(%arg0: i32, %arg1: i32) -> (i32, i32, i32) {
    %c0_i32 = arith.constant 0 : i32
    %c0_i32_0 = arith.constant 0 : i32
    %c0_i32_1 = arith.constant 0 : i32
    return %arg1, %c0_i32, %c0_i32_0 : i32, i32, i32
  }
  func.func @transform_3(%arg0: i32, %arg1: i32) -> (i32, i32) {
    %mul3A = arith.constant 5 : i32
    %mul3A_0 = arith.muli %arg1, %mul3A : i32
    %add3A = arith.addi %mul3A_0, %arg0 : i32
    %c0_i32 = arith.constant 0 : i32
    %c0_i32_1 = arith.constant 0 : i32
    return %add3A, %c0_i32 : i32, i32
  }
}

module attributes {stable_mosaic.version = 14 : i64} {
  func.func @_final_body(%arg0: i32, %arg1: memref<2x5x2000x128xf32, #tpu.memory_space<vmem>>, %arg2: memref<2000x128xf32, #tpu.memory_space<vmem>>, %arg3: memref<2000x128xf32, #tpu.memory_space<vmem>>, %arg4: memref<128x64xf32, #tpu.memory_space<vmem>>, %arg5: memref<1x64xf32, #tpu.memory_space<vmem>>, %arg6: memref<1x64xf32, #tpu.memory_space<vmem>>, %arg7: memref<384x64xf32, #tpu.memory_space<vmem>>, %arg8: memref<384x64xf32, #tpu.memory_space<vmem>>, %arg9: memref<2000x64xf32, #tpu.memory_space<vmem>>, %arg10: memref<2000x64xf32, #tpu.memory_space<vmem>>) attributes {dimension_semantics = [#tpu.dimension_semantics<arbitrary>], iteration_bounds = array<i64: 5>, scalar_prefetch = 0 : i64, scratch_operands = 0 : i64, tpu.core_type = #tpu.core_type<tc>, window_params = [{transform_indices = @transform_0, window_bounds = array<i64: 2, 5, 2000, 128>}, {transform_indices = @transform_1, window_bounds = array<i64: 2000, 128>}, {transform_indices = @transform_2, window_bounds = array<i64: 2000, 128>}, {pipeline_mode = #tpu.pipeline_mode<synchronous>, transform_indices = @transform_3, window_bounds = array<i64: 128, 64>}, {pipeline_mode = #tpu.pipeline_mode<synchronous>, transform_indices = @transform_4, window_bounds = array<i64: 1, 64>}, {pipeline_mode = #tpu.pipeline_mode<synchronous>, transform_indices = @transform_5, window_bounds = array<i64: 1, 64>}, {pipeline_mode = #tpu.pipeline_mode<synchronous>, transform_indices = @transform_6, window_bounds = array<i64: 384, 64>}, {pipeline_mode = #tpu.pipeline_mode<synchronous>, transform_indices = @transform_7, window_bounds = array<i64: 384, 64>}, {transform_indices = @transform_8, window_bounds = array<i64: 2000, 64>}, {transform_indices = @transform_9, window_bounds = array<i64: 2000, 64>}]} {
    %get3A = arith.constant 0 : index
    %get3A_0 = arith.constant 0 : index
    %get3A_1 = vector.load %arg4[%get3A, %get3A_0] : memref<128x64xf32, #tpu.memory_space<vmem>>, vector<128x64xf32>
    %get3A_2 = arith.constant 0 : index
    %get3A_3 = arith.constant 0 : index
    %get3A_4 = vector.load %arg2[%get3A_2, %get3A_3] : memref<2000x128xf32, #tpu.memory_space<vmem>>, vector<2000x128xf32>
    %dot_general3A = arith.constant dense<0.000000e+00> : vector<2000x64xf32>
    %dot_general3A_5 = tpu.matmul %get3A_4, %get3A_1, %dot_general3A {dimension_numbers = #tpu.dot_dimension_numbers<[1], [0], [0], [1], [0, 0, 1, 1], [], []>, transpose_lhs_hint = false} : vector<2000x128xf32>, vector<128x64xf32>, vector<2000x64xf32> -> vector<2000x64xf32>
    %get3A_6 = arith.constant 0 : index
    %get3A_7 = arith.constant 0 : index
    %get3A_8 = vector.load %arg5[%get3A_6, %get3A_7] : memref<1x64xf32, #tpu.memory_space<vmem>>, vector<1x64xf32>
    %add3A = vector.broadcast %get3A_8 : vector<1x64xf32> to vector<2000x64xf32>
    %add3A_9 = arith.addf %dot_general3A_5, %add3A : vector<2000x64xf32>
    %max3A = arith.constant 0.000000e+00 : f32
    %max3A_10 = vector.broadcast %max3A : f32 to vector<2000x64xf32>
    %max3A_11 = arith.maximumf %add3A_9, %max3A_10 : vector<2000x64xf32>
    %get3A_12 = arith.constant 0 : index
    %get3A_13 = arith.constant 0 : index
    %get3A_14 = vector.load %arg3[%get3A_12, %get3A_13] : memref<2000x128xf32, #tpu.memory_space<vmem>>, vector<2000x128xf32>
    %dot_general3A_15 = arith.constant dense<0.000000e+00> : vector<2000x64xf32>
    %dot_general3A_16 = tpu.matmul %get3A_14, %get3A_1, %dot_general3A_15 {dimension_numbers = #tpu.dot_dimension_numbers<[1], [0], [0], [1], [0, 0, 1, 1], [], []>, transpose_lhs_hint = false} : vector<2000x128xf32>, vector<128x64xf32>, vector<2000x64xf32> -> vector<2000x64xf32>
    %get3A_17 = arith.constant 0 : index
    %get3A_18 = arith.constant 0 : index
    %get3A_19 = vector.load %arg6[%get3A_17, %get3A_18] : memref<1x64xf32, #tpu.memory_space<vmem>>, vector<1x64xf32>
    %add3A_20 = vector.broadcast %get3A_19 : vector<1x64xf32> to vector<2000x64xf32>
    %add3A_21 = arith.addf %dot_general3A_16, %add3A_20 : vector<2000x64xf32>
    %max3A_22 = arith.constant 0.000000e+00 : f32
    %max3A_23 = vector.broadcast %max3A_22 : f32 to vector<2000x64xf32>
    %max3A_24 = arith.maximumf %add3A_21, %max3A_23 : vector<2000x64xf32>
    %get3A_25 = arith.constant 320 : index
    %get3A_26 = arith.constant 0 : index
    %get3A_27 = vector.load %arg7[%get3A_25, %get3A_26] : memref<384x64xf32, #tpu.memory_space<vmem>>, vector<64x64xf32>
    %dot_general3A_28 = arith.constant dense<0.000000e+00> : vector<2000x64xf32>
    %dot_general3A_29 = tpu.matmul %max3A_11, %get3A_27, %dot_general3A_28 {dimension_numbers = #tpu.dot_dimension_numbers<[1], [0], [0], [1], [0, 0, 1, 1], [], []>, transpose_lhs_hint = false} : vector<2000x64xf32>, vector<64x64xf32>, vector<2000x64xf32> -> vector<2000x64xf32>
    %get3A_30 = arith.constant 320 : index
    %get3A_31 = arith.constant 0 : index
    %get3A_32 = vector.load %arg8[%get3A_30, %get3A_31] : memref<384x64xf32, #tpu.memory_space<vmem>>, vector<64x64xf32>
    %dot_general3A_33 = arith.constant dense<0.000000e+00> : vector<2000x64xf32>
    %dot_general3A_34 = tpu.matmul %max3A_24, %get3A_32, %dot_general3A_33 {dimension_numbers = #tpu.dot_dimension_numbers<[1], [0], [0], [1], [0, 0, 1, 1], [], []>, transpose_lhs_hint = false} : vector<2000x64xf32>, vector<64x64xf32>, vector<2000x64xf32> -> vector<2000x64xf32>
    %get3A_35 = arith.constant 0 : index
    %get3A_36 = arith.constant 0 : index
    %get3A_37 = arith.constant 0 : index
    %get3A_38 = arith.constant 0 : index
    %get3A_39 = vector.load %arg1[%get3A_35, %get3A_36, %get3A_37, %get3A_38] : memref<2x5x2000x128xf32, #tpu.memory_space<vmem>>, vector<1x1x2000x128xf32>
    %get3A_40 = vector.shape_cast %get3A_39 : vector<1x1x2000x128xf32> to vector<2000x128xf32>
    %slice3A = vector.extract_strided_slice %get3A_40 {offsets = [0, 0], sizes = [2000, 64], strides = [1, 1]} : vector<2000x128xf32> to vector<2000x64xf32>
    %max3A_41 = arith.constant 0.000000e+00 : f32
    %max3A_42 = vector.broadcast %max3A_41 : f32 to vector<2000x64xf32>
    %max3A_43 = arith.maximumf %slice3A, %max3A_42 : vector<2000x64xf32>
    %get3A_44 = arith.constant 1 : index
    %get3A_45 = arith.constant 0 : index
    %get3A_46 = arith.constant 0 : index
    %get3A_47 = arith.constant 0 : index
    %get3A_48 = vector.load %arg1[%get3A_44, %get3A_45, %get3A_46, %get3A_47] : memref<2x5x2000x128xf32, #tpu.memory_space<vmem>>, vector<1x1x2000x128xf32>
    %get3A_49 = vector.shape_cast %get3A_48 : vector<1x1x2000x128xf32> to vector<2000x128xf32>
    %slice3A_50 = vector.extract_strided_slice %get3A_49 {offsets = [0, 64], sizes = [2000, 64], strides = [1, 1]} : vector<2000x128xf32> to vector<2000x64xf32>
    %max3A_51 = arith.constant 0.000000e+00 : f32
    %max3A_52 = vector.broadcast %max3A_51 : f32 to vector<2000x64xf32>
    %max3A_53 = arith.maximumf %slice3A_50, %max3A_52 : vector<2000x64xf32>
    %get3A_54 = arith.constant 0 : index
    %get3A_55 = arith.constant 0 : index
    %get3A_56 = vector.load %arg7[%get3A_54, %get3A_55] : memref<384x64xf32, #tpu.memory_space<vmem>>, vector<64x64xf32>
    %dot_general3A_57 = arith.constant dense<0.000000e+00> : vector<2000x64xf32>
    %dot_general3A_58 = tpu.matmul %max3A_43, %get3A_56, %dot_general3A_57 {dimension_numbers = #tpu.dot_dimension_numbers<[1], [0], [0], [1], [0, 0, 1, 1], [], []>, transpose_lhs_hint = false} : vector<2000x64xf32>, vector<64x64xf32>, vector<2000x64xf32> -> vector<2000x64xf32>
    %add3A_59 = arith.addf %dot_general3A_29, %dot_general3A_58 : vector<2000x64xf32>
    %get3A_60 = arith.constant 0 : index
    %get3A_61 = arith.constant 0 : index
    %get3A_62 = vector.load %arg8[%get3A_60, %get3A_61] : memref<384x64xf32, #tpu.memory_space<vmem>>, vector<64x64xf32>
    %dot_general3A_63 = arith.constant dense<0.000000e+00> : vector<2000x64xf32>
    %dot_general3A_64 = tpu.matmul %max3A_53, %get3A_62, %dot_general3A_63 {dimension_numbers = #tpu.dot_dimension_numbers<[1], [0], [0], [1], [0, 0, 1, 1], [], []>, transpose_lhs_hint = false} : vector<2000x64xf32>, vector<64x64xf32>, vector<2000x64xf32> -> vector<2000x64xf32>
    %add3A_65 = arith.addf %dot_general3A_34, %dot_general3A_64 : vector<2000x64xf32>
    %get3A_66 = arith.constant 0 : index
    %get3A_67 = arith.constant 1 : index
    %get3A_68 = arith.constant 0 : index
    %get3A_69 = arith.constant 0 : index
    %get3A_70 = vector.load %arg1[%get3A_66, %get3A_67, %get3A_68, %get3A_69] : memref<2x5x2000x128xf32, #tpu.memory_space<vmem>>, vector<1x1x2000x128xf32>
    %get3A_71 = vector.shape_cast %get3A_70 : vector<1x1x2000x128xf32> to vector<2000x128xf32>
    %slice3A_72 = vector.extract_strided_slice %get3A_71 {offsets = [0, 0], sizes = [2000, 64], strides = [1, 1]} : vector<2000x128xf32> to vector<2000x64xf32>
    %max3A_73 = arith.constant 0.000000e+00 : f32
    %max3A_74 = vector.broadcast %max3A_73 : f32 to vector<2000x64xf32>
    %max3A_75 = arith.maximumf %slice3A_72, %max3A_74 : vector<2000x64xf32>
    %get3A_76 = arith.constant 1 : index
    %get3A_77 = arith.constant 1 : index
    %get3A_78 = arith.constant 0 : index
    %get3A_79 = arith.constant 0 : index
    %get3A_80 = vector.load %arg1[%get3A_76, %get3A_77, %get3A_78, %get3A_79] : memref<2x5x2000x128xf32, #tpu.memory_space<vmem>>, vector<1x1x2000x128xf32>
    %get3A_81 = vector.shape_cast %get3A_80 : vector<1x1x2000x128xf32> to vector<2000x128xf32>
    %slice3A_82 = vector.extract_strided_slice %get3A_81 {offsets = [0, 64], sizes = [2000, 64], strides = [1, 1]} : vector<2000x128xf32> to vector<2000x64xf32>
    %max3A_83 = arith.constant 0.000000e+00 : f32
    %max3A_84 = vector.broadcast %max3A_83 : f32 to vector<2000x64xf32>
    %max3A_85 = arith.maximumf %slice3A_82, %max3A_84 : vector<2000x64xf32>
    %get3A_86 = arith.constant 64 : index
    %get3A_87 = arith.constant 0 : index
    %get3A_88 = vector.load %arg7[%get3A_86, %get3A_87] : memref<384x64xf32, #tpu.memory_space<vmem>>, vector<64x64xf32>
    %dot_general3A_89 = arith.constant dense<0.000000e+00> : vector<2000x64xf32>
    %dot_general3A_90 = tpu.matmul %max3A_75, %get3A_88, %dot_general3A_89 {dimension_numbers = #tpu.dot_dimension_numbers<[1], [0], [0], [1], [0, 0, 1, 1], [], []>, transpose_lhs_hint = false} : vector<2000x64xf32>, vector<64x64xf32>, vector<2000x64xf32> -> vector<2000x64xf32>
    %add3A_91 = arith.addf %add3A_59, %dot_general3A_90 : vector<2000x64xf32>
    %get3A_92 = arith.constant 64 : index
    %get3A_93 = arith.constant 0 : index
    %get3A_94 = vector.load %arg8[%get3A_92, %get3A_93] : memref<384x64xf32, #tpu.memory_space<vmem>>, vector<64x64xf32>
    %dot_general3A_95 = arith.constant dense<0.000000e+00> : vector<2000x64xf32>
    %dot_general3A_96 = tpu.matmul %max3A_85, %get3A_94, %dot_general3A_95 {dimension_numbers = #tpu.dot_dimension_numbers<[1], [0], [0], [1], [0, 0, 1, 1], [], []>, transpose_lhs_hint = false} : vector<2000x64xf32>, vector<64x64xf32>, vector<2000x64xf32> -> vector<2000x64xf32>
    %add3A_97 = arith.addf %add3A_65, %dot_general3A_96 : vector<2000x64xf32>
    %get3A_98 = arith.constant 0 : index
    %get3A_99 = arith.constant 2 : index
    %get3A_100 = arith.constant 0 : index
    %get3A_101 = arith.constant 0 : index
    %get3A_102 = vector.load %arg1[%get3A_98, %get3A_99, %get3A_100, %get3A_101] : memref<2x5x2000x128xf32, #tpu.memory_space<vmem>>, vector<1x1x2000x128xf32>
    %get3A_103 = vector.shape_cast %get3A_102 : vector<1x1x2000x128xf32> to vector<2000x128xf32>
    %slice3A_104 = vector.extract_strided_slice %get3A_103 {offsets = [0, 0], sizes = [2000, 64], strides = [1, 1]} : vector<2000x128xf32> to vector<2000x64xf32>
    %max3A_105 = arith.constant 0.000000e+00 : f32
    %max3A_106 = vector.broadcast %max3A_105 : f32 to vector<2000x64xf32>
    %max3A_107 = arith.maximumf %slice3A_104, %max3A_106 : vector<2000x64xf32>
    %get3A_108 = arith.constant 1 : index
    %get3A_109 = arith.constant 2 : index
    %get3A_110 = arith.constant 0 : index
    %get3A_111 = arith.constant 0 : index
    %get3A_112 = vector.load %arg1[%get3A_108, %get3A_109, %get3A_110, %get3A_111] : memref<2x5x2000x128xf32, #tpu.memory_space<vmem>>, vector<1x1x2000x128xf32>
    %get3A_113 = vector.shape_cast %get3A_112 : vector<1x1x2000x128xf32> to vector<2000x128xf32>
    %slice3A_114 = vector.extract_strided_slice %get3A_113 {offsets = [0, 64], sizes = [2000, 64], strides = [1, 1]} : vector<2000x128xf32> to vector<2000x64xf32>
    %max3A_115 = arith.constant 0.000000e+00 : f32
    %max3A_116 = vector.broadcast %max3A_115 : f32 to vector<2000x64xf32>
    %max3A_117 = arith.maximumf %slice3A_114, %max3A_116 : vector<2000x64xf32>
    %get3A_118 = arith.constant 128 : index
    %get3A_119 = arith.constant 0 : index
    %get3A_120 = vector.load %arg7[%get3A_118, %get3A_119] : memref<384x64xf32, #tpu.memory_space<vmem>>, vector<64x64xf32>
    %dot_general3A_121 = arith.constant dense<0.000000e+00> : vector<2000x64xf32>
    %dot_general3A_122 = tpu.matmul %max3A_107, %get3A_120, %dot_general3A_121 {dimension_numbers = #tpu.dot_dimension_numbers<[1], [0], [0], [1], [0, 0, 1, 1], [], []>, transpose_lhs_hint = false} : vector<2000x64xf32>, vector<64x64xf32>, vector<2000x64xf32> -> vector<2000x64xf32>
    %add3A_123 = arith.addf %add3A_91, %dot_general3A_122 : vector<2000x64xf32>
    %get3A_124 = arith.constant 128 : index
    %get3A_125 = arith.constant 0 : index
    %get3A_126 = vector.load %arg8[%get3A_124, %get3A_125] : memref<384x64xf32, #tpu.memory_space<vmem>>, vector<64x64xf32>
    %dot_general3A_127 = arith.constant dense<0.000000e+00> : vector<2000x64xf32>
    %dot_general3A_128 = tpu.matmul %max3A_117, %get3A_126, %dot_general3A_127 {dimension_numbers = #tpu.dot_dimension_numbers<[1], [0], [0], [1], [0, 0, 1, 1], [], []>, transpose_lhs_hint = false} : vector<2000x64xf32>, vector<64x64xf32>, vector<2000x64xf32> -> vector<2000x64xf32>
    %add3A_129 = arith.addf %add3A_97, %dot_general3A_128 : vector<2000x64xf32>
    %get3A_130 = arith.constant 0 : index
    %get3A_131 = arith.constant 3 : index
    %get3A_132 = arith.constant 0 : index
    %get3A_133 = arith.constant 0 : index
    %get3A_134 = vector.load %arg1[%get3A_130, %get3A_131, %get3A_132, %get3A_133] : memref<2x5x2000x128xf32, #tpu.memory_space<vmem>>, vector<1x1x2000x128xf32>
    %get3A_135 = vector.shape_cast %get3A_134 : vector<1x1x2000x128xf32> to vector<2000x128xf32>
    %slice3A_136 = vector.extract_strided_slice %get3A_135 {offsets = [0, 0], sizes = [2000, 64], strides = [1, 1]} : vector<2000x128xf32> to vector<2000x64xf32>
    %max3A_137 = arith.constant 0.000000e+00 : f32
    %max3A_138 = vector.broadcast %max3A_137 : f32 to vector<2000x64xf32>
    %max3A_139 = arith.maximumf %slice3A_136, %max3A_138 : vector<2000x64xf32>
    %get3A_140 = arith.constant 1 : index
    %get3A_141 = arith.constant 3 : index
    %get3A_142 = arith.constant 0 : index
    %get3A_143 = arith.constant 0 : index
    %get3A_144 = vector.load %arg1[%get3A_140, %get3A_141, %get3A_142, %get3A_143] : memref<2x5x2000x128xf32, #tpu.memory_space<vmem>>, vector<1x1x2000x128xf32>
    %get3A_145 = vector.shape_cast %get3A_144 : vector<1x1x2000x128xf32> to vector<2000x128xf32>
    %slice3A_146 = vector.extract_strided_slice %get3A_145 {offsets = [0, 64], sizes = [2000, 64], strides = [1, 1]} : vector<2000x128xf32> to vector<2000x64xf32>
    %max3A_147 = arith.constant 0.000000e+00 : f32
    %max3A_148 = vector.broadcast %max3A_147 : f32 to vector<2000x64xf32>
    %max3A_149 = arith.maximumf %slice3A_146, %max3A_148 : vector<2000x64xf32>
    %get3A_150 = arith.constant 192 : index
    %get3A_151 = arith.constant 0 : index
    %get3A_152 = vector.load %arg7[%get3A_150, %get3A_151] : memref<384x64xf32, #tpu.memory_space<vmem>>, vector<64x64xf32>
    %dot_general3A_153 = arith.constant dense<0.000000e+00> : vector<2000x64xf32>
    %dot_general3A_154 = tpu.matmul %max3A_139, %get3A_152, %dot_general3A_153 {dimension_numbers = #tpu.dot_dimension_numbers<[1], [0], [0], [1], [0, 0, 1, 1], [], []>, transpose_lhs_hint = false} : vector<2000x64xf32>, vector<64x64xf32>, vector<2000x64xf32> -> vector<2000x64xf32>
    %add3A_155 = arith.addf %add3A_123, %dot_general3A_154 : vector<2000x64xf32>
    %get3A_156 = arith.constant 192 : index
    %get3A_157 = arith.constant 0 : index
    %get3A_158 = vector.load %arg8[%get3A_156, %get3A_157] : memref<384x64xf32, #tpu.memory_space<vmem>>, vector<64x64xf32>
    %dot_general3A_159 = arith.constant dense<0.000000e+00> : vector<2000x64xf32>
    %dot_general3A_160 = tpu.matmul %max3A_149, %get3A_158, %dot_general3A_159 {dimension_numbers = #tpu.dot_dimension_numbers<[1], [0], [0], [1], [0, 0, 1, 1], [], []>, transpose_lhs_hint = false} : vector<2000x64xf32>, vector<64x64xf32>, vector<2000x64xf32> -> vector<2000x64xf32>
    %add3A_161 = arith.addf %add3A_129, %dot_general3A_160 : vector<2000x64xf32>
    %get3A_162 = arith.constant 0 : index
    %get3A_163 = arith.constant 4 : index
    %get3A_164 = arith.constant 0 : index
    %get3A_165 = arith.constant 0 : index
    %get3A_166 = vector.load %arg1[%get3A_162, %get3A_163, %get3A_164, %get3A_165] : memref<2x5x2000x128xf32, #tpu.memory_space<vmem>>, vector<1x1x2000x128xf32>
    %get3A_167 = vector.shape_cast %get3A_166 : vector<1x1x2000x128xf32> to vector<2000x128xf32>
    %slice3A_168 = vector.extract_strided_slice %get3A_167 {offsets = [0, 0], sizes = [2000, 64], strides = [1, 1]} : vector<2000x128xf32> to vector<2000x64xf32>
    %max3A_169 = arith.constant 0.000000e+00 : f32
    %max3A_170 = vector.broadcast %max3A_169 : f32 to vector<2000x64xf32>
    %max3A_171 = arith.maximumf %slice3A_168, %max3A_170 : vector<2000x64xf32>
    %get3A_172 = arith.constant 1 : index
    %get3A_173 = arith.constant 4 : index
    %get3A_174 = arith.constant 0 : index
    %get3A_175 = arith.constant 0 : index
    %get3A_176 = vector.load %arg1[%get3A_172, %get3A_173, %get3A_174, %get3A_175] : memref<2x5x2000x128xf32, #tpu.memory_space<vmem>>, vector<1x1x2000x128xf32>
    %get3A_177 = vector.shape_cast %get3A_176 : vector<1x1x2000x128xf32> to vector<2000x128xf32>
    %slice3A_178 = vector.extract_strided_slice %get3A_177 {offsets = [0, 64], sizes = [2000, 64], strides = [1, 1]} : vector<2000x128xf32> to vector<2000x64xf32>
    %max3A_179 = arith.constant 0.000000e+00 : f32
    %max3A_180 = vector.broadcast %max3A_179 : f32 to vector<2000x64xf32>
    %max3A_181 = arith.maximumf %slice3A_178, %max3A_180 : vector<2000x64xf32>
    %get3A_182 = arith.constant 256 : index
    %get3A_183 = arith.constant 0 : index
    %get3A_184 = vector.load %arg7[%get3A_182, %get3A_183] : memref<384x64xf32, #tpu.memory_space<vmem>>, vector<64x64xf32>
    %dot_general3A_185 = arith.constant dense<0.000000e+00> : vector<2000x64xf32>
    %dot_general3A_186 = tpu.matmul %max3A_171, %get3A_184, %dot_general3A_185 {dimension_numbers = #tpu.dot_dimension_numbers<[1], [0], [0], [1], [0, 0, 1, 1], [], []>, transpose_lhs_hint = false} : vector<2000x64xf32>, vector<64x64xf32>, vector<2000x64xf32> -> vector<2000x64xf32>
    %add3A_187 = arith.addf %add3A_155, %dot_general3A_186 : vector<2000x64xf32>
    %get3A_188 = arith.constant 256 : index
    %get3A_189 = arith.constant 0 : index
    %get3A_190 = vector.load %arg8[%get3A_188, %get3A_189] : memref<384x64xf32, #tpu.memory_space<vmem>>, vector<64x64xf32>
    %dot_general3A_191 = arith.constant dense<0.000000e+00> : vector<2000x64xf32>
    %dot_general3A_192 = tpu.matmul %max3A_181, %get3A_190, %dot_general3A_191 {dimension_numbers = #tpu.dot_dimension_numbers<[1], [0], [0], [1], [0, 0, 1, 1], [], []>, transpose_lhs_hint = false} : vector<2000x64xf32>, vector<64x64xf32>, vector<2000x64xf32> -> vector<2000x64xf32>
    %add3A_193 = arith.addf %add3A_161, %dot_general3A_192 : vector<2000x64xf32>
    %max3A_194 = arith.constant 0.000000e+00 : f32
    %max3A_195 = vector.broadcast %max3A_194 : f32 to vector<2000x64xf32>
    %max3A_196 = arith.maximumf %add3A_187, %max3A_195 : vector<2000x64xf32>
    %swap3A = arith.constant 0 : index
    %swap3A_197 = arith.constant 0 : index
    %swap3A_198 = vector.load %arg9[%swap3A, %swap3A_197] : memref<2000x64xf32, #tpu.memory_space<vmem>>, vector<2000x64xf32>
    tpu.vector_store %arg9[%swap3A, %swap3A_197], %max3A_196 {strides = array<i32>} : memref<2000x64xf32, #tpu.memory_space<vmem>>, vector<2000x64xf32>,
    %max3A_199 = arith.constant 0.000000e+00 : f32
    %max3A_200 = vector.broadcast %max3A_199 : f32 to vector<2000x64xf32>
    %max3A_201 = arith.maximumf %add3A_193, %max3A_200 : vector<2000x64xf32>
    %swap3A_202 = arith.constant 0 : index
    %swap3A_203 = arith.constant 0 : index
    %swap3A_204 = vector.load %arg10[%swap3A_202, %swap3A_203] : memref<2000x64xf32, #tpu.memory_space<vmem>>, vector<2000x64xf32>
    tpu.vector_store %arg10[%swap3A_202, %swap3A_203], %max3A_201 {strides = array<i32>} : memref<2000x64xf32, #tpu.memory_space<vmem>>, vector<2000x64xf32>,
    return
  }
  func.func @transform_0(%arg0: i32) -> (i32, i32, i32, i32) {
    %c0_i32 = arith.constant 0 : i32
    %c0_i32_0 = arith.constant 0 : i32
    %c0_i32_1 = arith.constant 0 : i32
    %c0_i32_2 = arith.constant 0 : i32
    return %c0_i32, %c0_i32_0, %arg0, %c0_i32_1 : i32, i32, i32, i32
  }
  func.func @transform_1(%arg0: i32) -> (i32, i32) {
    %c0_i32 = arith.constant 0 : i32
    %c0_i32_0 = arith.constant 0 : i32
    return %arg0, %c0_i32 : i32, i32
  }
  func.func @transform_2(%arg0: i32) -> (i32, i32) {
    %c0_i32 = arith.constant 0 : i32
    %c0_i32_0 = arith.constant 0 : i32
    return %arg0, %c0_i32 : i32, i32
  }
  func.func @transform_3(%arg0: i32) -> (i32, i32) {
    %c0_i32 = arith.constant 0 : i32
    %c0_i32_0 = arith.constant 0 : i32
    %c0_i32_1 = arith.constant 0 : i32
    return %c0_i32, %c0_i32_0 : i32, i32
  }
  func.func @transform_4(%arg0: i32) -> (i32, i32) {
    %c0_i32 = arith.constant 0 : i32
    %c0_i32_0 = arith.constant 0 : i32
    %c0_i32_1 = arith.constant 0 : i32
    return %c0_i32, %c0_i32_0 : i32, i32
  }
  func.func @transform_5(%arg0: i32) -> (i32, i32) {
    %c0_i32 = arith.constant 0 : i32
    %c0_i32_0 = arith.constant 0 : i32
    %c0_i32_1 = arith.constant 0 : i32
    return %c0_i32, %c0_i32_0 : i32, i32
  }
  func.func @transform_6(%arg0: i32) -> (i32, i32) {
    %c0_i32 = arith.constant 0 : i32
    %c0_i32_0 = arith.constant 0 : i32
    %c0_i32_1 = arith.constant 0 : i32
    return %c0_i32, %c0_i32_0 : i32, i32
  }
  func.func @transform_7(%arg0: i32) -> (i32, i32) {
    %c0_i32 = arith.constant 0 : i32
    %c0_i32_0 = arith.constant 0 : i32
    %c0_i32_1 = arith.constant 0 : i32
    return %c0_i32, %c0_i32_0 : i32, i32
  }
  func.func @transform_8(%arg0: i32) -> (i32, i32) {
    %c0_i32 = arith.constant 0 : i32
    %c0_i32_0 = arith.constant 0 : i32
    return %arg0, %c0_i32 : i32, i32
  }
  func.func @transform_9(%arg0: i32) -> (i32, i32) {
    %c0_i32 = arith.constant 0 : i32
    %c0_i32_0 = arith.constant 0 : i32
    return %arg0, %c0_i32 : i32, i32
  }
}

</mosaic_0001>

<sc_bundles>
// kernel: kernel.5.cloned.1.call-start
scs
__scs_entry_jumppad:
0x0: {  	(pc) =	sbr.rel $0x88, $3  }
0x1: {  	(tag) =	ssettag $0x0;
	lr =	simm.s32 $0x1  }
0x2: {  	[smem:$0x3F95] =	sst lr;
	_ =	strace $0xD0000000  }
0x3: {  	_ = 	snop  }
0x4: {  	_ = 	snop  }
0x5: {  	_ = 	snop  }
0x6: {  	_ = 	snop  }
0x7: {  	_ = 	snop  }
__scs_overlays_trampoline_lowered:
0x8: {  	[smem:$0x3FA4] =	sst s0  }
0x9: {  	[smem:$0x3FA5] =	sst s1  }
0xa: {  	[smem:$0x3FA6] =	sst s2  }
0xb: {  	[smem:$0x3FA7] =	sst s3  }
0xc: {  	[smem:$0x3FA8] =	sst s4  }
0xd: {  	[smem:$0x3FA9] =	sst s5  }
0xe: {  	[smem:$0x3FAA] =	sst s6  }
0xf: {  	[smem:$0x3FAB] =	sst s7  }
0x10: {  	[smem:$0x3FAC] =	sst s8  }
0x11: {  	[smem:$0x3FAD] =	sst s9;
	s0 =	simm.s32 @!p0 $0x0  }
0x12: {  	s1 =	sld [smem:$0x3F93];
	s0 =	simm.s32 @p0 $0x1  }
0x13: {  	[smem:$0x3FAE] =	sst s0;
	s0 =	simm.s32 @!p1 $0x0  }
0x14: {  	s2 =	sld [smem:$0x3F92];
	s0 =	simm.s32 @p1 $0x1  }
0x15: {  	[smem:$0x3FAF] =	sst s0;
	s0 =	simm.s32 @!p2 $0x0  }
0x16: {  	s3 =	sld [smem:$0x3FDB];
	s0 =	simm.s32 @p2 $0x1  }
0x17: {  	s4 =	simm.s32 $0x1BF5;
	[smem:$0x3FB1] =	sst s0  }
0x18: {  	s0 =	sld [smem:$0x3F94];
	_ =	swait.ge [sflag:s4], $0x0  }
0x19: {  	s7 =	sld [smem:$0x3F95]  }
0x1a: {  	s8 =	sadd.s32 $0xFFFFE003, lr  }
0x1b: {  	s9 =	sadd.s32 $0xFFFFFEF7, lr;
	s5 =	simm.s32 $0xFFFFFFFF;
	p2 =	slt.u32 s8, $0xFFFFF086  }
0x1c: {  	p1 =	slt.u32 s9, $0xF7A;
	s5 =	simm.s32 @!p2 $0x0  }
0x1d: {  	s5 =	simm.s32 @p1 $0x1;
	p0 =	seq.s32 s7, s2  }
0x1e: {  	s7 =	smul.u32 @!p0 $0xF7A, s2;
	p2 =	seq.s32 @!p0 s5, $0x0  }
0x1f: {  	s9 =	smul.u32 $0xF7A, s1;
	s8 =	simm.s32 @!p0 $0x1BF5;
	p2 =	por !p2, p0  }
0x20: {  	[sflag:s8] =	ssyncset.s32 @!p0 $0xFFFFF086;
	s6 =	sadd.s32 @!p0 s3, s7;
	s7 =	simm.s32 @!p0 $0x108  }
0x21: {  	s3 =	sadd.s32 s3, s9;
	s6 =	sadd.s32 @!p0 $0x88, s6;
	s7 =	simm.s32 @p2 $0x1082  }
0x22: {  	[simem:s7], [sflag:s8] =	dma.local @!p0 [hbm:s6], $0xF7A  }
0x23: {  	s9 =	sor.u32 $0xD0000000, s2;
	s6 =	simm.s32 $0x108;
	_ =	swait.ge @!p0 [sflag:s8], $0x0  }
0x24: {  	s3 =	sadd.s32 $0x88, s3;
	s6 =	simm.s32 @!p1 $0x1082;
	[sflag:s4] =	ssyncset.s32 $0xFFFFF086  }
0x25: {  	[simem:s6], [sflag:s4] =	dma.local [hbm:s3], $0xF7A  }
0x26: {  	[smem:$0x3F95] =	sst s1;
	(tag) =	ssettag s2;
	_ =	strace s9  }
0x27: {  	s1 =	sld [smem:$0x3FA5]  }
0x28: {  	s2 =	sld [smem:$0x3FA6]  }
0x29: {  	s4 =	sld [smem:$0x3FA8]  }
0x2a: {  	p0 =	seq.s32 s5, $0x0;
	s5 =	sld [smem:$0x3FA9]  }
0x2b: {  	s6 =	sld [smem:$0x3FAA]  }
0x2c: {  	s7 =	sld [smem:$0x3FAB]  }
0x2d: {  	s3 =	simm.s32 $0x108;
	s8 =	sld [smem:$0x3FAC]  }
0x2e: {  	s3 =	simm.s32 @!p0 $0x1082;
	s9 =	sld [smem:$0x3FAD]  }
0x2f: {  	lr =	sadd.s32 s0, s3;
	s0 =	sld [smem:$0x3FA4]  }
0x30: {  	s3 =	sld [smem:$0x3FA7]  }
0x31: {  	[smem:$0x3FB0] =	sst s10  }
0x32: {  	s10 =	sld [smem:$0x3FAE];
	_ =	sdelay $0x3  }
0x33: {  	p0 =	seq.s32 s10, $0x1;
	s10 =	sld [smem:$0x3FB0];
	_ =	sdelay $0x3  }
0x34: {  	[smem:$0x3FB0] =	sst s10  }
0x35: {  	s10 =	sld [smem:$0x3FAF];
	_ =	sdelay $0x3  }
0x36: {  	p1 =	seq.s32 s10, $0x1;
	s10 =	sld [smem:$0x3FB0];
	_ =	sdelay $0x3  }
0x37: {  	[smem:$0x3FB0] =	sst s10  }
0x38: {  	s10 =	sld [smem:$0x3FB1]  }
0x39: {  	_ = 	snop;
	(pc) =	sbr.ind lr, $3  }
0x3a: {  	_ = 	snop  }
0x3b: {  	_ = 	snop  }
0x3c: {  	p2 =	seq.s32 s10, $0x1;
	s10 =	sld [smem:$0x3FB0]  }
0x3d: {  	_ =	shalt  }
0x3e: {  	_ =	shalt  }
0x3f: {  	_ =	shalt  }
0x40: {  	_ =	shalt  }
0x41: {  	_ =	shalt  }
0x42: {  	_ =	shalt  }
0x43: {  	_ =	shalt  }
0x44: {  	_ =	shalt  }
0x45: {  	_ =	shalt  }
0x46: {  	_ =	shalt  }
0x47: {  	_ =	shalt  }
0x48: {  	_ =	shalt  }
0x49: {  	_ =	shalt  }
0x4a: {  	_ =	shalt  }
0x4b: {  	_ =	shalt  }
0x4c: {  	_ =	shalt  }
0x4d: {  	_ =	shalt  }
0x4e: {  	_ =	shalt  }
0x4f: {  	_ =	shalt  }
0x50: {  	_ =	shalt  }
0x51: {  	_ =	shalt  }
0x52: {  	_ =	shalt  }
0x53: {  	_ =	shalt  }
0x54: {  	_ =	shalt  }
0x55: {  	_ =	shalt  }
0x56: {  	_ =	shalt  }
0x57: {  	_ =	shalt  }
0x58: {  	_ =	shalt  }
0x59: {  	_ =	shalt  }
0x5a: {  	_ =	shalt  }
0x5b: {  	_ =	shalt  }
0x5c: {  	_ =	shalt  }
0x5d: {  	_ =	shalt  }
0x5e: {  	_ =	shalt  }
0x5f: {  	_ =	shalt  }
0x60: {  	_ =	shalt  }
0x61: {  	_ =	shalt  }
0x62: {  	_ =	shalt  }
0x63: {  	_ =	shalt  }
0x64: {  	_ =	shalt  }
0x65: {  	_ =	shalt  }
0x66: {  	_ =	shalt  }
0x67: {  	_ =	shalt  }
0x68: {  	_ =	shalt  }
0x69: {  	_ =	shalt  }
0x6a: {  	_ =	shalt  }
0x6b: {  	_ =	shalt  }
0x6c: {  	_ =	shalt  }
0x6d: {  	_ =	shalt  }
0x6e: {  	_ =	shalt  }
0x6f: {  	_ =	shalt  }
0x70: {  	_ =	shalt  }
0x71: {  	_ =	shalt  }
0x72: {  	_ =	shalt  }
0x73: {  	_ =	shalt  }
0x74: {  	_ =	shalt  }
0x75: {  	_ =	shalt  }
0x76: {  	_ =	shalt  }
0x77: {  	_ =	shalt  }
0x78: {  	_ =	shalt  }
0x79: {  	_ =	shalt  }
0x7a: {  	_ =	shalt  }
0x7b: {  	_ =	shalt  }
0x7c: {  	_ =	shalt  }
0x7d: {  	_ =	shalt  }
0x7e: {  	_ =	shalt  }
0x7f: {  	_ =	shalt  }
0x80: {  	_ =	shalt  }
0x81: {  	_ =	shalt  }
0x82: {  	_ =	shalt  }
0x83: {  	_ =	shalt  }
0x84: {  	_ =	shalt  }
0x85: {  	_ =	shalt  }
0x86: {  	_ =	shalt  }
0x87: {  	_ =	shalt  }
.Lfunc_end0:
.L_simem_size_0:
called_computation_lowered:
.L_overlay_start_0:
0x88: {  	s2 =	sld [smem:$0x3FD9]  }
0x89: {  	s3 =	sld [smem:$0x3FFE];
	_ =	sdelay $0x1  }
0x8a: {  	s1 =	srdreg.scid  }
0x8b: {  	s0 =	sand.u32 $0x1, s1  }
0x8c: {  	s14 =	sshll.u32 s0, $0xA;
	s2 =	sadd.s32 s3, s2  }
0x8d: {  	s2 =	sadd.s32 s2, s14  }
0x8e: {  	[smem:$0x3FBC] =	sst s2  }
0x8f: {  	_ = 	snop  }
0x90: {  	s2 =	sld [smem:$0x3FD0];
	_ =	sdelay $0x2  }
0x91: {  	s15 =	simm.s32 $0xA;
	s4 =	simm.s32 $0x10  }
0x92: {  	[smem:s4], [sflag:s15] =	dma.local [hbm:s2], $0x1  }
0x93: {  	_ =	swait.eq [sflag:s15], $0x1  }
0x94: {  	[sflag:s15] =	ssyncset.done $0x0  }
0x95: {  	s16 =	sld [smem:$0x10];
	[sflag:s15] =	ssyncadd.s32 $0xFFFFFFFF  }
0x96: {  	s17 =	sld [smem:$0x11];
	(tm) =	ssettm $0x1  }
0x97: {  	s18 =	sld [smem:$0x3FFB];
	_ =	sdelay $0x3  }
0x98: {  	_ =	strace s18  }
0x99: {  	s4 =	sld [smem:$0x3FFC];
	_ =	sdelay $0x3  }
0x9a: {  	_ =	strace s4  }
0x9b: {  	s4 =	sld [smem:$0x3FFD];
	_ =	sdelay $0x3  }
0x9c: {  	_ =	strace s4  }
0x9d: {  	_ =	strace $0x8FFFFFFF  }
0x9e: {  	s19 =	sld [smem:$0x3FDB];
	_ =	sdelay $0x1  }
0x9f: {  	s5 =	simm.s32 $_scs_section_size  }
0xa0: {  	s6 =	simm.s32 $_size__tile_overlayer_lowered;
	s7 =	simm.s32 $_tile_overlayer_lowered  }
0xa1: {  	s22 =	simm.s32 $0x1BFF;
	s21 =	sshll.u32 s7, $0x1;
	s4 =	sadd.s32 s5, s19  }
0xa2: {  	s8 =	simm.s32 $0x0;
	s20 =	sshll.u32 s6, $0x1;
	s6 =	sadd.s32 s21, s4  }
0xa3: {  	[timem:s8], [sflag:s22] =	dma.local [hbm:s6], s20  }
0xa4: {  	_ =	swait.ge [sflag:s22], s20  }
0xa5: {  	s5 =	ssub.s32 $0x0, s20;
	[sflag:s22] =	ssyncset.done $0x0  }
0xa6: {  	[sflag:s22] =	ssyncadd.s32 s5;
	_ =	sdelay $0x1  }
0xa7: {  	s23 =	simm.s32 $0x1B8B  }
0xa8: {  	_ =	swait.ge [sflag:s23], $0x1  }
0xa9: {  	[sflag:s23] =	ssyncset.done $0x0  }
0xaa: {  	s25 =	simm.s32 $0x1B8E;
	s24 =	sld [smem:$0x3FFE];
	[sflag:s23] =	ssyncadd.s32 $0xFFFFFFFF  }
0xab: {  	s26 =	simm.s32 $execute0_lowered;
	[smem:$0x3FD2] =	sst s25  }
0xac: {  	s6 =	sshll.u32 s26, $0x1;
	_ =	strace $0x80000046;
	[dreg:$0x1] =	wrdreg $0xFFFFFFFF  }
0xad: {  	s28 =	simm.s32 $_size_execute0_lowered;
	s4 =	sadd.s32 s4, s6;
	[dreg:$0x0] =	wrdreg $0x0  }
0xae: {  	s6 =	sshll.u32 s28, $0x1;
	[dreg:$0x2] =	wrdreg s4  }
0xaf: {  	[dreg:$0x3] =	wrdreg s6  }
0xb0: {  	[dreg:$0x4] =	wrdreg $0xC0  }
0xb1: {  	_ =	task [dreg:s8], $0x5FFFF  }
0xb2: {  	[dreg:$0x1] =	wrdreg $0xFFFFFFFF  }
0xb3: {  	[dreg:$0x0] =	wrdreg $0x60  }
0xb4: {  	[dreg:$0x2] =	wrdreg s24  }
0xb5: {  	[dreg:$0x3] =	wrdreg s17  }
0xb6: {  	[dreg:$0x4] =	wrdreg s16  }
0xb7: {  	[dreg:$0x5] =	wrdreg $0xB0000  }
0xb8: {  	[dreg:$0x6] =	wrdreg $0x9  }
0xb9: {  	_ =	task.clear_ibuf [dreg:s8], $0x7FFFF;
	_ =	strace $0x90000046  }
0xba: {  	s29 =	simm.s32 $0x9;
	_ =	strace $0x80000048  }
0xbb: {  	_ =	swait.ge [sflag:s29], $0x1  }
0xbc: {  	[sflag:s29] =	ssyncadd.s32 $0xFFFFFFFF  }
0xbd: {  	_ =	strace $0x90000048  }
0xbe: {  	_ =	sfence  }
0xbf: {  	s30 =	sld [smem:$0x0];
	_ =	sdelay $0x2  }
0xc0: {  	s31 =	sshll.u32 s1, $0xD;
	s1 =	sshrl.u32 s1, $0x2  }
0xc1: {  	s3 =	sand.u32 $0x4000, s31;
	s1 =	sadd.s32 s1, s30  }
0xc2: {  	s0 =	sor.u32 s3, s0;
	s1 =	sshll.u32 s1, $0x11  }
0xc3: {  	s0 =	sor.u32 s1, s0  }
0xc4: {  	s0 =	sadd.s32 $0x8F2B, s0  }
0xc5: {  	[sflag:s0] =	ssyncadd.remote.s32 $0x1  }
0xc6: {  	_ =	sfence.sel $0xFFFF  }
0xc7: {  	[dreg:$0x0] =	wrdreg $0xFFFFFFFF;
	(pc) =	sbr.abs _section_cstart, $3  }
0xc8: {  	[dreg:$0x1] =	wrdreg $0xFFFFFFFF  }
0xc9: {  	_ =	task.clear_ibuf [dreg:s8], $0x2FFFF;
	_ =	strace $0x9FFFFFFF  }
0xca: {  	(tm) =	ssettm $0x7FFFFFFF  }
0xcb: {  	_ =	shalt  }
tec
execute0_lowered:
.L_overlay_start_1:
0x0: {  	(tag) =	ssettag $0x1  }
0x1: {  	s0 =	rddreg [dreg:$0x0]  }
0x2: {  	s1 =	rddreg [dreg:$0x1]  }
0x3: {  	s15 =	rddreg [dreg:$0x2]  }
0x4: {  	s2 =	rddreg [dreg:$0x3];
	s3 =	simm.s32 $0x0;
	s10 =	stileid.u32  }
0x5: {  	s4 =	srdreg.scid;
	s20 =	simm.s32 $0x4;
	s21 =	simm.s32 $0x800  }
0x6: {  	s22 =	simm.s32 $0x7D;
	s23 =	simm.s32 $0x1000;
	s28 =	simm.s32 $0x1  }
0x7: {  	s30 =	simm.s32 $0x2;
	s18 =	simm.s32 $0x880;
	s24 =	simm.s32 $0x180  }
0x8: {  	s29 =	simm.s32 $0x900;
	[smem:$0x7FF] =	sst s3;
	s5 =	smul.u32 $0x50000, s10  }
0x9: {  	s6 =	sand.u32 $0x1, s4;
	s7 =	smul.u32 $0x2800, s10;
	s4 =	sadd.s32 $0x2A00, s0  }
0xa: {  	s17 =	sshll.u32 s10, $0x8;
	_ =	strace $0x80000047;
	s8 =	ssub.s32 $0x2, s6  }
0xb: {  	p0 =	seq.s32 s6, $0x1;
	s1 =	sadd.s32 s17, s1;
	s31 =	sadd.s32 s17, s15  }
0xc: {  	s17 =	simm.s32 $0x100;
	s15 =	simm.s32 $0x0;
	s9 =	sshrl.u32 s8, $0x1  }
0xd: {  	s5 =	sshrl.u32 s5, $0x2;
	s0 =	sadd.s32 s7, s0;
	s26 =	sadd.s32 $0x5000, s31  }
0xe: {  	s16 =	ssub.s32 s8, s9;
	s5 =	sadd.s32 s5, s2;
	s25 =	sadd.s32 $0xC6000, s0  }
0xf: {  	s0 =	sadd.s32 $0x18E000, s0;
	[dreg:$0x6] =	wrdreg s26;
	s26 =	simm.s32 $0x9000  }
0x10: {  	s6 =	sadd.s32 $0x2000, s5;
	s7 =	sadd.s32 $0x4000, s5;
	s8 =	sadd.s32 $0x6000, s5  }
0x11: {  	s9 =	sadd.s32 $0x8000, s5;
	s10 =	sadd.s32 $0xA000, s5;
	s11 =	sadd.s32 $0xC000, s5  }
.Ltmp0:
0x12: {  	s12 =	sadd.s32 $0xE000, s5;
	[dreg:$0x9] =	wrdreg s25;
	(pc) =	sbr.rel .LBB2_1-.Ltmp0, $4  }
0x13: {  	s13 =	sadd.s32 $0x10000, s5;
	s16 =	smax.u32 s16, $0x1;
	[dreg:$0xa] =	wrdreg s0  }
0x14: {  	[dreg:$0x7] =	wrdreg s16;
	s16 =	smov.u32 s1;
	s1 =	sadd.s32 $0x5000, s1  }
0x15: {  	s14 =	sadd.s32 $0x12000, s5;
	[dreg:$0x5] =	wrdreg s1;
	s1 =	smov.u32 s31  }
0x16: {  	v0 =	vimm.f32 $0.0e+00;
	s25 =	simm.s32 $0x5000;
	s19 =	smov.u32 s16;
	[dreg:$0x8] =	wrdreg s1  }
.LBB2_6:
0x17: {  	[bflag:$0x0] =	sbarrier.arrive $0xFFFF  }
0x18: {  	[hbm:s1], [sflag:s0] =	dma.local [spmem:s31], $0x2800  }
0x19: {  	s16 =	smov.u32 s19;
	s17 =	simm.s32 $0x100;
	s15 =	rddreg [dreg:$0xb]  }
.LBB2_10:
0x1a: {  	s1 =	simm.s32 $0x3  }
0x1b: {  	_ =	swait.ge [sflag:s1], $0x2800  }
0x1c: {  	s15 =	sadd.s32 $0x1, s15;
	s0 =	rddreg [dreg:$0x7]  }
0x1d: {  	p1 =	sne.s32 s15, s0  }
.Ltmp1:
0x1e: {  	_ = 	snop;
	(pc) =	sbr.rel @!p1 .LBB2_11-.Ltmp1, $3  }
0x1f: {  	_ =	sdelay $0x1  }
0x20: {  	s18 =	simm.s32 $0x880;
	s24 =	simm.s32 $0x180;
	[sflag:s1] =	ssyncset.done $0x0  }
0x21: {  	s29 =	simm.s32 $0x900;
	s31 =	rddreg [dreg:$0x8];
	[sflag:s1] =	ssyncadd.s32 $0xFFFFD800  }
.LBB2_1:
0x22: {  	[dreg:$0xb] =	wrdreg s15;
	s0 =	simm.s32 $0x0;
	s1 =	simm.s32 $0x200  }
.LBB2_2:
0x23: {  	p1 =	sne.s32 s1, $0x7E00;
	[tilespmem:s0+$0x9070] =	vst v0  }
0x24: {  	[tilespmem:s0+$0x9000] =	vst v0  }
0x25: {  	[tilespmem:s0+$0x9010] =	vst v0  }
.Ltmp2:
0x26: {  	[tilespmem:s0+$0x9020] =	vst v0;
	(pc) =	sbr.rel @p1 .LBB2_2-.Ltmp2, $4  }
0x27: {  	[tilespmem:s0+$0x9030] =	vst v0  }
0x28: {  	[tilespmem:s0+$0x9040] =	vst v0  }
0x29: {  	[tilespmem:s0+$0x9050] =	vst v0  }
0x2a: {  	[tilespmem:s0+$0x9060] =	vst v0;
	s0 =	sshra.s32 s1, $0x2;
	s1 =	sadd.s32 $0x200, s1  }
0x2b: {  	[tilespmem:s0+$0x9070] =	vst v0  }
0x2c: {  	[tilespmem:s0+$0x9000] =	vst v0  }
0x2d: {  	[tilespmem:s0+$0x9010] =	vst v0  }
.Ltmp3:
0x2e: {  	[tilespmem:s0+$0x9020] =	vst v0;
	(pc) =	sbr.rel @!p0 .LBB2_4-.Ltmp3, $4  }
0x2f: {  	[tilespmem:s0+$0x9030] =	vst v0  }
0x30: {  	[tilespmem:s0+$0x9040] =	vst v0  }
0x31: {  	[tilespmem:s0+$0x9050] =	vst v0  }
0x32: {  	[tilespmem:s0+$0x9060] =	vst v0  }
0x33: {  	s0 =	rddreg [dreg:$0x5]  }
0x34: {  	s0 =	sadd.s32 $0x0, s0  }
0x35: {  	[tilespmem:s3], [sflag:$0x4] =	stream.linear.gather [hbm4b:s0+s3], $0x800, $0x38;
	[tilespmem:$0x1F000] =	vst v63  }
0x36: {  	_ =	swait.ge [sflag:s20], $0x800  }
0x37: {  	s15 =	rddreg [dreg:$0x6];
	[sflag:s20] =	ssyncset.done $0x0  }
0x38: {  	[sflag:s20] =	ssyncadd.s32 $0xFFFFF800;
	s0 =	sadd.s32 $0x0, s15  }
0x39: {  	[tilespmem:s21], [sflag:$0x4] =	stream.linear.gather [hbm4b:s0+s3], $0x800, $0x38;
	[tilespmem:$0x1F000] =	vst v63  }
0x3a: {  	_ =	swait.ge [sflag:s20], $0x800  }
0x3b: {  	[sflag:s20] =	ssyncset.done $0x0  }
0x3c: {  	p1 =	por $0x1, $0x1;
	[sflag:s20] =	ssyncadd.s32 $0xFFFFF800  }
0x3d: {  	[tilespmem:s23], [sflag:$0x1] =	stream.indirect.gather [hbm4b:s4+s22], $0x80, s3, s22, $0xb8;
	[tilespmem:$0x1F000] =	vst v63  }
0x3e: {  	s16 =	simm.s32 $0x80;
	s0 =	simm.s32 @!p1 $0x3  }
0x3f: {  	[tilespmem:s25], [sflag:$0x2] =	stream.indirect.gather [hbm4b:s4+s22], $0x80, s16, s22, $0xb8;
	[tilespmem:$0x1F000] =	vst v63  }
0x40: {  	_ =	swait.ge @!p1 [sflag:s0], $0x2800  }
0x41: {  	[sflag:s0] =	ssyncset.done @!p1 $0x0  }
0x42: {  	[sflag:s0] =	ssyncadd.s32 @!p1 $0xFFFFD800  }
0x43: {  	[spmem:s5] =	stream.linear.scatter [tilespmem:s26], [sflag:$0x4], $0x2000, $0x38;
	[tilespmem:$0x1F000] =	vst v63  }
0x44: {  	_ =	swait.ge [sflag:s20], $0x2000  }
0x45: {  	[sflag:s20] =	ssyncset.done $0x0  }
0x46: {  	[sflag:s20] =	ssyncadd.s32 $0xFFFFE000  }
0x47: {  	[spmem:s6] =	stream.linear.scatter [tilespmem:s26], [sflag:$0x4], $0x2000, $0x38;
	[tilespmem:$0x1F000] =	vst v63  }
0x48: {  	_ =	swait.ge [sflag:s20], $0x2000  }
0x49: {  	[sflag:s20] =	ssyncset.done $0x0  }
0x4a: {  	[sflag:s20] =	ssyncadd.s32 $0xFFFFE000  }
0x4b: {  	[spmem:s7] =	stream.linear.scatter [tilespmem:s26], [sflag:$0x4], $0x2000, $0x38;
	[tilespmem:$0x1F000] =	vst v63  }
0x4c: {  	_ =	swait.ge [sflag:s20], $0x2000  }
0x4d: {  	[sflag:s20] =	ssyncset.done $0x0  }
0x4e: {  	[sflag:s20] =	ssyncadd.s32 $0xFFFFE000  }
0x4f: {  	[spmem:s8] =	stream.linear.scatter [tilespmem:s26], [sflag:$0x4], $0x2000, $0x38;
	[tilespmem:$0x1F000] =	vst v63  }
0x50: {  	_ =	swait.ge [sflag:s20], $0x2000  }
0x51: {  	[sflag:s20] =	ssyncset.done $0x0  }
0x52: {  	[sflag:s20] =	ssyncadd.s32 $0xFFFFE000  }
0x53: {  	[spmem:s9] =	stream.linear.scatter [tilespmem:s26], [sflag:$0x4], $0x2000, $0x38;
	[tilespmem:$0x1F000] =	vst v63  }
0x54: {  	_ =	swait.ge [sflag:s20], $0x2000  }
0x55: {  	[sflag:s20] =	ssyncset.done $0x0  }
0x56: {  	[sflag:s20] =	ssyncadd.s32 $0xFFFFE000  }
0x57: {  	[spmem:s10] =	stream.linear.scatter [tilespmem:s26], [sflag:$0x4], $0x2000, $0x38;
	[tilespmem:$0x1F000] =	vst v63  }
0x58: {  	_ =	swait.ge [sflag:s20], $0x2000  }
0x59: {  	[sflag:s20] =	ssyncset.done $0x0  }
0x5a: {  	[sflag:s20] =	ssyncadd.s32 $0xFFFFE000  }
0x5b: {  	[spmem:s11] =	stream.linear.scatter [tilespmem:s26], [sflag:$0x4], $0x2000, $0x38;
	[tilespmem:$0x1F000] =	vst v63  }
0x5c: {  	_ =	swait.ge [sflag:s20], $0x2000  }
0x5d: {  	[sflag:s20] =	ssyncset.done $0x0  }
0x5e: {  	[sflag:s20] =	ssyncadd.s32 $0xFFFFE000  }
0x5f: {  	[spmem:s12] =	stream.linear.scatter [tilespmem:s26], [sflag:$0x4], $0x2000, $0x38;
	[tilespmem:$0x1F000] =	vst v63  }
0x60: {  	_ =	swait.ge [sflag:s20], $0x2000  }
0x61: {  	[sflag:s20] =	ssyncset.done $0x0  }
0x62: {  	[sflag:s20] =	ssyncadd.s32 $0xFFFFE000  }
0x63: {  	[spmem:s13] =	stream.linear.scatter [tilespmem:s26], [sflag:$0x4], $0x2000, $0x38;
	[tilespmem:$0x1F000] =	vst v63  }
0x64: {  	_ =	swait.ge [sflag:s20], $0x2000  }
0x65: {  	[sflag:s20] =	ssyncset.done $0x0  }
0x66: {  	[sflag:s20] =	ssyncadd.s32 $0xFFFFE000  }
0x67: {  	[spmem:s14] =	stream.linear.scatter [tilespmem:s26], [sflag:$0x4], $0x2000, $0x38;
	[tilespmem:$0x1F000] =	vst v63  }
0x68: {  	_ =	swait.ge [sflag:s20], $0x2000  }
0x69: {  	[sflag:s20] =	ssyncset.done $0x0  }
0x6a: {  	[sflag:s20] =	ssyncadd.s32 $0xFFFFE000  }
0x6b: {  	[bflag:$0x0] =	sbarrier.arrive $0xFFFF  }
0x6c: {  	_ =	swait.ge [sflag:s28], $0x3E80  }
0x6d: {  	[sflag:s28] =	ssyncset.done $0x0  }
0x6e: {  	[sflag:s28] =	ssyncadd.s32 $0xFFFFC180  }
0x6f: {  	[spmem:s2] =	stream.indirect.scatter.add.f32 [tilespmem:s23], [sflag:$0x4], $0x80, s21, s22, $0xb8;
	[tilespmem:$0x1F000] =	vst v63  }
0x70: {  	_ =	swait.ge [sflag:s20], $0x3E80  }
0x71: {  	[sflag:s20] =	ssyncset.done $0x0  }
0x72: {  	[sflag:s20] =	ssyncadd.s32 $0xFFFFC180  }
0x73: {  	[tilespmem:s23], [sflag:$0x1] =	stream.indirect.gather [hbm4b:s4+s22], $0x80, s17, s22, $0xb8;
	[tilespmem:$0x1F000] =	vst v63  }
0x74: {  	_ =	swait.ge [sflag:s30], $0x3E80  }
0x75: {  	[sflag:s30] =	ssyncset.done $0x0  }
0x76: {  	[sflag:s30] =	ssyncadd.s32 $0xFFFFC180  }
0x77: {  	[spmem:s2] =	stream.indirect.scatter.add.f32 [tilespmem:s25], [sflag:$0x4], $0x80, s18, s22, $0xb8;
	[tilespmem:$0x1F000] =	vst v63  }
0x78: {  	_ =	swait.ge [sflag:s20], $0x3E80  }
0x79: {  	[sflag:s20] =	ssyncset.done $0x0  }
0x7a: {  	[sflag:s20] =	ssyncadd.s32 $0xFFFFC180  }
0x7b: {  	[tilespmem:s25], [sflag:$0x2] =	stream.indirect.gather [hbm4b:s4+s22], $0x80, s24, s22, $0xb8;
	[tilespmem:$0x1F000] =	vst v63  }
0x7c: {  	_ =	swait.ge [sflag:s28], $0x3E80  }
0x7d: {  	[sflag:s28] =	ssyncset.done $0x0  }
0x7e: {  	[sflag:s28] =	ssyncadd.s32 $0xFFFFC180  }
0x7f: {  	[spmem:s2] =	stream.indirect.scatter.add.f32 [tilespmem:s23], [sflag:$0x4], $0x80, s29, s22, $0xb8;
	[tilespmem:$0x1F000] =	vst v63  }
0x80: {  	_ =	swait.ge [sflag:s20], $0x3E80  }
0x81: {  	[sflag:s20] =	ssyncset.done $0x0  }
0x82: {  	s24 =	simm.s32 $0x200;
	[sflag:s20] =	ssyncadd.s32 $0xFFFFC180  }
0x83: {  	[tilespmem:s23], [sflag:$0x1] =	stream.indirect.gather [hbm4b:s4+s22], $0x80, s24, s22, $0xb8;
	[tilespmem:$0x1F000] =	vst v63  }
0x84: {  	_ =	swait.ge [sflag:s30], $0x3E80  }
0x85: {  	[sflag:s30] =	ssyncset.done $0x0  }
0x86: {  	s1 =	simm.s32 $0x980;
	[sflag:s30] =	ssyncadd.s32 $0xFFFFC180  }
0x87: {  	[spmem:s2] =	stream.indirect.scatter.add.f32 [tilespmem:s25], [sflag:$0x4], $0x80, s1, s22, $0xb8;
	[tilespmem:$0x1F000] =	vst v63  }
0x88: {  	_ =	swait.ge [sflag:s20], $0x3E80  }
0x89: {  	[sflag:s20] =	ssyncset.done $0x0  }
0x8a: {  	s15 =	simm.s32 $0x280;
	[sflag:s20] =	ssyncadd.s32 $0xFFFFC180  }
0x8b: {  	[tilespmem:s25], [sflag:$0x2] =	stream.indirect.gather [hbm4b:s4+s22], $0x80, s15, s22, $0xb8;
	[tilespmem:$0x1F000] =	vst v63  }
0x8c: {  	_ =	swait.ge [sflag:s28], $0x3E80  }
0x8d: {  	[sflag:s28] =	ssyncset.done $0x0  }
0x8e: {  	s16 =	simm.s32 $0xA00;
	[sflag:s28] =	ssyncadd.s32 $0xFFFFC180  }
0x8f: {  	[spmem:s2] =	stream.indirect.scatter.add.f32 [tilespmem:s23], [sflag:$0x4], $0x80, s16, s22, $0xb8;
	[tilespmem:$0x1F000] =	vst v63  }
0x90: {  	_ =	swait.ge [sflag:s20], $0x3E80  }
0x91: {  	[sflag:s20] =	ssyncset.done $0x0  }
0x92: {  	s18 =	simm.s32 $0x300;
	[sflag:s20] =	ssyncadd.s32 $0xFFFFC180  }
0x93: {  	[tilespmem:s23], [sflag:$0x1] =	stream.indirect.gather [hbm4b:s4+s22], $0x80, s18, s22, $0xb8;
	[tilespmem:$0x1F000] =	vst v63  }
0x94: {  	_ =	swait.ge [sflag:s30], $0x3E80  }
0x95: {  	[sflag:s30] =	ssyncset.done $0x0  }
0x96: {  	s24 =	simm.s32 $0xA80;
	[sflag:s30] =	ssyncadd.s32 $0xFFFFC180  }
0x97: {  	[spmem:s2] =	stream.indirect.scatter.add.f32 [tilespmem:s25], [sflag:$0x4], $0x80, s24, s22, $0xb8;
	[tilespmem:$0x1F000] =	vst v63  }
0x98: {  	_ =	swait.ge [sflag:s20], $0x3E80  }
0x99: {  	[sflag:s20] =	ssyncset.done $0x0  }
0x9a: {  	s1 =	simm.s32 $0x380;
	[sflag:s20] =	ssyncadd.s32 $0xFFFFC180  }
0x9b: {  	[tilespmem:s25], [sflag:$0x2] =	stream.indirect.gather [hbm4b:s4+s22], $0x80, s1, s22, $0xb8;
	[tilespmem:$0x1F000] =	vst v63  }
0x9c: {  	_ =	swait.ge [sflag:s28], $0x3E80  }
0x9d: {  	[sflag:s28] =	ssyncset.done $0x0  }
0x9e: {  	s15 =	simm.s32 $0xB00;
	[sflag:s28] =	ssyncadd.s32 $0xFFFFC180  }
0x9f: {  	[spmem:s2] =	stream.indirect.scatter.add.f32 [tilespmem:s23], [sflag:$0x4], $0x80, s15, s22, $0xb8;
	[tilespmem:$0x1F000] =	vst v63  }
0xa0: {  	_ =	swait.ge [sflag:s20], $0x3E80  }
0xa1: {  	[sflag:s20] =	ssyncset.done $0x0  }
0xa2: {  	s16 =	simm.s32 $0x400;
	[sflag:s20] =	ssyncadd.s32 $0xFFFFC180  }
0xa3: {  	[tilespmem:s23], [sflag:$0x1] =	stream.indirect.gather [hbm4b:s4+s22], $0x80, s16, s22, $0xb8;
	[tilespmem:$0x1F000] =	vst v63  }
0xa4: {  	_ =	swait.ge [sflag:s30], $0x3E80  }
0xa5: {  	[sflag:s30] =	ssyncset.done $0x0  }
0xa6: {  	s18 =	simm.s32 $0xB80;
	[sflag:s30] =	ssyncadd.s32 $0xFFFFC180  }
0xa7: {  	[spmem:s2] =	stream.indirect.scatter.add.f32 [tilespmem:s25], [sflag:$0x4], $0x80, s18, s22, $0xb8;
	[tilespmem:$0x1F000] =	vst v63  }
0xa8: {  	_ =	swait.ge [sflag:s20], $0x3E80  }
0xa9: {  	[sflag:s20] =	ssyncset.done $0x0  }
0xaa: {  	s24 =	simm.s32 $0x480;
	[sflag:s20] =	ssyncadd.s32 $0xFFFFC180  }
0xab: {  	[tilespmem:s25], [sflag:$0x2] =	stream.indirect.gather [hbm4b:s4+s22], $0x80, s24, s22, $0xb8;
	[tilespmem:$0x1F000] =	vst v63  }
0xac: {  	_ =	swait.ge [sflag:s28], $0x3E80  }
0xad: {  	[sflag:s28] =	ssyncset.done $0x0  }
0xae: {  	s1 =	simm.s32 $0xC00;
	[sflag:s28] =	ssyncadd.s32 $0xFFFFC180  }
0xaf: {  	[spmem:s2] =	stream.indirect.scatter.add.f32 [tilespmem:s23], [sflag:$0x4], $0x80, s1, s22, $0xb8;
	[tilespmem:$0x1F000] =	vst v63  }
0xb0: {  	_ =	swait.ge [sflag:s20], $0x3E80  }
0xb1: {  	[sflag:s20] =	ssyncset.done $0x0  }
0xb2: {  	s15 =	simm.s32 $0x500;
	[sflag:s20] =	ssyncadd.s32 $0xFFFFC180  }
0xb3: {  	[tilespmem:s23], [sflag:$0x1] =	stream.indirect.gather [hbm4b:s4+s22], $0x80, s15, s22, $0xb8;
	[tilespmem:$0x1F000] =	vst v63  }
0xb4: {  	_ =	swait.ge [sflag:s30], $0x3E80  }
0xb5: {  	[sflag:s30] =	ssyncset.done $0x0  }
0xb6: {  	s16 =	simm.s32 $0xC80;
	[sflag:s30] =	ssyncadd.s32 $0xFFFFC180  }
0xb7: {  	[spmem:s2] =	stream.indirect.scatter.add.f32 [tilespmem:s25], [sflag:$0x4], $0x80, s16, s22, $0xb8;
	[tilespmem:$0x1F000] =	vst v63  }
0xb8: {  	_ =	swait.ge [sflag:s20], $0x3E80  }
0xb9: {  	[sflag:s20] =	ssyncset.done $0x0  }
0xba: {  	s18 =	simm.s32 $0x580;
	[sflag:s20] =	ssyncadd.s32 $0xFFFFC180  }
0xbb: {  	[tilespmem:s25], [sflag:$0x2] =	stream.indirect.gather [hbm4b:s4+s22], $0x80, s18, s22, $0xb8;
	[tilespmem:$0x1F000] =	vst v63  }
0xbc: {  	_ =	swait.ge [sflag:s28], $0x3E80  }
0xbd: {  	[sflag:s28] =	ssyncset.done $0x0  }
0xbe: {  	s24 =	simm.s32 $0xD00;
	[sflag:s28] =	ssyncadd.s32 $0xFFFFC180  }
0xbf: {  	[spmem:s2] =	stream.indirect.scatter.add.f32 [tilespmem:s23], [sflag:$0x4], $0x80, s24, s22, $0xb8;
	[tilespmem:$0x1F000] =	vst v63  }
0xc0: {  	_ =	swait.ge [sflag:s20], $0x3E80  }
0xc1: {  	[sflag:s20] =	ssyncset.done $0x0  }
0xc2: {  	s1 =	simm.s32 $0x600;
	[sflag:s20] =	ssyncadd.s32 $0xFFFFC180  }
0xc3: {  	[tilespmem:s23], [sflag:$0x1] =	stream.indirect.gather [hbm4b:s4+s22], $0x80, s1, s22, $0xb8;
	[tilespmem:$0x1F000] =	vst v63  }
0xc4: {  	_ =	swait.ge [sflag:s30], $0x3E80  }
0xc5: {  	[sflag:s30] =	ssyncset.done $0x0  }
0xc6: {  	s15 =	simm.s32 $0xD80;
	[sflag:s30] =	ssyncadd.s32 $0xFFFFC180  }
0xc7: {  	[spmem:s2] =	stream.indirect.scatter.add.f32 [tilespmem:s25], [sflag:$0x4], $0x80, s15, s22, $0xb8;
	[tilespmem:$0x1F000] =	vst v63  }
0xc8: {  	_ =	swait.ge [sflag:s20], $0x3E80  }
0xc9: {  	[sflag:s20] =	ssyncset.done $0x0  }
0xca: {  	s16 =	simm.s32 $0x680;
	[sflag:s20] =	ssyncadd.s32 $0xFFFFC180  }
0xcb: {  	[tilespmem:s25], [sflag:$0x2] =	stream.indirect.gather [hbm4b:s4+s22], $0x80, s16, s22, $0xb8;
	[tilespmem:$0x1F000] =	vst v63  }
0xcc: {  	_ =	swait.ge [sflag:s28], $0x3E80  }
0xcd: {  	[sflag:s28] =	ssyncset.done $0x0  }
0xce: {  	s18 =	simm.s32 $0xE00;
	[sflag:s28] =	ssyncadd.s32 $0xFFFFC180  }
0xcf: {  	[spmem:s2] =	stream.indirect.scatter.add.f32 [tilespmem:s23], [sflag:$0x4], $0x80, s18, s22, $0xb8;
	[tilespmem:$0x1F000] =	vst v63  }
0xd0: {  	_ =	swait.ge [sflag:s20], $0x3E80  }
0xd1: {  	[sflag:s20] =	ssyncset.done $0x0  }
0xd2: {  	s24 =	simm.s32 $0x700;
	[sflag:s20] =	ssyncadd.s32 $0xFFFFC180  }
0xd3: {  	[tilespmem:s23], [sflag:$0x1] =	stream.indirect.gather [hbm4b:s4+s22], $0x80, s24, s22, $0xb8;
	[tilespmem:$0x1F000] =	vst v63  }
0xd4: {  	_ =	swait.ge [sflag:s30], $0x3E80  }
0xd5: {  	[sflag:s30] =	ssyncset.done $0x0  }
0xd6: {  	s1 =	simm.s32 $0xE80;
	[sflag:s30] =	ssyncadd.s32 $0xFFFFC180  }
0xd7: {  	[spmem:s2] =	stream.indirect.scatter.add.f32 [tilespmem:s25], [sflag:$0x4], $0x80, s1, s22, $0xb8;
	[tilespmem:$0x1F000] =	vst v63  }
0xd8: {  	_ =	swait.ge [sflag:s20], $0x3E80  }
0xd9: {  	[sflag:s20] =	ssyncset.done $0x0  }
0xda: {  	s15 =	simm.s32 $0x780;
	[sflag:s20] =	ssyncadd.s32 $0xFFFFC180  }
0xdb: {  	[tilespmem:s25], [sflag:$0x2] =	stream.indirect.gather [hbm4b:s4+s22], $0x80, s15, s22, $0xb8;
	[tilespmem:$0x1F000] =	vst v63  }
0xdc: {  	_ =	swait.ge [sflag:s28], $0x3E80  }
0xdd: {  	[sflag:s28] =	ssyncset.done $0x0  }
0xde: {  	s16 =	simm.s32 $0xF00;
	[sflag:s28] =	ssyncadd.s32 $0xFFFFC180  }
0xdf: {  	[spmem:s2] =	stream.indirect.scatter.add.f32 [tilespmem:s23], [sflag:$0x4], $0x80, s16, s22, $0xb8;
	[tilespmem:$0x1F000] =	vst v63  }
0xe0: {  	_ =	swait.ge [sflag:s20], $0x3E80  }
0xe1: {  	[sflag:s20] =	ssyncset.done $0x0  }
0xe2: {  	[sflag:s20] =	ssyncadd.s32 $0xFFFFC180  }
0xe3: {  	_ =	swait.ge [sflag:s30], $0x3E80  }
0xe4: {  	[sflag:s30] =	ssyncset.done $0x0  }
0xe5: {  	s18 =	simm.s32 $0xF80;
	[sflag:s30] =	ssyncadd.s32 $0xFFFFC180  }
0xe6: {  	[spmem:s2] =	stream.indirect.scatter.add.f32 [tilespmem:s25], [sflag:$0x4], $0x80, s18, s22, $0xb8;
	[tilespmem:$0x1F000] =	vst v63  }
0xe7: {  	_ =	swait.ge [sflag:s20], $0x3E80  }
0xe8: {  	s24 =	stileid.u32;
	[sflag:s20] =	ssyncset.done $0x0  }
0xe9: {  	s31 =	simm.s32 $0x1000;
	s0 =	sshll.u32 s24, $0x6;
	[sflag:s20] =	ssyncadd.s32 $0xFFFFC180  }
0xea: {  	s29 =	sshrl.u32 s5, $0x3;
	s24 =	sor.u32 $0x1C03, s0;
	[bflag:$0x0] =	sbarrier.arrive $0xFFFF  }
0xeb: {  	s15 =	simm.s32 $0x200;
	s18 =	simm.s32 $0x900;
	s0 =	rddreg [dreg:$0xa]  }
0xec: {  	[hbm:s0], [sflag:s24] =	dma.local [spmem:s29], $0x2800  }
.LBB2_8:
0xed: {  	s1 =	rddreg [dreg:$0x5];
	s16 =	smov.u32 s31  }
0xee: {  	s1 =	sadd.s32 s16, s1  }
0xef: {  	[tilespmem:s3], [sflag:$0x4] =	stream.linear.gather [hbm4b:s1+s3], $0x800, $0x38;
	[tilespmem:$0x1F000] =	vst v63  }
0xf0: {  	_ =	swait.ge [sflag:s20], $0x800  }
0xf1: {  	s1 =	rddreg [dreg:$0x6];
	[sflag:s20] =	ssyncset.done $0x0  }
0xf2: {  	[sflag:s20] =	ssyncadd.s32 $0xFFFFF800;
	s1 =	sadd.s32 s16, s1  }
0xf3: {  	[tilespmem:s21], [sflag:$0x4] =	stream.linear.gather [hbm4b:s1+s3], $0x800, $0x38;
	[tilespmem:$0x1F000] =	vst v63  }
0xf4: {  	_ =	swait.ge [sflag:s20], $0x800  }
0xf5: {  	[sflag:s20] =	ssyncset.done $0x0  }
0xf6: {  	p2 =	seq.s32 s16, $0x0;
	[sflag:s20] =	ssyncadd.s32 $0xFFFFF800  }
0xf7: {  	[tilespmem:s23], [sflag:$0x1] =	stream.indirect.gather [hbm4b:s4+s22], $0x80, s3, s22, $0xb8;
	[tilespmem:$0x1F000] =	vst v63  }
0xf8: {  	s16 =	simm.s32 $0x80;
	s1 =	simm.s32 @!p2 $0x3  }
0xf9: {  	[tilespmem:s25], [sflag:$0x2] =	stream.indirect.gather [hbm4b:s4+s22], $0x80, s16, s22, $0xb8;
	[tilespmem:$0x1F000] =	vst v63  }
0xfa: {  	_ =	swait.ge @!p2 [sflag:s1], $0x2800  }
0xfb: {  	[sflag:s1] =	ssyncset.done @!p2 $0x0  }
0xfc: {  	[sflag:s1] =	ssyncadd.s32 @!p2 $0xFFFFD800  }
0xfd: {  	[spmem:s5] =	stream.linear.scatter [tilespmem:s26], [sflag:$0x4], $0x2000, $0x38;
	[tilespmem:$0x1F000] =	vst v63  }
0xfe: {  	_ =	swait.ge [sflag:s20], $0x2000  }
0xff: {  	[sflag:s20] =	ssyncset.done $0x0  }
0x100: {  	[sflag:s20] =	ssyncadd.s32 $0xFFFFE000  }
0x101: {  	[spmem:s6] =	stream.linear.scatter [tilespmem:s26], [sflag:$0x4], $0x2000, $0x38;
	[tilespmem:$0x1F000] =	vst v63  }
0x102: {  	_ =	swait.ge [sflag:s20], $0x2000  }
0x103: {  	[sflag:s20] =	ssyncset.done $0x0  }
0x104: {  	[sflag:s20] =	ssyncadd.s32 $0xFFFFE000  }
0x105: {  	[spmem:s7] =	stream.linear.scatter [tilespmem:s26], [sflag:$0x4], $0x2000, $0x38;
	[tilespmem:$0x1F000] =	vst v63  }
0x106: {  	_ =	swait.ge [sflag:s20], $0x2000  }
0x107: {  	[sflag:s20] =	ssyncset.done $0x0  }
0x108: {  	[sflag:s20] =	ssyncadd.s32 $0xFFFFE000  }
0x109: {  	[spmem:s8] =	stream.linear.scatter [tilespmem:s26], [sflag:$0x4], $0x2000, $0x38;
	[tilespmem:$0x1F000] =	vst v63  }
0x10a: {  	_ =	swait.ge [sflag:s20], $0x2000  }
0x10b: {  	[sflag:s20] =	ssyncset.done $0x0  }
0x10c: {  	[sflag:s20] =	ssyncadd.s32 $0xFFFFE000  }
0x10d: {  	[spmem:s9] =	stream.linear.scatter [tilespmem:s26], [sflag:$0x4], $0x2000, $0x38;
	[tilespmem:$0x1F000] =	vst v63  }
0x10e: {  	_ =	swait.ge [sflag:s20], $0x2000  }
0x10f: {  	[sflag:s20] =	ssyncset.done $0x0  }
0x110: {  	[sflag:s20] =	ssyncadd.s32 $0xFFFFE000  }
0x111: {  	[spmem:s10] =	stream.linear.scatter [tilespmem:s26], [sflag:$0x4], $0x2000, $0x38;
	[tilespmem:$0x1F000] =	vst v63  }
0x112: {  	_ =	swait.ge [sflag:s20], $0x2000  }
0x113: {  	[sflag:s20] =	ssyncset.done $0x0  }
0x114: {  	[sflag:s20] =	ssyncadd.s32 $0xFFFFE000  }
0x115: {  	[spmem:s11] =	stream.linear.scatter [tilespmem:s26], [sflag:$0x4], $0x2000, $0x38;
	[tilespmem:$0x1F000] =	vst v63  }
0x116: {  	_ =	swait.ge [sflag:s20], $0x2000  }
0x117: {  	[sflag:s20] =	ssyncset.done $0x0  }
0x118: {  	[sflag:s20] =	ssyncadd.s32 $0xFFFFE000  }
0x119: {  	[spmem:s12] =	stream.linear.scatter [tilespmem:s26], [sflag:$0x4], $0x2000, $0x38;
	[tilespmem:$0x1F000] =	vst v63  }
0x11a: {  	_ =	swait.ge [sflag:s20], $0x2000  }
0x11b: {  	[sflag:s20] =	ssyncset.done $0x0  }
0x11c: {  	[sflag:s20] =	ssyncadd.s32 $0xFFFFE000  }
0x11d: {  	[spmem:s13] =	stream.linear.scatter [tilespmem:s26], [sflag:$0x4], $0x2000, $0x38;
	[tilespmem:$0x1F000] =	vst v63  }
0x11e: {  	_ =	swait.ge [sflag:s20], $0x2000  }
0x11f: {  	[sflag:s20] =	ssyncset.done $0x0  }
0x120: {  	[sflag:s20] =	ssyncadd.s32 $0xFFFFE000  }
0x121: {  	[spmem:s14] =	stream.linear.scatter [tilespmem:s26], [sflag:$0x4], $0x2000, $0x38;
	[tilespmem:$0x1F000] =	vst v63  }
0x122: {  	_ =	swait.ge [sflag:s20], $0x2000  }
0x123: {  	[sflag:s20] =	ssyncset.done $0x0  }
0x124: {  	[sflag:s20] =	ssyncadd.s32 $0xFFFFE000  }
0x125: {  	[bflag:$0x0] =	sbarrier.arrive $0xFFFF  }
0x126: {  	_ =	swait.ge [sflag:s28], $0x3E80  }
0x127: {  	[sflag:s28] =	ssyncset.done $0x0  }
0x128: {  	[sflag:s28] =	ssyncadd.s32 $0xFFFFC180  }
0x129: {  	[spmem:s2] =	stream.indirect.scatter.add.f32 [tilespmem:s23], [sflag:$0x4], $0x80, s21, s22, $0xb8;
	[tilespmem:$0x1F000] =	vst v63  }
0x12a: {  	_ =	swait.ge [sflag:s20], $0x3E80  }
0x12b: {  	[sflag:s20] =	ssyncset.done $0x0  }
0x12c: {  	[sflag:s20] =	ssyncadd.s32 $0xFFFFC180  }
0x12d: {  	[tilespmem:s23], [sflag:$0x1] =	stream.indirect.gather [hbm4b:s4+s22], $0x80, s17, s22, $0xb8;
	[tilespmem:$0x1F000] =	vst v63  }
0x12e: {  	_ =	swait.ge [sflag:s30], $0x3E80  }
0x12f: {  	[sflag:s30] =	ssyncset.done $0x0  }
0x130: {  	s16 =	simm.s32 $0x880;
	[sflag:s30] =	ssyncadd.s32 $0xFFFFC180  }
0x131: {  	[spmem:s2] =	stream.indirect.scatter.add.f32 [tilespmem:s25], [sflag:$0x4], $0x80, s16, s22, $0xb8;
	[tilespmem:$0x1F000] =	vst v63  }
0x132: {  	_ =	swait.ge [sflag:s20], $0x3E80  }
0x133: {  	[sflag:s20] =	ssyncset.done $0x0  }
0x134: {  	s16 =	simm.s32 $0x180;
	[sflag:s20] =	ssyncadd.s32 $0xFFFFC180  }
0x135: {  	[tilespmem:s25], [sflag:$0x2] =	stream.indirect.gather [hbm4b:s4+s22], $0x80, s16, s22, $0xb8;
	[tilespmem:$0x1F000] =	vst v63  }
0x136: {  	_ =	swait.ge [sflag:s28], $0x3E80  }
0x137: {  	[sflag:s28] =	ssyncset.done $0x0  }
0x138: {  	[sflag:s28] =	ssyncadd.s32 $0xFFFFC180  }
0x139: {  	[spmem:s2] =	stream.indirect.scatter.add.f32 [tilespmem:s23], [sflag:$0x4], $0x80, s18, s22, $0xb8;
	[tilespmem:$0x1F000] =	vst v63  }
0x13a: {  	_ =	swait.ge [sflag:s20], $0x3E80  }
0x13b: {  	[sflag:s20] =	ssyncset.done $0x0  }
0x13c: {  	[sflag:s20] =	ssyncadd.s32 $0xFFFFC180  }
0x13d: {  	[tilespmem:s23], [sflag:$0x1] =	stream.indirect.gather [hbm4b:s4+s22], $0x80, s15, s22, $0xb8;
	[tilespmem:$0x1F000] =	vst v63  }
0x13e: {  	_ =	swait.ge [sflag:s30], $0x3E80  }
0x13f: {  	[sflag:s30] =	ssyncset.done $0x0  }
0x140: {  	s1 =	simm.s32 $0x980;
	[sflag:s30] =	ssyncadd.s32 $0xFFFFC180  }
0x141: {  	[spmem:s2] =	stream.indirect.scatter.add.f32 [tilespmem:s25], [sflag:$0x4], $0x80, s1, s22, $0xb8;
	[tilespmem:$0x1F000] =	vst v63  }
0x142: {  	_ =	swait.ge [sflag:s20], $0x3E80  }
0x143: {  	[sflag:s20] =	ssyncset.done $0x0  }
0x144: {  	s16 =	simm.s32 $0x280;
	[sflag:s20] =	ssyncadd.s32 $0xFFFFC180  }
0x145: {  	[tilespmem:s25], [sflag:$0x2] =	stream.indirect.gather [hbm4b:s4+s22], $0x80, s16, s22, $0xb8;
	[tilespmem:$0x1F000] =	vst v63  }
0x146: {  	_ =	swait.ge [sflag:s28], $0x3E80  }
0x147: {  	[sflag:s28] =	ssyncset.done $0x0  }
0x148: {  	s16 =	simm.s32 $0xA00;
	[sflag:s28] =	ssyncadd.s32 $0xFFFFC180  }
0x149: {  	[spmem:s2] =	stream.indirect.scatter.add.f32 [tilespmem:s23], [sflag:$0x4], $0x80, s16, s22, $0xb8;
	[tilespmem:$0x1F000] =	vst v63  }
0x14a: {  	_ =	swait.ge [sflag:s20], $0x3E80  }
0x14b: {  	[sflag:s20] =	ssyncset.done $0x0  }
0x14c: {  	s16 =	simm.s32 $0x300;
	[sflag:s20] =	ssyncadd.s32 $0xFFFFC180  }
0x14d: {  	[tilespmem:s23], [sflag:$0x1] =	stream.indirect.gather [hbm4b:s4+s22], $0x80, s16, s22, $0xb8;
	[tilespmem:$0x1F000] =	vst v63  }
0x14e: {  	_ =	swait.ge [sflag:s30], $0x3E80  }
0x14f: {  	[sflag:s30] =	ssyncset.done $0x0  }
0x150: {  	s16 =	simm.s32 $0xA80;
	[sflag:s30] =	ssyncadd.s32 $0xFFFFC180  }
0x151: {  	[spmem:s2] =	stream.indirect.scatter.add.f32 [tilespmem:s25], [sflag:$0x4], $0x80, s16, s22, $0xb8;
	[tilespmem:$0x1F000] =	vst v63  }
0x152: {  	_ =	swait.ge [sflag:s20], $0x3E80  }
0x153: {  	[sflag:s20] =	ssyncset.done $0x0  }
0x154: {  	s16 =	simm.s32 $0x380;
	[sflag:s20] =	ssyncadd.s32 $0xFFFFC180  }
0x155: {  	[tilespmem:s25], [sflag:$0x2] =	stream.indirect.gather [hbm4b:s4+s22], $0x80, s16, s22, $0xb8;
	[tilespmem:$0x1F000] =	vst v63  }
0x156: {  	_ =	swait.ge [sflag:s28], $0x3E80  }
0x157: {  	[sflag:s28] =	ssyncset.done $0x0  }
0x158: {  	s16 =	simm.s32 $0xB00;
	[sflag:s28] =	ssyncadd.s32 $0xFFFFC180  }
0x159: {  	[spmem:s2] =	stream.indirect.scatter.add.f32 [tilespmem:s23], [sflag:$0x4], $0x80, s16, s22, $0xb8;
	[tilespmem:$0x1F000] =	vst v63  }
0x15a: {  	_ =	swait.ge [sflag:s20], $0x3E80  }
0x15b: {  	[sflag:s20] =	ssyncset.done $0x0  }
0x15c: {  	s16 =	simm.s32 $0x400;
	[sflag:s20] =	ssyncadd.s32 $0xFFFFC180  }
0x15d: {  	[tilespmem:s23], [sflag:$0x1] =	stream.indirect.gather [hbm4b:s4+s22], $0x80, s16, s22, $0xb8;
	[tilespmem:$0x1F000] =	vst v63  }
0x15e: {  	_ =	swait.ge [sflag:s30], $0x3E80  }
0x15f: {  	[sflag:s30] =	ssyncset.done $0x0  }
0x160: {  	s16 =	simm.s32 $0xB80;
	[sflag:s30] =	ssyncadd.s32 $0xFFFFC180  }
0x161: {  	[spmem:s2] =	stream.indirect.scatter.add.f32 [tilespmem:s25], [sflag:$0x4], $0x80, s16, s22, $0xb8;
	[tilespmem:$0x1F000] =	vst v63  }
0x162: {  	_ =	swait.ge [sflag:s20], $0x3E80  }
0x163: {  	[sflag:s20] =	ssyncset.done $0x0  }
0x164: {  	s16 =	simm.s32 $0x480;
	[sflag:s20] =	ssyncadd.s32 $0xFFFFC180  }
0x165: {  	[tilespmem:s25], [sflag:$0x2] =	stream.indirect.gather [hbm4b:s4+s22], $0x80, s16, s22, $0xb8;
	[tilespmem:$0x1F000] =	vst v63  }
0x166: {  	_ =	swait.ge [sflag:s28], $0x3E80  }
0x167: {  	[sflag:s28] =	ssyncset.done $0x0  }
0x168: {  	s16 =	simm.s32 $0xC00;
	[sflag:s28] =	ssyncadd.s32 $0xFFFFC180  }
0x169: {  	[spmem:s2] =	stream.indirect.scatter.add.f32 [tilespmem:s23], [sflag:$0x4], $0x80, s16, s22, $0xb8;
	[tilespmem:$0x1F000] =	vst v63  }
0x16a: {  	_ =	swait.ge [sflag:s20], $0x3E80  }
0x16b: {  	[sflag:s20] =	ssyncset.done $0x0  }
0x16c: {  	s16 =	simm.s32 $0x500;
	[sflag:s20] =	ssyncadd.s32 $0xFFFFC180  }
0x16d: {  	[tilespmem:s23], [sflag:$0x1] =	stream.indirect.gather [hbm4b:s4+s22], $0x80, s16, s22, $0xb8;
	[tilespmem:$0x1F000] =	vst v63  }
0x16e: {  	_ =	swait.ge [sflag:s30], $0x3E80  }
0x16f: {  	[sflag:s30] =	ssyncset.done $0x0  }
0x170: {  	s16 =	simm.s32 $0xC80;
	[sflag:s30] =	ssyncadd.s32 $0xFFFFC180  }
0x171: {  	[spmem:s2] =	stream.indirect.scatter.add.f32 [tilespmem:s25], [sflag:$0x4], $0x80, s16, s22, $0xb8;
	[tilespmem:$0x1F000] =	vst v63  }
0x172: {  	_ =	swait.ge [sflag:s20], $0x3E80  }
0x173: {  	[sflag:s20] =	ssyncset.done $0x0  }
0x174: {  	s16 =	simm.s32 $0x580;
	[sflag:s20] =	ssyncadd.s32 $0xFFFFC180  }
0x175: {  	[tilespmem:s25], [sflag:$0x2] =	stream.indirect.gather [hbm4b:s4+s22], $0x80, s16, s22, $0xb8;
	[tilespmem:$0x1F000] =	vst v63  }
0x176: {  	_ =	swait.ge [sflag:s28], $0x3E80  }
0x177: {  	[sflag:s28] =	ssyncset.done $0x0  }
0x178: {  	s16 =	simm.s32 $0xD00;
	[sflag:s28] =	ssyncadd.s32 $0xFFFFC180  }
0x179: {  	[spmem:s2] =	stream.indirect.scatter.add.f32 [tilespmem:s23], [sflag:$0x4], $0x80, s16, s22, $0xb8;
	[tilespmem:$0x1F000] =	vst v63  }
0x17a: {  	_ =	swait.ge [sflag:s20], $0x3E80  }
0x17b: {  	[sflag:s20] =	ssyncset.done $0x0  }
0x17c: {  	s16 =	simm.s32 $0x600;
	[sflag:s20] =	ssyncadd.s32 $0xFFFFC180  }
0x17d: {  	[tilespmem:s23], [sflag:$0x1] =	stream.indirect.gather [hbm4b:s4+s22], $0x80, s16, s22, $0xb8;
	[tilespmem:$0x1F000] =	vst v63  }
0x17e: {  	_ =	swait.ge [sflag:s30], $0x3E80  }
0x17f: {  	[sflag:s30] =	ssyncset.done $0x0  }
0x180: {  	s16 =	simm.s32 $0xD80;
	[sflag:s30] =	ssyncadd.s32 $0xFFFFC180  }
0x181: {  	[spmem:s2] =	stream.indirect.scatter.add.f32 [tilespmem:s25], [sflag:$0x4], $0x80, s16, s22, $0xb8;
	[tilespmem:$0x1F000] =	vst v63  }
0x182: {  	_ =	swait.ge [sflag:s20], $0x3E80  }
0x183: {  	[sflag:s20] =	ssyncset.done $0x0  }
0x184: {  	s16 =	simm.s32 $0x680;
	[sflag:s20] =	ssyncadd.s32 $0xFFFFC180  }
0x185: {  	[tilespmem:s25], [sflag:$0x2] =	stream.indirect.gather [hbm4b:s4+s22], $0x80, s16, s22, $0xb8;
	[tilespmem:$0x1F000] =	vst v63  }
0x186: {  	_ =	swait.ge [sflag:s28], $0x3E80  }
0x187: {  	[sflag:s28] =	ssyncset.done $0x0  }
0x188: {  	s16 =	simm.s32 $0xE00;
	[sflag:s28] =	ssyncadd.s32 $0xFFFFC180  }
0x189: {  	[spmem:s2] =	stream.indirect.scatter.add.f32 [tilespmem:s23], [sflag:$0x4], $0x80, s16, s22, $0xb8;
	[tilespmem:$0x1F000] =	vst v63  }
0x18a: {  	_ =	swait.ge [sflag:s20], $0x3E80  }
0x18b: {  	[sflag:s20] =	ssyncset.done $0x0  }
0x18c: {  	s16 =	simm.s32 $0x700;
	[sflag:s20] =	ssyncadd.s32 $0xFFFFC180  }
0x18d: {  	[tilespmem:s23], [sflag:$0x1] =	stream.indirect.gather [hbm4b:s4+s22], $0x80, s16, s22, $0xb8;
	[tilespmem:$0x1F000] =	vst v63  }
0x18e: {  	_ =	swait.ge [sflag:s30], $0x3E80  }
0x18f: {  	[sflag:s30] =	ssyncset.done $0x0  }
0x190: {  	s16 =	simm.s32 $0xE80;
	[sflag:s30] =	ssyncadd.s32 $0xFFFFC180  }
0x191: {  	[spmem:s2] =	stream.indirect.scatter.add.f32 [tilespmem:s25], [sflag:$0x4], $0x80, s16, s22, $0xb8;
	[tilespmem:$0x1F000] =	vst v63  }
0x192: {  	_ =	swait.ge [sflag:s20], $0x3E80  }
0x193: {  	[sflag:s20] =	ssyncset.done $0x0  }
0x194: {  	s16 =	simm.s32 $0x780;
	[sflag:s20] =	ssyncadd.s32 $0xFFFFC180  }
0x195: {  	[tilespmem:s25], [sflag:$0x2] =	stream.indirect.gather [hbm4b:s4+s22], $0x80, s16, s22, $0xb8;
	[tilespmem:$0x1F000] =	vst v63  }
0x196: {  	_ =	swait.ge [sflag:s28], $0x3E80  }
0x197: {  	[sflag:s28] =	ssyncset.done $0x0  }
0x198: {  	s16 =	simm.s32 $0xF00;
	[sflag:s28] =	ssyncadd.s32 $0xFFFFC180  }
0x199: {  	[spmem:s2] =	stream.indirect.scatter.add.f32 [tilespmem:s23], [sflag:$0x4], $0x80, s16, s22, $0xb8;
	[tilespmem:$0x1F000] =	vst v63  }
0x19a: {  	_ =	swait.ge [sflag:s20], $0x3E80  }
0x19b: {  	[sflag:s20] =	ssyncset.done $0x0  }
0x19c: {  	[sflag:s20] =	ssyncadd.s32 $0xFFFFC180  }
0x19d: {  	_ =	swait.ge [sflag:s30], $0x3E80  }
0x19e: {  	s31 =	sadd.s32 $0x1000, s31;
	[sflag:s30] =	ssyncset.done $0x0  }
0x19f: {  	p1 =	sne.s32 s31, $0x5000;
	s16 =	simm.s32 $0xF80;
	[sflag:s30] =	ssyncadd.s32 $0xFFFFC180  }
0x1a0: {  	[spmem:s2] =	stream.indirect.scatter.add.f32 [tilespmem:s25], [sflag:$0x4], $0x80, s16, s22, $0xb8;
	[tilespmem:$0x1F000] =	vst v63  }
.Ltmp4:
0x1a1: {  	_ =	swait.ge [sflag:s20], $0x3E80;
	(pc) =	sbr.rel @p1 .LBB2_8-.Ltmp4, $4  }
0x1a2: {  	[sflag:s20] =	ssyncset.done $0x0  }
0x1a3: {  	[sflag:s20] =	ssyncadd.s32 $0xFFFFC180  }
0x1a4: {  	s0 =	sadd.s32 $0x28000, s0;
	[bflag:$0x0] =	sbarrier.arrive $0xFFFF  }
0x1a5: {  	[hbm:s0], [sflag:s24] =	dma.local [spmem:s29], $0x2800  }
.Ltmp5:
0x1a6: {  	(pc) =	sbr.rel .LBB2_10-.Ltmp5, $2  }
0x1a7: {  	_ =	sdelay $0x2  }
0x1a8: {  	s16 =	smov.u32 s19;
	s15 =	rddreg [dreg:$0xb]  }
.LBB2_4:
0x1a9: {  	s0 =	sadd.s32 $0x0, s16  }
0x1aa: {  	[tilespmem:s3], [sflag:$0x4] =	stream.linear.gather [hbm4b:s0+s3], $0x800, $0x38;
	[tilespmem:$0x1F000] =	vst v63  }
0x1ab: {  	_ =	swait.ge [sflag:s20], $0x800  }
0x1ac: {  	[sflag:s20] =	ssyncset.done $0x0  }
0x1ad: {  	s15 =	sadd.s32 $0x0, s31;
	[sflag:s20] =	ssyncadd.s32 $0xFFFFF800  }
0x1ae: {  	[tilespmem:s21], [sflag:$0x4] =	stream.linear.gather [hbm4b:s15+s3], $0x800, $0x38;
	[tilespmem:$0x1F000] =	vst v63  }
0x1af: {  	_ =	swait.ge [sflag:s20], $0x800  }
0x1b0: {  	[sflag:s20] =	ssyncset.done $0x0  }
0x1b1: {  	p1 =	por $0x1, $0x1;
	[sflag:s20] =	ssyncadd.s32 $0xFFFFF800  }
0x1b2: {  	[tilespmem:s23], [sflag:$0x1] =	stream.indirect.gather [hbm4b:s4+s22], $0x80, s3, s22, $0xb8;
	[tilespmem:$0x1F000] =	vst v63  }
0x1b3: {  	s16 =	simm.s32 $0x80;
	s0 =	simm.s32 @!p1 $0x3  }
0x1b4: {  	[tilespmem:s25], [sflag:$0x2] =	stream.indirect.gather [hbm4b:s4+s22], $0x80, s16, s22, $0xb8;
	[tilespmem:$0x1F000] =	vst v63  }
0x1b5: {  	_ =	swait.ge @!p1 [sflag:s0], $0x2800  }
0x1b6: {  	[sflag:s0] =	ssyncset.done @!p1 $0x0  }
0x1b7: {  	[sflag:s0] =	ssyncadd.s32 @!p1 $0xFFFFD800  }
0x1b8: {  	[spmem:s5] =	stream.linear.scatter [tilespmem:s26], [sflag:$0x4], $0x2000, $0x38;
	[tilespmem:$0x1F000] =	vst v63  }
0x1b9: {  	_ =	swait.ge [sflag:s20], $0x2000  }
0x1ba: {  	[sflag:s20] =	ssyncset.done $0x0  }
0x1bb: {  	[sflag:s20] =	ssyncadd.s32 $0xFFFFE000  }
0x1bc: {  	[spmem:s6] =	stream.linear.scatter [tilespmem:s26], [sflag:$0x4], $0x2000, $0x38;
	[tilespmem:$0x1F000] =	vst v63  }
0x1bd: {  	_ =	swait.ge [sflag:s20], $0x2000  }
0x1be: {  	[sflag:s20] =	ssyncset.done $0x0  }
0x1bf: {  	[sflag:s20] =	ssyncadd.s32 $0xFFFFE000  }
0x1c0: {  	[spmem:s7] =	stream.linear.scatter [tilespmem:s26], [sflag:$0x4], $0x2000, $0x38;
	[tilespmem:$0x1F000] =	vst v63  }
0x1c1: {  	_ =	swait.ge [sflag:s20], $0x2000  }
0x1c2: {  	[sflag:s20] =	ssyncset.done $0x0  }
0x1c3: {  	[sflag:s20] =	ssyncadd.s32 $0xFFFFE000  }
0x1c4: {  	[spmem:s8] =	stream.linear.scatter [tilespmem:s26], [sflag:$0x4], $0x2000, $0x38;
	[tilespmem:$0x1F000] =	vst v63  }
0x1c5: {  	_ =	swait.ge [sflag:s20], $0x2000  }
0x1c6: {  	[sflag:s20] =	ssyncset.done $0x0  }
0x1c7: {  	[sflag:s20] =	ssyncadd.s32 $0xFFFFE000  }
0x1c8: {  	[spmem:s9] =	stream.linear.scatter [tilespmem:s26], [sflag:$0x4], $0x2000, $0x38;
	[tilespmem:$0x1F000] =	vst v63  }
0x1c9: {  	_ =	swait.ge [sflag:s20], $0x2000  }
0x1ca: {  	[sflag:s20] =	ssyncset.done $0x0  }
0x1cb: {  	[sflag:s20] =	ssyncadd.s32 $0xFFFFE000  }
0x1cc: {  	[spmem:s10] =	stream.linear.scatter [tilespmem:s26], [sflag:$0x4], $0x2000, $0x38;
	[tilespmem:$0x1F000] =	vst v63  }
0x1cd: {  	_ =	swait.ge [sflag:s20], $0x2000  }
0x1ce: {  	[sflag:s20] =	ssyncset.done $0x0  }
0x1cf: {  	[sflag:s20] =	ssyncadd.s32 $0xFFFFE000  }
0x1d0: {  	[spmem:s11] =	stream.linear.scatter [tilespmem:s26], [sflag:$0x4], $0x2000, $0x38;
	[tilespmem:$0x1F000] =	vst v63  }
0x1d1: {  	_ =	swait.ge [sflag:s20], $0x2000  }
0x1d2: {  	[sflag:s20] =	ssyncset.done $0x0  }
0x1d3: {  	[sflag:s20] =	ssyncadd.s32 $0xFFFFE000  }
0x1d4: {  	[spmem:s12] =	stream.linear.scatter [tilespmem:s26], [sflag:$0x4], $0x2000, $0x38;
	[tilespmem:$0x1F000] =	vst v63  }
0x1d5: {  	_ =	swait.ge [sflag:s20], $0x2000  }
0x1d6: {  	[sflag:s20] =	ssyncset.done $0x0  }
0x1d7: {  	[sflag:s20] =	ssyncadd.s32 $0xFFFFE000  }
0x1d8: {  	[spmem:s13] =	stream.linear.scatter [tilespmem:s26], [sflag:$0x4], $0x2000, $0x38;
	[tilespmem:$0x1F000] =	vst v63  }
0x1d9: {  	_ =	swait.ge [sflag:s20], $0x2000  }
0x1da: {  	[sflag:s20] =	ssyncset.done $0x0  }
0x1db: {  	[sflag:s20] =	ssyncadd.s32 $0xFFFFE000  }
0x1dc: {  	[spmem:s14] =	stream.linear.scatter [tilespmem:s26], [sflag:$0x4], $0x2000, $0x38;
	[tilespmem:$0x1F000] =	vst v63  }
0x1dd: {  	_ =	swait.ge [sflag:s20], $0x2000  }
0x1de: {  	[sflag:s20] =	ssyncset.done $0x0  }
0x1df: {  	[sflag:s20] =	ssyncadd.s32 $0xFFFFE000  }
0x1e0: {  	[bflag:$0x0] =	sbarrier.arrive $0xFFFF  }
0x1e1: {  	_ =	swait.ge [sflag:s28], $0x3E80  }
0x1e2: {  	[sflag:s28] =	ssyncset.done $0x0  }
0x1e3: {  	[sflag:s28] =	ssyncadd.s32 $0xFFFFC180  }
0x1e4: {  	[spmem:s2] =	stream.indirect.scatter.add.f32 [tilespmem:s23], [sflag:$0x4], $0x80, s21, s22, $0xb8;
	[tilespmem:$0x1F000] =	vst v63  }
0x1e5: {  	_ =	swait.ge [sflag:s20], $0x3E80  }
0x1e6: {  	[sflag:s20] =	ssyncset.done $0x0  }
0x1e7: {  	s1 =	simm.s32 $0x100;
	[sflag:s20] =	ssyncadd.s32 $0xFFFFC180  }
0x1e8: {  	[tilespmem:s23], [sflag:$0x1] =	stream.indirect.gather [hbm4b:s4+s22], $0x80, s1, s22, $0xb8;
	[tilespmem:$0x1F000] =	vst v63  }
0x1e9: {  	_ =	swait.ge [sflag:s30], $0x3E80  }
0x1ea: {  	[sflag:s30] =	ssyncset.done $0x0  }
0x1eb: {  	[sflag:s30] =	ssyncadd.s32 $0xFFFFC180  }
0x1ec: {  	[spmem:s2] =	stream.indirect.scatter.add.f32 [tilespmem:s25], [sflag:$0x4], $0x80, s18, s22, $0xb8;
	[tilespmem:$0x1F000] =	vst v63  }
0x1ed: {  	_ =	swait.ge [sflag:s20], $0x3E80  }
0x1ee: {  	[sflag:s20] =	ssyncset.done $0x0  }
0x1ef: {  	[sflag:s20] =	ssyncadd.s32 $0xFFFFC180  }
0x1f0: {  	[tilespmem:s25], [sflag:$0x2] =	stream.indirect.gather [hbm4b:s4+s22], $0x80, s24, s22, $0xb8;
	[tilespmem:$0x1F000] =	vst v63  }
0x1f1: {  	_ =	swait.ge [sflag:s28], $0x3E80  }
0x1f2: {  	[sflag:s28] =	ssyncset.done $0x0  }
0x1f3: {  	[sflag:s28] =	ssyncadd.s32 $0xFFFFC180  }
0x1f4: {  	[spmem:s2] =	stream.indirect.scatter.add.f32 [tilespmem:s23], [sflag:$0x4], $0x80, s29, s22, $0xb8;
	[tilespmem:$0x1F000] =	vst v63  }
0x1f5: {  	_ =	swait.ge [sflag:s20], $0x3E80  }
0x1f6: {  	[sflag:s20] =	ssyncset.done $0x0  }
0x1f7: {  	s17 =	simm.s32 $0x200;
	[sflag:s20] =	ssyncadd.s32 $0xFFFFC180  }
0x1f8: {  	[tilespmem:s23], [sflag:$0x1] =	stream.indirect.gather [hbm4b:s4+s22], $0x80, s17, s22, $0xb8;
	[tilespmem:$0x1F000] =	vst v63  }
0x1f9: {  	_ =	swait.ge [sflag:s30], $0x3E80  }
0x1fa: {  	[sflag:s30] =	ssyncset.done $0x0  }
0x1fb: {  	s18 =	simm.s32 $0x980;
	[sflag:s30] =	ssyncadd.s32 $0xFFFFC180  }
0x1fc: {  	[spmem:s2] =	stream.indirect.scatter.add.f32 [tilespmem:s25], [sflag:$0x4], $0x80, s18, s22, $0xb8;
	[tilespmem:$0x1F000] =	vst v63  }
0x1fd: {  	_ =	swait.ge [sflag:s20], $0x3E80  }
0x1fe: {  	[sflag:s20] =	ssyncset.done $0x0  }
0x1ff: {  	s24 =	simm.s32 $0x280;
	[sflag:s20] =	ssyncadd.s32 $0xFFFFC180  }
0x200: {  	[tilespmem:s25], [sflag:$0x2] =	stream.indirect.gather [hbm4b:s4+s22], $0x80, s24, s22, $0xb8;
	[tilespmem:$0x1F000] =	vst v63  }
0x201: {  	_ =	swait.ge [sflag:s28], $0x3E80  }
0x202: {  	[sflag:s28] =	ssyncset.done $0x0  }
0x203: {  	s1 =	simm.s32 $0xA00;
	[sflag:s28] =	ssyncadd.s32 $0xFFFFC180  }
0x204: {  	[spmem:s2] =	stream.indirect.scatter.add.f32 [tilespmem:s23], [sflag:$0x4], $0x80, s1, s22, $0xb8;
	[tilespmem:$0x1F000] =	vst v63  }
0x205: {  	_ =	swait.ge [sflag:s20], $0x3E80  }
0x206: {  	[sflag:s20] =	ssyncset.done $0x0  }
0x207: {  	s15 =	simm.s32 $0x300;
	[sflag:s20] =	ssyncadd.s32 $0xFFFFC180  }
0x208: {  	[tilespmem:s23], [sflag:$0x1] =	stream.indirect.gather [hbm4b:s4+s22], $0x80, s15, s22, $0xb8;
	[tilespmem:$0x1F000] =	vst v63  }
0x209: {  	_ =	swait.ge [sflag:s30], $0x3E80  }
0x20a: {  	[sflag:s30] =	ssyncset.done $0x0  }
0x20b: {  	s16 =	simm.s32 $0xA80;
	[sflag:s30] =	ssyncadd.s32 $0xFFFFC180  }
0x20c: {  	[spmem:s2] =	stream.indirect.scatter.add.f32 [tilespmem:s25], [sflag:$0x4], $0x80, s16, s22, $0xb8;
	[tilespmem:$0x1F000] =	vst v63  }
0x20d: {  	_ =	swait.ge [sflag:s20], $0x3E80  }
0x20e: {  	[sflag:s20] =	ssyncset.done $0x0  }
0x20f: {  	s17 =	simm.s32 $0x380;
	[sflag:s20] =	ssyncadd.s32 $0xFFFFC180  }
0x210: {  	[tilespmem:s25], [sflag:$0x2] =	stream.indirect.gather [hbm4b:s4+s22], $0x80, s17, s22, $0xb8;
	[tilespmem:$0x1F000] =	vst v63  }
0x211: {  	_ =	swait.ge [sflag:s28], $0x3E80  }
0x212: {  	[sflag:s28] =	ssyncset.done $0x0  }
0x213: {  	s18 =	simm.s32 $0xB00;
	[sflag:s28] =	ssyncadd.s32 $0xFFFFC180  }
0x214: {  	[spmem:s2] =	stream.indirect.scatter.add.f32 [tilespmem:s23], [sflag:$0x4], $0x80, s18, s22, $0xb8;
	[tilespmem:$0x1F000] =	vst v63  }
0x215: {  	_ =	swait.ge [sflag:s20], $0x3E80  }
0x216: {  	[sflag:s20] =	ssyncset.done $0x0  }
0x217: {  	s24 =	simm.s32 $0x400;
	[sflag:s20] =	ssyncadd.s32 $0xFFFFC180  }
0x218: {  	[tilespmem:s23], [sflag:$0x1] =	stream.indirect.gather [hbm4b:s4+s22], $0x80, s24, s22, $0xb8;
	[tilespmem:$0x1F000] =	vst v63  }
0x219: {  	_ =	swait.ge [sflag:s30], $0x3E80  }
0x21a: {  	[sflag:s30] =	ssyncset.done $0x0  }
0x21b: {  	s1 =	simm.s32 $0xB80;
	[sflag:s30] =	ssyncadd.s32 $0xFFFFC180  }
0x21c: {  	[spmem:s2] =	stream.indirect.scatter.add.f32 [tilespmem:s25], [sflag:$0x4], $0x80, s1, s22, $0xb8;
	[tilespmem:$0x1F000] =	vst v63  }
0x21d: {  	_ =	swait.ge [sflag:s20], $0x3E80  }
0x21e: {  	[sflag:s20] =	ssyncset.done $0x0  }
0x21f: {  	s15 =	simm.s32 $0x480;
	[sflag:s20] =	ssyncadd.s32 $0xFFFFC180  }
0x220: {  	[tilespmem:s25], [sflag:$0x2] =	stream.indirect.gather [hbm4b:s4+s22], $0x80, s15, s22, $0xb8;
	[tilespmem:$0x1F000] =	vst v63  }
0x221: {  	_ =	swait.ge [sflag:s28], $0x3E80  }
0x222: {  	[sflag:s28] =	ssyncset.done $0x0  }
0x223: {  	s16 =	simm.s32 $0xC00;
	[sflag:s28] =	ssyncadd.s32 $0xFFFFC180  }
0x224: {  	[spmem:s2] =	stream.indirect.scatter.add.f32 [tilespmem:s23], [sflag:$0x4], $0x80, s16, s22, $0xb8;
	[tilespmem:$0x1F000] =	vst v63  }
0x225: {  	_ =	swait.ge [sflag:s20], $0x3E80  }
0x226: {  	[sflag:s20] =	ssyncset.done $0x0  }
0x227: {  	s17 =	simm.s32 $0x500;
	[sflag:s20] =	ssyncadd.s32 $0xFFFFC180  }
0x228: {  	[tilespmem:s23], [sflag:$0x1] =	stream.indirect.gather [hbm4b:s4+s22], $0x80, s17, s22, $0xb8;
	[tilespmem:$0x1F000] =	vst v63  }
0x229: {  	_ =	swait.ge [sflag:s30], $0x3E80  }
0x22a: {  	[sflag:s30] =	ssyncset.done $0x0  }
0x22b: {  	s18 =	simm.s32 $0xC80;
	[sflag:s30] =	ssyncadd.s32 $0xFFFFC180  }
0x22c: {  	[spmem:s2] =	stream.indirect.scatter.add.f32 [tilespmem:s25], [sflag:$0x4], $0x80, s18, s22, $0xb8;
	[tilespmem:$0x1F000] =	vst v63  }
0x22d: {  	_ =	swait.ge [sflag:s20], $0x3E80  }
0x22e: {  	[sflag:s20] =	ssyncset.done $0x0  }
0x22f: {  	s24 =	simm.s32 $0x580;
	[sflag:s20] =	ssyncadd.s32 $0xFFFFC180  }
0x230: {  	[tilespmem:s25], [sflag:$0x2] =	stream.indirect.gather [hbm4b:s4+s22], $0x80, s24, s22, $0xb8;
	[tilespmem:$0x1F000] =	vst v63  }
0x231: {  	_ =	swait.ge [sflag:s28], $0x3E80  }
0x232: {  	[sflag:s28] =	ssyncset.done $0x0  }
0x233: {  	s1 =	simm.s32 $0xD00;
	[sflag:s28] =	ssyncadd.s32 $0xFFFFC180  }
0x234: {  	[spmem:s2] =	stream.indirect.scatter.add.f32 [tilespmem:s23], [sflag:$0x4], $0x80, s1, s22, $0xb8;
	[tilespmem:$0x1F000] =	vst v63  }
0x235: {  	_ =	swait.ge [sflag:s20], $0x3E80  }
0x236: {  	[sflag:s20] =	ssyncset.done $0x0  }
0x237: {  	s15 =	simm.s32 $0x600;
	[sflag:s20] =	ssyncadd.s32 $0xFFFFC180  }
0x238: {  	[tilespmem:s23], [sflag:$0x1] =	stream.indirect.gather [hbm4b:s4+s22], $0x80, s15, s22, $0xb8;
	[tilespmem:$0x1F000] =	vst v63  }
0x239: {  	_ =	swait.ge [sflag:s30], $0x3E80  }
0x23a: {  	[sflag:s30] =	ssyncset.done $0x0  }
0x23b: {  	s16 =	simm.s32 $0xD80;
	[sflag:s30] =	ssyncadd.s32 $0xFFFFC180  }
0x23c: {  	[spmem:s2] =	stream.indirect.scatter.add.f32 [tilespmem:s25], [sflag:$0x4], $0x80, s16, s22, $0xb8;
	[tilespmem:$0x1F000] =	vst v63  }
0x23d: {  	_ =	swait.ge [sflag:s20], $0x3E80  }
0x23e: {  	[sflag:s20] =	ssyncset.done $0x0  }
0x23f: {  	s17 =	simm.s32 $0x680;
	[sflag:s20] =	ssyncadd.s32 $0xFFFFC180  }
0x240: {  	[tilespmem:s25], [sflag:$0x2] =	stream.indirect.gather [hbm4b:s4+s22], $0x80, s17, s22, $0xb8;
	[tilespmem:$0x1F000] =	vst v63  }
0x241: {  	_ =	swait.ge [sflag:s28], $0x3E80  }
0x242: {  	[sflag:s28] =	ssyncset.done $0x0  }
0x243: {  	s18 =	simm.s32 $0xE00;
	[sflag:s28] =	ssyncadd.s32 $0xFFFFC180  }
0x244: {  	[spmem:s2] =	stream.indirect.scatter.add.f32 [tilespmem:s23], [sflag:$0x4], $0x80, s18, s22, $0xb8;
	[tilespmem:$0x1F000] =	vst v63  }
0x245: {  	_ =	swait.ge [sflag:s20], $0x3E80  }
0x246: {  	[sflag:s20] =	ssyncset.done $0x0  }
0x247: {  	s24 =	simm.s32 $0x700;
	[sflag:s20] =	ssyncadd.s32 $0xFFFFC180  }
0x248: {  	[tilespmem:s23], [sflag:$0x1] =	stream.indirect.gather [hbm4b:s4+s22], $0x80, s24, s22, $0xb8;
	[tilespmem:$0x1F000] =	vst v63  }
0x249: {  	_ =	swait.ge [sflag:s30], $0x3E80  }
0x24a: {  	[sflag:s30] =	ssyncset.done $0x0  }
0x24b: {  	s1 =	simm.s32 $0xE80;
	[sflag:s30] =	ssyncadd.s32 $0xFFFFC180  }
0x24c: {  	[spmem:s2] =	stream.indirect.scatter.add.f32 [tilespmem:s25], [sflag:$0x4], $0x80, s1, s22, $0xb8;
	[tilespmem:$0x1F000] =	vst v63  }
0x24d: {  	_ =	swait.ge [sflag:s20], $0x3E80  }
0x24e: {  	[sflag:s20] =	ssyncset.done $0x0  }
0x24f: {  	s15 =	simm.s32 $0x780;
	[sflag:s20] =	ssyncadd.s32 $0xFFFFC180  }
0x250: {  	[tilespmem:s25], [sflag:$0x2] =	stream.indirect.gather [hbm4b:s4+s22], $0x80, s15, s22, $0xb8;
	[tilespmem:$0x1F000] =	vst v63  }
0x251: {  	_ =	swait.ge [sflag:s28], $0x3E80  }
0x252: {  	[sflag:s28] =	ssyncset.done $0x0  }
0x253: {  	s16 =	simm.s32 $0xF00;
	[sflag:s28] =	ssyncadd.s32 $0xFFFFC180  }
0x254: {  	[spmem:s2] =	stream.indirect.scatter.add.f32 [tilespmem:s23], [sflag:$0x4], $0x80, s16, s22, $0xb8;
	[tilespmem:$0x1F000] =	vst v63  }
0x255: {  	_ =	swait.ge [sflag:s20], $0x3E80  }
0x256: {  	[sflag:s20] =	ssyncset.done $0x0  }
0x257: {  	[sflag:s20] =	ssyncadd.s32 $0xFFFFC180  }
0x258: {  	s18 =	stileid.u32;
	_ =	swait.ge [sflag:s30], $0x3E80  }
0x259: {  	s0 =	sshll.u32 s18, $0x6;
	[sflag:s30] =	ssyncset.done $0x0  }
0x25a: {  	s17 =	simm.s32 $0xF80;
	s0 =	sor.u32 $0x1C03, s0;
	[sflag:s30] =	ssyncadd.s32 $0xFFFFC180  }
0x25b: {  	[spmem:s2] =	stream.indirect.scatter.add.f32 [tilespmem:s25], [sflag:$0x4], $0x80, s17, s22, $0xb8;
	[tilespmem:$0x1F000] =	vst v63  }
0x25c: {  	s24 =	simm.s32 $0x1000;
	s15 =	smov.u32 s31;
	_ =	swait.ge [sflag:s20], $0x3E80  }
0x25d: {  	s31 =	sshrl.u32 s5, $0x3;
	[sflag:s20] =	ssyncset.done $0x0;
	s1 =	rddreg [dreg:$0x9]  }
0x25e: {  	s17 =	simm.s32 $0x200;
	s29 =	sadd.s32 $0x28000, s1;
	[sflag:s20] =	ssyncadd.s32 $0xFFFFC180  }
.LBB2_5:
0x25f: {  	s16 =	sadd.s32 s24, s19  }
0x260: {  	[bflag:$0x0] =	sbarrier.arrive $0xFFFF;
	s18 =	smov.u32 s24;
	s24 =	sadd.s32 $0x1000, s24  }
0x261: {  	[hbm:s1], [sflag:s0] =	dma.local [spmem:s31], $0x2800  }
0x262: {  	[tilespmem:s3], [sflag:$0x4] =	stream.linear.gather [hbm4b:s16+s3], $0x800, $0x38;
	[tilespmem:$0x1F000] =	vst v63  }
0x263: {  	p1 =	seq.s32 s24, $0x5000;
	s1 =	smov.u32 s29;
	_ =	swait.ge [sflag:s20], $0x800  }
0x264: {  	[sflag:s20] =	ssyncset.done $0x0  }
0x265: {  	s16 =	sadd.s32 s18, s15;
	[sflag:s20] =	ssyncadd.s32 $0xFFFFF800  }
0x266: {  	[tilespmem:s21], [sflag:$0x4] =	stream.linear.gather [hbm4b:s16+s3], $0x800, $0x38;
	[tilespmem:$0x1F000] =	vst v63  }
0x267: {  	_ =	swait.ge [sflag:s20], $0x800  }
0x268: {  	[sflag:s20] =	ssyncset.done $0x0  }
0x269: {  	[sflag:s20] =	ssyncadd.s32 $0xFFFFF800  }
0x26a: {  	[tilespmem:s23], [sflag:$0x1] =	stream.indirect.gather [hbm4b:s4+s22], $0x80, s3, s22, $0xb8;
	[tilespmem:$0x1F000] =	vst v63  }
0x26b: {  	p2 =	seq.s32 s18, $0x0;
	s16 =	simm.s32 $0x80  }
0x26c: {  	[tilespmem:s25], [sflag:$0x2] =	stream.indirect.gather [hbm4b:s4+s22], $0x80, s16, s22, $0xb8;
	[tilespmem:$0x1F000] =	vst v63  }
0x26d: {  	s16 =	simm.s32 @!p2 $0x3  }
0x26e: {  	_ =	swait.ge @!p2 [sflag:s16], $0x2800  }
0x26f: {  	[sflag:s16] =	ssyncset.done @!p2 $0x0  }
0x270: {  	[sflag:s16] =	ssyncadd.s32 @!p2 $0xFFFFD800  }
0x271: {  	[spmem:s5] =	stream.linear.scatter [tilespmem:s26], [sflag:$0x4], $0x2000, $0x38;
	[tilespmem:$0x1F000] =	vst v63  }
0x272: {  	_ =	swait.ge [sflag:s20], $0x2000  }
0x273: {  	[sflag:s20] =	ssyncset.done $0x0  }
0x274: {  	[sflag:s20] =	ssyncadd.s32 $0xFFFFE000  }
0x275: {  	[spmem:s6] =	stream.linear.scatter [tilespmem:s26], [sflag:$0x4], $0x2000, $0x38;
	[tilespmem:$0x1F000] =	vst v63  }
0x276: {  	_ =	swait.ge [sflag:s20], $0x2000  }
0x277: {  	[sflag:s20] =	ssyncset.done $0x0  }
0x278: {  	[sflag:s20] =	ssyncadd.s32 $0xFFFFE000  }
0x279: {  	[spmem:s7] =	stream.linear.scatter [tilespmem:s26], [sflag:$0x4], $0x2000, $0x38;
	[tilespmem:$0x1F000] =	vst v63  }
0x27a: {  	_ =	swait.ge [sflag:s20], $0x2000  }
0x27b: {  	[sflag:s20] =	ssyncset.done $0x0  }
0x27c: {  	[sflag:s20] =	ssyncadd.s32 $0xFFFFE000  }
0x27d: {  	[spmem:s8] =	stream.linear.scatter [tilespmem:s26], [sflag:$0x4], $0x2000, $0x38;
	[tilespmem:$0x1F000] =	vst v63  }
0x27e: {  	_ =	swait.ge [sflag:s20], $0x2000  }
0x27f: {  	[sflag:s20] =	ssyncset.done $0x0  }
0x280: {  	[sflag:s20] =	ssyncadd.s32 $0xFFFFE000  }
0x281: {  	[spmem:s9] =	stream.linear.scatter [tilespmem:s26], [sflag:$0x4], $0x2000, $0x38;
	[tilespmem:$0x1F000] =	vst v63  }
0x282: {  	_ =	swait.ge [sflag:s20], $0x2000  }
0x283: {  	[sflag:s20] =	ssyncset.done $0x0  }
0x284: {  	[sflag:s20] =	ssyncadd.s32 $0xFFFFE000  }
0x285: {  	[spmem:s10] =	stream.linear.scatter [tilespmem:s26], [sflag:$0x4], $0x2000, $0x38;
	[tilespmem:$0x1F000] =	vst v63  }
0x286: {  	_ =	swait.ge [sflag:s20], $0x2000  }
0x287: {  	[sflag:s20] =	ssyncset.done $0x0  }
0x288: {  	[sflag:s20] =	ssyncadd.s32 $0xFFFFE000  }
0x289: {  	[spmem:s11] =	stream.linear.scatter [tilespmem:s26], [sflag:$0x4], $0x2000, $0x38;
	[tilespmem:$0x1F000] =	vst v63  }
0x28a: {  	_ =	swait.ge [sflag:s20], $0x2000  }
0x28b: {  	[sflag:s20] =	ssyncset.done $0x0  }
0x28c: {  	[sflag:s20] =	ssyncadd.s32 $0xFFFFE000  }
0x28d: {  	[spmem:s12] =	stream.linear.scatter [tilespmem:s26], [sflag:$0x4], $0x2000, $0x38;
	[tilespmem:$0x1F000] =	vst v63  }
0x28e: {  	_ =	swait.ge [sflag:s20], $0x2000  }
0x28f: {  	[sflag:s20] =	ssyncset.done $0x0  }
0x290: {  	[sflag:s20] =	ssyncadd.s32 $0xFFFFE000  }
0x291: {  	[spmem:s13] =	stream.linear.scatter [tilespmem:s26], [sflag:$0x4], $0x2000, $0x38;
	[tilespmem:$0x1F000] =	vst v63  }
0x292: {  	_ =	swait.ge [sflag:s20], $0x2000  }
0x293: {  	[sflag:s20] =	ssyncset.done $0x0  }
0x294: {  	[sflag:s20] =	ssyncadd.s32 $0xFFFFE000  }
0x295: {  	[spmem:s14] =	stream.linear.scatter [tilespmem:s26], [sflag:$0x4], $0x2000, $0x38;
	[tilespmem:$0x1F000] =	vst v63  }
0x296: {  	_ =	swait.ge [sflag:s20], $0x2000  }
0x297: {  	[sflag:s20] =	ssyncset.done $0x0  }
0x298: {  	[sflag:s20] =	ssyncadd.s32 $0xFFFFE000  }
0x299: {  	[bflag:$0x0] =	sbarrier.arrive $0xFFFF  }
0x29a: {  	_ =	swait.ge [sflag:s28], $0x3E80  }
0x29b: {  	[sflag:s28] =	ssyncset.done $0x0  }
0x29c: {  	[sflag:s28] =	ssyncadd.s32 $0xFFFFC180  }
0x29d: {  	[spmem:s2] =	stream.indirect.scatter.add.f32 [tilespmem:s23], [sflag:$0x4], $0x80, s21, s22, $0xb8;
	[tilespmem:$0x1F000] =	vst v63  }
0x29e: {  	_ =	swait.ge [sflag:s20], $0x3E80  }
0x29f: {  	[sflag:s20] =	ssyncset.done $0x0  }
0x2a0: {  	s18 =	simm.s32 $0x100;
	[sflag:s20] =	ssyncadd.s32 $0xFFFFC180  }
0x2a1: {  	[tilespmem:s23], [sflag:$0x1] =	stream.indirect.gather [hbm4b:s4+s22], $0x80, s18, s22, $0xb8;
	[tilespmem:$0x1F000] =	vst v63  }
0x2a2: {  	_ =	swait.ge [sflag:s30], $0x3E80  }
0x2a3: {  	[sflag:s30] =	ssyncset.done $0x0  }
0x2a4: {  	s18 =	simm.s32 $0x880;
	[sflag:s30] =	ssyncadd.s32 $0xFFFFC180  }
0x2a5: {  	[spmem:s2] =	stream.indirect.scatter.add.f32 [tilespmem:s25], [sflag:$0x4], $0x80, s18, s22, $0xb8;
	[tilespmem:$0x1F000] =	vst v63  }
0x2a6: {  	_ =	swait.ge [sflag:s20], $0x3E80  }
0x2a7: {  	[sflag:s20] =	ssyncset.done $0x0  }
0x2a8: {  	s18 =	simm.s32 $0x180;
	[sflag:s20] =	ssyncadd.s32 $0xFFFFC180  }
0x2a9: {  	[tilespmem:s25], [sflag:$0x2] =	stream.indirect.gather [hbm4b:s4+s22], $0x80, s18, s22, $0xb8;
	[tilespmem:$0x1F000] =	vst v63  }
0x2aa: {  	_ =	swait.ge [sflag:s28], $0x3E80  }
0x2ab: {  	[sflag:s28] =	ssyncset.done $0x0  }
0x2ac: {  	s18 =	simm.s32 $0x900;
	[sflag:s28] =	ssyncadd.s32 $0xFFFFC180  }
0x2ad: {  	[spmem:s2] =	stream.indirect.scatter.add.f32 [tilespmem:s23], [sflag:$0x4], $0x80, s18, s22, $0xb8;
	[tilespmem:$0x1F000] =	vst v63  }
0x2ae: {  	_ =	swait.ge [sflag:s20], $0x3E80  }
0x2af: {  	[sflag:s20] =	ssyncset.done $0x0  }
0x2b0: {  	[sflag:s20] =	ssyncadd.s32 $0xFFFFC180  }
0x2b1: {  	[tilespmem:s23], [sflag:$0x1] =	stream.indirect.gather [hbm4b:s4+s22], $0x80, s17, s22, $0xb8;
	[tilespmem:$0x1F000] =	vst v63  }
0x2b2: {  	_ =	swait.ge [sflag:s30], $0x3E80  }
0x2b3: {  	[sflag:s30] =	ssyncset.done $0x0  }
0x2b4: {  	s18 =	simm.s32 $0x980;
	[sflag:s30] =	ssyncadd.s32 $0xFFFFC180  }
0x2b5: {  	[spmem:s2] =	stream.indirect.scatter.add.f32 [tilespmem:s25], [sflag:$0x4], $0x80, s18, s22, $0xb8;
	[tilespmem:$0x1F000] =	vst v63  }
0x2b6: {  	_ =	swait.ge [sflag:s20], $0x3E80  }
0x2b7: {  	[sflag:s20] =	ssyncset.done $0x0  }
0x2b8: {  	s18 =	simm.s32 $0x280;
	[sflag:s20] =	ssyncadd.s32 $0xFFFFC180  }
0x2b9: {  	[tilespmem:s25], [sflag:$0x2] =	stream.indirect.gather [hbm4b:s4+s22], $0x80, s18, s22, $0xb8;
	[tilespmem:$0x1F000] =	vst v63  }
0x2ba: {  	_ =	swait.ge [sflag:s28], $0x3E80  }
0x2bb: {  	[sflag:s28] =	ssyncset.done $0x0  }
0x2bc: {  	s18 =	simm.s32 $0xA00;
	[sflag:s28] =	ssyncadd.s32 $0xFFFFC180  }
0x2bd: {  	[spmem:s2] =	stream.indirect.scatter.add.f32 [tilespmem:s23], [sflag:$0x4], $0x80, s18, s22, $0xb8;
	[tilespmem:$0x1F000] =	vst v63  }
0x2be: {  	_ =	swait.ge [sflag:s20], $0x3E80  }
0x2bf: {  	[sflag:s20] =	ssyncset.done $0x0  }
0x2c0: {  	s18 =	simm.s32 $0x300;
	[sflag:s20] =	ssyncadd.s32 $0xFFFFC180  }
0x2c1: {  	[tilespmem:s23], [sflag:$0x1] =	stream.indirect.gather [hbm4b:s4+s22], $0x80, s18, s22, $0xb8;
	[tilespmem:$0x1F000] =	vst v63  }
0x2c2: {  	_ =	swait.ge [sflag:s30], $0x3E80  }
0x2c3: {  	[sflag:s30] =	ssyncset.done $0x0  }
0x2c4: {  	s18 =	simm.s32 $0xA80;
	[sflag:s30] =	ssyncadd.s32 $0xFFFFC180  }
0x2c5: {  	[spmem:s2] =	stream.indirect.scatter.add.f32 [tilespmem:s25], [sflag:$0x4], $0x80, s18, s22, $0xb8;
	[tilespmem:$0x1F000] =	vst v63  }
0x2c6: {  	_ =	swait.ge [sflag:s20], $0x3E80  }
0x2c7: {  	[sflag:s20] =	ssyncset.done $0x0  }
0x2c8: {  	s18 =	simm.s32 $0x380;
	[sflag:s20] =	ssyncadd.s32 $0xFFFFC180  }
0x2c9: {  	[tilespmem:s25], [sflag:$0x2] =	stream.indirect.gather [hbm4b:s4+s22], $0x80, s18, s22, $0xb8;
	[tilespmem:$0x1F000] =	vst v63  }
0x2ca: {  	_ =	swait.ge [sflag:s28], $0x3E80  }
0x2cb: {  	[sflag:s28] =	ssyncset.done $0x0  }
0x2cc: {  	s18 =	simm.s32 $0xB00;
	[sflag:s28] =	ssyncadd.s32 $0xFFFFC180  }
0x2cd: {  	[spmem:s2] =	stream.indirect.scatter.add.f32 [tilespmem:s23], [sflag:$0x4], $0x80, s18, s22, $0xb8;
	[tilespmem:$0x1F000] =	vst v63  }
0x2ce: {  	_ =	swait.ge [sflag:s20], $0x3E80  }
0x2cf: {  	[sflag:s20] =	ssyncset.done $0x0  }
0x2d0: {  	s18 =	simm.s32 $0x400;
	[sflag:s20] =	ssyncadd.s32 $0xFFFFC180  }
0x2d1: {  	[tilespmem:s23], [sflag:$0x1] =	stream.indirect.gather [hbm4b:s4+s22], $0x80, s18, s22, $0xb8;
	[tilespmem:$0x1F000] =	vst v63  }
0x2d2: {  	_ =	swait.ge [sflag:s30], $0x3E80  }
0x2d3: {  	[sflag:s30] =	ssyncset.done $0x0  }
0x2d4: {  	s18 =	simm.s32 $0xB80;
	[sflag:s30] =	ssyncadd.s32 $0xFFFFC180  }
0x2d5: {  	[spmem:s2] =	stream.indirect.scatter.add.f32 [tilespmem:s25], [sflag:$0x4], $0x80, s18, s22, $0xb8;
	[tilespmem:$0x1F000] =	vst v63  }
0x2d6: {  	_ =	swait.ge [sflag:s20], $0x3E80  }
0x2d7: {  	[sflag:s20] =	ssyncset.done $0x0  }
0x2d8: {  	s18 =	simm.s32 $0x480;
	[sflag:s20] =	ssyncadd.s32 $0xFFFFC180  }
0x2d9: {  	[tilespmem:s25], [sflag:$0x2] =	stream.indirect.gather [hbm4b:s4+s22], $0x80, s18, s22, $0xb8;
	[tilespmem:$0x1F000] =	vst v63  }
0x2da: {  	_ =	swait.ge [sflag:s28], $0x3E80  }
0x2db: {  	[sflag:s28] =	ssyncset.done $0x0  }
0x2dc: {  	s18 =	simm.s32 $0xC00;
	[sflag:s28] =	ssyncadd.s32 $0xFFFFC180  }
0x2dd: {  	[spmem:s2] =	stream.indirect.scatter.add.f32 [tilespmem:s23], [sflag:$0x4], $0x80, s18, s22, $0xb8;
	[tilespmem:$0x1F000] =	vst v63  }
0x2de: {  	_ =	swait.ge [sflag:s20], $0x3E80  }
0x2df: {  	[sflag:s20] =	ssyncset.done $0x0  }
0x2e0: {  	s18 =	simm.s32 $0x500;
	[sflag:s20] =	ssyncadd.s32 $0xFFFFC180  }
0x2e1: {  	[tilespmem:s23], [sflag:$0x1] =	stream.indirect.gather [hbm4b:s4+s22], $0x80, s18, s22, $0xb8;
	[tilespmem:$0x1F000] =	vst v63  }
0x2e2: {  	_ =	swait.ge [sflag:s30], $0x3E80  }
0x2e3: {  	[sflag:s30] =	ssyncset.done $0x0  }
0x2e4: {  	s18 =	simm.s32 $0xC80;
	[sflag:s30] =	ssyncadd.s32 $0xFFFFC180  }
0x2e5: {  	[spmem:s2] =	stream.indirect.scatter.add.f32 [tilespmem:s25], [sflag:$0x4], $0x80, s18, s22, $0xb8;
	[tilespmem:$0x1F000] =	vst v63  }
0x2e6: {  	_ =	swait.ge [sflag:s20], $0x3E80  }
0x2e7: {  	[sflag:s20] =	ssyncset.done $0x0  }
0x2e8: {  	s18 =	simm.s32 $0x580;
	[sflag:s20] =	ssyncadd.s32 $0xFFFFC180  }
0x2e9: {  	[tilespmem:s25], [sflag:$0x2] =	stream.indirect.gather [hbm4b:s4+s22], $0x80, s18, s22, $0xb8;
	[tilespmem:$0x1F000] =	vst v63  }
0x2ea: {  	_ =	swait.ge [sflag:s28], $0x3E80  }
0x2eb: {  	[sflag:s28] =	ssyncset.done $0x0  }
0x2ec: {  	s18 =	simm.s32 $0xD00;
	[sflag:s28] =	ssyncadd.s32 $0xFFFFC180  }
0x2ed: {  	[spmem:s2] =	stream.indirect.scatter.add.f32 [tilespmem:s23], [sflag:$0x4], $0x80, s18, s22, $0xb8;
	[tilespmem:$0x1F000] =	vst v63  }
0x2ee: {  	_ =	swait.ge [sflag:s20], $0x3E80  }
0x2ef: {  	[sflag:s20] =	ssyncset.done $0x0  }
0x2f0: {  	s18 =	simm.s32 $0x600;
	[sflag:s20] =	ssyncadd.s32 $0xFFFFC180  }
0x2f1: {  	[tilespmem:s23], [sflag:$0x1] =	stream.indirect.gather [hbm4b:s4+s22], $0x80, s18, s22, $0xb8;
	[tilespmem:$0x1F000] =	vst v63  }
0x2f2: {  	_ =	swait.ge [sflag:s30], $0x3E80  }
0x2f3: {  	[sflag:s30] =	ssyncset.done $0x0  }
0x2f4: {  	s18 =	simm.s32 $0xD80;
	[sflag:s30] =	ssyncadd.s32 $0xFFFFC180  }
0x2f5: {  	[spmem:s2] =	stream.indirect.scatter.add.f32 [tilespmem:s25], [sflag:$0x4], $0x80, s18, s22, $0xb8;
	[tilespmem:$0x1F000] =	vst v63  }
0x2f6: {  	_ =	swait.ge [sflag:s20], $0x3E80  }
0x2f7: {  	[sflag:s20] =	ssyncset.done $0x0  }
0x2f8: {  	s18 =	simm.s32 $0x680;
	[sflag:s20] =	ssyncadd.s32 $0xFFFFC180  }
0x2f9: {  	[tilespmem:s25], [sflag:$0x2] =	stream.indirect.gather [hbm4b:s4+s22], $0x80, s18, s22, $0xb8;
	[tilespmem:$0x1F000] =	vst v63  }
0x2fa: {  	_ =	swait.ge [sflag:s28], $0x3E80  }
0x2fb: {  	[sflag:s28] =	ssyncset.done $0x0  }
0x2fc: {  	s18 =	simm.s32 $0xE00;
	[sflag:s28] =	ssyncadd.s32 $0xFFFFC180  }
0x2fd: {  	[spmem:s2] =	stream.indirect.scatter.add.f32 [tilespmem:s23], [sflag:$0x4], $0x80, s18, s22, $0xb8;
	[tilespmem:$0x1F000] =	vst v63  }
0x2fe: {  	_ =	swait.ge [sflag:s20], $0x3E80  }
0x2ff: {  	[sflag:s20] =	ssyncset.done $0x0  }
0x300: {  	s18 =	simm.s32 $0x700;
	[sflag:s20] =	ssyncadd.s32 $0xFFFFC180  }
0x301: {  	[tilespmem:s23], [sflag:$0x1] =	stream.indirect.gather [hbm4b:s4+s22], $0x80, s18, s22, $0xb8;
	[tilespmem:$0x1F000] =	vst v63  }
0x302: {  	_ =	swait.ge [sflag:s30], $0x3E80  }
0x303: {  	[sflag:s30] =	ssyncset.done $0x0  }
0x304: {  	s18 =	simm.s32 $0xE80;
	[sflag:s30] =	ssyncadd.s32 $0xFFFFC180  }
0x305: {  	[spmem:s2] =	stream.indirect.scatter.add.f32 [tilespmem:s25], [sflag:$0x4], $0x80, s18, s22, $0xb8;
	[tilespmem:$0x1F000] =	vst v63  }
0x306: {  	_ =	swait.ge [sflag:s20], $0x3E80  }
0x307: {  	[sflag:s20] =	ssyncset.done $0x0  }
0x308: {  	s18 =	simm.s32 $0x780;
	[sflag:s20] =	ssyncadd.s32 $0xFFFFC180  }
0x309: {  	[tilespmem:s25], [sflag:$0x2] =	stream.indirect.gather [hbm4b:s4+s22], $0x80, s18, s22, $0xb8;
	[tilespmem:$0x1F000] =	vst v63  }
0x30a: {  	_ =	swait.ge [sflag:s28], $0x3E80  }
0x30b: {  	[sflag:s28] =	ssyncset.done $0x0  }
0x30c: {  	s18 =	simm.s32 $0xF00;
	[sflag:s28] =	ssyncadd.s32 $0xFFFFC180  }
0x30d: {  	[spmem:s2] =	stream.indirect.scatter.add.f32 [tilespmem:s23], [sflag:$0x4], $0x80, s18, s22, $0xb8;
	[tilespmem:$0x1F000] =	vst v63  }
0x30e: {  	_ =	swait.ge [sflag:s20], $0x3E80  }
0x30f: {  	[sflag:s20] =	ssyncset.done $0x0  }
0x310: {  	[sflag:s20] =	ssyncadd.s32 $0xFFFFC180  }
0x311: {  	_ =	swait.ge [sflag:s30], $0x3E80  }
0x312: {  	[sflag:s30] =	ssyncset.done $0x0  }
.Ltmp6:
0x313: {  	s18 =	simm.s32 $0xF80;
	[sflag:s30] =	ssyncadd.s32 $0xFFFFC180;
	(pc) =	sbr.rel @!p1 .LBB2_5-.Ltmp6, $4  }
0x314: {  	[spmem:s2] =	stream.indirect.scatter.add.f32 [tilespmem:s25], [sflag:$0x4], $0x80, s18, s22, $0xb8;
	[tilespmem:$0x1F000] =	vst v63  }
0x315: {  	_ =	swait.ge [sflag:s20], $0x3E80  }
0x316: {  	s29 =	sadd.s32 $0x28000, s29;
	[sflag:s20] =	ssyncset.done $0x0  }
0x317: {  	[sflag:s20] =	ssyncadd.s32 $0xFFFFC180  }
.Ltmp7:
0x318: {  	_ = 	snop;
	(pc) =	sbr.rel .LBB2_6-.Ltmp7, $1  }
0x319: {  	_ =	sdelay $0x3  }
.LBB2_11:
0x31a: {  	_ =	sfence.sel $0x180000  }
0x31b: {  	[bflag:$0x0] =	sbarrier.arrive $0xFFFF  }
0x31c: {  	_ =	strace $0x90000047  }
0x31d: {  	s0 =	stileid.u32;
	[bflag:$0x2] =	sbarrier.arrive $0xFFFF  }
0x31e: {  	p0 =	sne.s32 s0, $0x0;
	s0 =	rddreg [dreg:$0x4]  }
0x31f: {  	s0 =	sadd.s32 @!p0 $0x100000, s0  }
0x320: {  	[sflag:s0] =	ssyncadd.tile.s32 @!p0 $0x1;
	_ =	shalt  }
.Lfunc_end2:
_tile_overlayer_lowered:
.L_overlay_start_2:
0x321: {  	(tag) =	ssettag $0x2  }
0x322: {  	s0 =	rddreg [dreg:$0x0];
	s2 =	stileid.u32  }
0x323: {  	s1 =	rddreg [dreg:$0x1];
	p0 =	sne.s32 s2, $0x0  }
0x324: {  	s3 =	rddreg [dreg:$0x2];
	[bflag:$0x3] =	sbarrier.arrive $0xFFFF;
	s2 =	simm.s32 @!p0 $0x1C04  }
0x325: {  	[timem:s3], [sflag:s2] =	dma.local @!p0 [hbm:s0], s1  }
0x326: {  	s0 =	simm.s32 @!p0 $0x4  }
0x327: {  	_ =	swait.ge @!p0 [sflag:s0], s1  }
0x328: {  	s1 =	ssub.s32 @!p0 $0x0, s1;
	[sflag:s0] =	ssyncset.done @!p0 $0x0  }
0x329: {  	[sflag:s0] =	ssyncadd.s32 @!p0 s1  }
0x32a: {  	[bflag:$0x3] =	sbarrier.arrive $0xFFFF  }
0x32b: {  	_ =	shalt  }

</sc_bundles>
